<compile_context>
chip_gen: v7x
topology: tpu7x:2x2x1
jax: 0.10.2.dev20260603
libtpu: 0.0.44.dev20260713+nightly
codegen_flags: <defaults>
</compile_context>

<pallas_src>
import functools

import jax
import jax.numpy as jnp
from jax import lax
from jax.experimental import pallas as pl
from jax.experimental.pallas import tpu as pltpu
from jax.experimental.pallas import tpu_sc as plsc

NC = 2
NS = 16
NW = NC * NS
DEGW = 16
K = 128
CPT = 128
RBLK = 400


def _sc_mesh():
    return plsc.VectorSubcoreMesh(
        core_axis_name="c", subcore_axis_name="s",
        num_cores=NC, num_subcores=NS)


def _make_deg(n_pad, rpw):
    epw = rpw * K
    red = 1024
    nwr = n_pad // red
    assert n_pad % red == 0 and nwr <= NS

    @functools.partial(
        pl.kernel,
        out_type=jax.ShapeDtypeStruct((NC * n_pad,), jnp.float32),
        mesh=_sc_mesh(),
        compiler_params=pltpu.CompilerParams(needs_layout_passes=False),
        scratch_types=[
            pltpu.VMEM((epw,), jnp.int32),
            pltpu.VMEM((n_pad,), jnp.float32),
            pltpu.VMEM((NS, red), jnp.float32),
            pltpu.VMEM((red,), jnp.float32),
            pltpu.VMEM_SHARED((NS, n_pad), jnp.float32),
        ],
    )
    def deg_k(dst_hbm, out_hbm, didx, hist, vbuf, res, slab):
        cid = lax.axis_index("c")
        sid = lax.axis_index("s")
        wid = cid * NS + sid

        def fill_z(i, carry):
            hist[pl.ds(i * 16, 16)] = jnp.zeros((16,), jnp.float32)
            return carry
        lax.fori_loop(0, n_pad // 16, fill_z, 0)

        pltpu.sync_copy(dst_hbm.at[pl.ds(wid * epw, epw)], didx)
        ones16 = jnp.ones((16,), jnp.float32)

        def body(t, carry):
            for j in range(K // 16):
                ii = didx[pl.ds(t * K + j * 16, 16)]
                plsc.addupdate_scatter(hist, [ii], ones16)
            return carry
        lax.fori_loop(0, rpw, body, 0)

        pltpu.sync_copy(hist, slab.at[sid])
        plsc.subcore_barrier()

        @pl.when(sid < nwr)
        def _():
            pltpu.sync_copy(slab.at[:, pl.ds(sid * red, red)], vbuf)

            def rbody(c, carry):
                sl = pl.ds(c * 16, 16)
                acc = vbuf[0, sl]
                for r in range(1, NS):
                    acc = acc + vbuf[r, sl]
                res[sl] = acc
                return carry
            lax.fori_loop(0, red // 16, rbody, 0)
            pltpu.sync_copy(res, out_hbm.at[pl.ds(cid * n_pad + sid * red, red)])

    return deg_k


def _make_spmm(n_pad, d, rpw):
    npt = n_pad // NS
    b0 = rpw + 48
    b1 = 2 * rpw - b0
    assert b0 % 2 == 1 and b1 % 2 == 1 and b1 >= 3

    @functools.partial(
        pl.kernel,
        out_type=jax.ShapeDtypeStruct((NC, n_pad, d), jnp.float32),
        mesh=_sc_mesh(),
        scratch_types=[
            pltpu.VMEM((K,), jnp.int32),
            pltpu.VMEM((K,), jnp.int32),
            pltpu.VMEM((K,), jnp.int32),
            pltpu.VMEM((K,), jnp.int32),
            pltpu.VMEM((K,), jnp.int32),
            pltpu.VMEM((K, d), jnp.float32),
            pltpu.VMEM((K, d), jnp.float32),
            pltpu.VMEM_SHARED((n_pad, d), jnp.float32),
            pltpu.SemaphoreType.DMA,
            pltpu.SemaphoreType.DMA,
            pltpu.SemaphoreType.DMA,
            pltpu.SemaphoreType.DMA,
            pltpu.SemaphoreType.DMA,
            pltpu.SemaphoreType.DMA,
        ],
    )
    def spmm_k(src_hbm, dst_hbm, xp_hbm, out_hbm,
               sbuf0, sbuf1, dbuf0, dbuf1, sdbuf, rows0, rows1, acc,
               semG, semLs0, semLs1, semLd0, semLd1, semS):
        cid = lax.axis_index("c")
        sid = lax.axis_index("s")
        r0 = sid * npt
        nb = jnp.where(cid == 0, b0, b1)
        e0 = cid * (NS * b0 * K) + sid * nb * K

        sl0 = pl.ds(r0, npt)
        pltpu.sync_copy(xp_hbm.at[sl0, :], acc.at[sl0, :])
        plsc.subcore_barrier()

        sbufs = (sbuf0, sbuf1)
        dbufs = (dbuf0, dbuf1)
        rows = (rows0, rows1)
        semLs = (semLs0, semLs1)
        semLd = (semLd0, semLd1)

        def eslice(t):
            return pl.ds(e0 + t * K, K)

        def startL(t, p):
            pltpu.async_copy(src_hbm.at[eslice(t)], sbufs[p], semLs[p])
            pltpu.async_copy(dst_hbm.at[eslice(t)], dbufs[p], semLd[p])

        def startG(p):
            pltpu.async_copy(xp_hbm.at[sbufs[p]], rows[p], semG)

        def startS(p):
            for i in range(K // 16):
                sdbuf[pl.ds(i * 16, 16)] = dbufs[p][pl.ds(i * 16, 16)]
            pltpu.async_copy(rows[p], acc.at[sdbuf], semS, add=True)

        def waitL_s(p):
            pltpu.make_async_copy(src_hbm.at[pl.ds(0, K)], sbufs[p],
                                  semLs[p]).wait()

        def waitL_d(p):
            pltpu.make_async_copy(dst_hbm.at[pl.ds(0, K)], dbufs[p],
                                  semLd[p]).wait()

        def waitG(p):
            pltpu.make_async_copy(xp_hbm.at[sbufs[p]], rows[p], semG).wait()

        def waitS(p):
            pltpu.make_async_copy(rows[p], acc.at[sdbuf], semS).wait()

        startL(0, 0)
        waitL_s(0)
        startG(0)
        startL(1, 1)

        def slot(t, p, first):
            waitG(p)
            waitL_s(1 - p)
            if not first:
                waitS(1 - p)
            startG(1 - p)
            waitL_d(p)
            startS(p)

            @pl.when(t + 2 < nb)
            def _():
                startL(t + 2, p)

        slot(0, 0, True)
        slot(1, 1, False)

        def body(u, carry):
            t = 2 * u
            slot(t, 0, False)
            slot(t + 1, 1, False)
            return carry
        lax.fori_loop(1, nb // 2, body, 0)

        waitG(0)
        waitS(1)
        waitL_d(0)
        startS(0)
        waitS(0)
        plsc.subcore_barrier()
        pltpu.sync_copy(acc.at[sl0, :], out_hbm.at[cid, sl0, :])

    return spmm_k


def _prep(deg_col, x, n_pad):
    n, din = x.shape
    grid = (n // RBLK,)

    def body(deg_ref, x_ref, dis_ref, xp_ref):
        dis = lax.rsqrt(deg_ref[...] + 1.0)
        dis_ref[...] = dis
        xp_ref[...] = x_ref[...] * dis

    return pl.pallas_call(
        body,
        grid=grid,
        in_specs=[
            pl.BlockSpec((RBLK, 1), lambda i: (i, 0)),
            pl.BlockSpec((RBLK, din), lambda i: (i, 0)),
        ],
        out_specs=[
            pl.BlockSpec((RBLK, 1), lambda i: (i, 0)),
            pl.BlockSpec((RBLK, din), lambda i: (i, 0)),
        ],
        out_shape=[
            jax.ShapeDtypeStruct((n, 1), jnp.float32),
            jax.ShapeDtypeStruct((n_pad, din), jnp.float32),
        ],
    )(deg_col, x)


def _mid(a, xp, dis, W1, b1, W2, n_pad):
    n = dis.shape[0]
    din = xp.shape[1]
    dh = W1.shape[1]
    dout = W2.shape[1]
    grid = (n // RBLK,)

    def body(a_ref, xp_ref, dis_ref, w1_ref, b1_ref, w2_ref, gp_ref):
        dis_v = dis_ref[...]
        y1 = (a_ref[0] + a_ref[1] - xp_ref[...]) * dis_v
        h = jnp.dot(y1, w1_ref[...], preferred_element_type=jnp.float32)
        h = jnp.maximum(h + b1_ref[...], 0.0)
        g = jnp.dot(h, w2_ref[...], preferred_element_type=jnp.float32)
        gp_ref[...] = g * dis_v

    return pl.pallas_call(
        body,
        grid=grid,
        in_specs=[
            pl.BlockSpec((NC, RBLK, din), lambda i: (0, i, 0)),
            pl.BlockSpec((RBLK, din), lambda i: (i, 0)),
            pl.BlockSpec((RBLK, 1), lambda i: (i, 0)),
            pl.BlockSpec((din, dh), lambda i: (0, 0)),
            pl.BlockSpec((1, dh), lambda i: (0, 0)),
            pl.BlockSpec((dh, dout), lambda i: (0, 0)),
        ],
        out_specs=pl.BlockSpec((RBLK, dout), lambda i: (i, 0)),
        out_shape=jax.ShapeDtypeStruct((n_pad, dout), jnp.float32),
    )(a, xp, dis, W1, b1, W2)


def _final(a, gp, dis, b2):
    n = dis.shape[0]
    dout = gp.shape[1]
    grid = (n // RBLK,)

    def body(a_ref, gp_ref, dis_ref, b2_ref, out_ref):
        y = (a_ref[0] + a_ref[1] - gp_ref[...]) * dis_ref[...]
        out_ref[...] = jnp.maximum(y + b2_ref[...], 0.0)

    return pl.pallas_call(
        body,
        grid=grid,
        in_specs=[
            pl.BlockSpec((NC, RBLK, dout), lambda i: (0, i, 0)),
            pl.BlockSpec((RBLK, dout), lambda i: (i, 0)),
            pl.BlockSpec((RBLK, 1), lambda i: (i, 0)),
            pl.BlockSpec((1, dout), lambda i: (0, 0)),
        ],
        out_specs=pl.BlockSpec((RBLK, dout), lambda i: (i, 0)),
        out_shape=jax.ShapeDtypeStruct((n, dout), jnp.float32),
    )(a, gp, dis, b2)


def kernel(x, edge_index, W1, b1, W2, b2):
    n, din = x.shape
    e = edge_index.shape[1]
    quant = NS * CPT
    n_pad = ((n + quant - 1) // quant) * quant
    equant = NW * K
    e_pad = ((e + equant - 1) // equant) * equant
    rpw = e_pad // equant
    assert n % RBLK == 0 and n_pad > n

    pad = e_pad - e
    srcp = jnp.concatenate(
        [edge_index[0], jnp.zeros((pad,), edge_index.dtype)])
    dstp = jnp.concatenate(
        [edge_index[1], jnp.full((pad,), n, edge_index.dtype)])
    deg_k = _make_deg(n_pad, rpw)
    spmm_k = _make_spmm(n_pad, din, rpw)

    degp = deg_k(dstp)
    deg_col = (degp[:n_pad] + degp[n_pad:]).reshape(n_pad, 1)
    dis, xp = _prep(deg_col, x, n_pad)
    a1 = spmm_k(srcp, dstp, xp)
    gp = _mid(a1, xp, dis, W1, b1.reshape(1, -1), W2, n_pad)
    a2 = spmm_k(srcp, dstp, gp)
    return _final(a2, gp, dis, b2.reshape(1, -1))

# --- scband reference (transcript-rebuilt; emitter-appended) ---
"""Pipeline reference for scband-decoder-12489764897128 (READ-ONLY COPY).

The authoritative reference and input builder live on the scoring server;
editing this copy changes nothing except your own understanding.
"""

import jax, jax.numpy as jnp
import numpy as np

N = 10000
E = 320000
D_IN = 128
D_HID = 256  # 2 * out_channels
D_OUT = 128


def gcn_conv(x, edge_index, W, b):
    # Faithful GCNConv: add self-loops, symmetric normalization, linear, scatter-add, bias
    n = x.shape[0]
    loop = jnp.arange(n, dtype=edge_index.dtype)
    src = jnp.concatenate([edge_index[0], loop])
    dst = jnp.concatenate([edge_index[1], loop])
    deg = jnp.zeros((n,), dtype=x.dtype).at[dst].add(1.0)
    deg_inv_sqrt = jnp.where(deg > 0, deg ** -0.5, 0.0)
    norm = deg_inv_sqrt[src] * deg_inv_sqrt[dst]
    h = x @ W
    msg = h[src] * norm[:, None]
    out = jnp.zeros((n, W.shape[1]), dtype=x.dtype).at[dst].add(msg)
    return out + b


def setup_inputs(seed: int = 0) -> dict:
    key = jax.random.key(seed)
    k1, k2, k3, k4, k5, k6 = jax.random.split(key, 6)
    x = jax.random.normal(k1, (N, D_IN), dtype=jnp.float32)
    edge_index = jax.random.randint(k2, (2, E), 0, N, dtype=jnp.int32)
    W1 = jax.random.normal(k3, (D_IN, D_HID), dtype=jnp.float32) * (1.0 / np.sqrt(D_IN))
    b1 = jnp.zeros((D_HID,), dtype=jnp.float32)
    W2 = jax.random.normal(k4, (D_HID, D_OUT), dtype=jnp.float32) * (1.0 / np.sqrt(D_HID))
    b2 = jnp.zeros((D_OUT,), dtype=jnp.float32)
    return {"x": x, "edge_index": edge_index, "W1": W1, "b1": b1, "W2": W2, "b2": b2}


def reference(x, edge_index, W1, b1, W2, b2):
    # Decoder.forward with k=2: activation(conv_i(x, edge_index)) applied sequentially
    h = jax.nn.relu(gcn_conv(x, edge_index, W1, b1))
    out = jax.nn.relu(gcn_conv(h, edge_index, W2, b2))
    return out

if __name__ == "__main__":
    import jax
    _d = setup_inputs()
    print(jax.jit(kernel)(*tuple(_d.values())))

</pallas_src>

<mosaic_0001>
#map = affine_map<(d0, d1) -> (0)>
#map1 = affine_map<(d0, d1) -> (0, 0)>
#map2 = affine_map<(d0, d1) -> (0, 0, 0)>
module attributes {stable_mosaic.version = 14 : i64} {
  func.func @spmm_k(%arg0: i32, %arg1: i32, %arg2: memref<323584xi32, #tpu.memory_space<hbm>>, %arg3: memref<323584xi32, #tpu.memory_space<hbm>>, %arg4: memref<10240x128xf32, #tpu.memory_space<hbm>>, %arg5: memref<2x10240x128xf32, #tpu.memory_space<hbm>>, %arg6: memref<128xi32, #tpu.memory_space<vmem>>, %arg7: memref<128xi32, #tpu.memory_space<vmem>>, %arg8: memref<128xi32, #tpu.memory_space<vmem>>, %arg9: memref<128xi32, #tpu.memory_space<vmem>>, %arg10: memref<128xi32, #tpu.memory_space<vmem>>, %arg11: memref<128x128xf32, #tpu.memory_space<vmem>>, %arg12: memref<128x128xf32, #tpu.memory_space<vmem>>, %arg13: memref<10240x128xf32, #tpu.memory_space<vmem_shared>>, %arg14: memref<!tpu.dma_semaphore, #tpu.memory_space<semaphore_mem>>, %arg15: memref<!tpu.dma_semaphore, #tpu.memory_space<semaphore_mem>>, %arg16: memref<!tpu.dma_semaphore, #tpu.memory_space<semaphore_mem>>, %arg17: memref<!tpu.dma_semaphore, #tpu.memory_space<semaphore_mem>>, %arg18: memref<!tpu.dma_semaphore, #tpu.memory_space<semaphore_mem>>, %arg19: memref<!tpu.dma_semaphore, #tpu.memory_space<semaphore_mem>>) attributes {dimension_semantics = [#tpu.dimension_semantics<core_parallel>, #tpu.dimension_semantics<subcore_parallel>], iteration_bounds = array<i64: 2, 16>, scalar_prefetch = 0 : i64, scratch_operands = 14 : i64, tpu.core_type = #tpu.core_type<sc_vector_subcore>, window_params = [{transform_indices = #map}, {transform_indices = #map}, {transform_indices = #map1}, {transform_indices = #map2}]} {
    %mul3A = arith.constant 640 : i32
    %mul3A_0 = arith.muli %arg1, %mul3A : i32
    %eq3A = arith.constant 0 : i32
    %eq3A_1 = arith.cmpi eq, %arg0, %eq3A : i32
    %jit3A = arith.constant 127 : i32
    %jit3A_2 = arith.constant 31 : i32
    %select_n3A = arith.select %eq3A_1, %jit3A, %jit3A_2 : i32
    %mul3A_3 = arith.constant 260096 : i32
    %mul3A_4 = arith.muli %arg0, %mul3A_3 : i32
    %mul3A_5 = arith.muli %arg1, %select_n3A : i32
    %mul3A_6 = arith.constant 128 : i32
    %mul3A_7 = arith.muli %mul3A_5, %mul3A_6 : i32
    %add3A = arith.addi %mul3A_4, %mul3A_7 : i32
    "tpu.region"() ({
      %run_scoped3A = tpu.sem_alloc : memref<!tpu.dma_semaphore, #tpu.memory_space<semaphore_mem>>
      %dma_start3A_283 = arith.constant 0 : i32
      %dma_start3A_284 = tpu.memref_slice %arg13[%mul3A_0, %dma_start3A_283] : memref<10240x128xf32, #tpu.memory_space<vmem_shared>> -> memref<640x128xf32, #tpu.memory_space<vmem_shared>>
      %dma_start3A_285 = arith.constant 0 : i32
      %dma_start3A_286 = tpu.memref_slice %arg4[%mul3A_0, %dma_start3A_285] : memref<10240x128xf32, #tpu.memory_space<hbm>> -> memref<640x128xf32, #tpu.memory_space<hbm>>
      tpu.enqueue_dma source(%dma_start3A_286 : memref<640x128xf32, #tpu.memory_space<hbm>>) target(%dma_start3A_284 : memref<640x128xf32, #tpu.memory_space<vmem_shared>>) target_semaphore(%run_scoped3A : memref<!tpu.dma_semaphore, #tpu.memory_space<semaphore_mem>>)
      %dma_wait3A_287 = arith.constant 0 : i32
      %dma_wait3A_288 = tpu.memref_slice %arg13[%mul3A_0, %dma_wait3A_287] : memref<10240x128xf32, #tpu.memory_space<vmem_shared>> -> memref<640x128xf32, #tpu.memory_space<vmem_shared>>
      %dma_wait3A_289 = arith.constant 0 : i32
      %dma_wait3A_290 = tpu.memref_slice %arg4[%mul3A_0, %dma_wait3A_289] : memref<10240x128xf32, #tpu.memory_space<hbm>> -> memref<640x128xf32, #tpu.memory_space<hbm>>
      tpu.wait_dma2 semaphore(%run_scoped3A : memref<!tpu.dma_semaphore, #tpu.memory_space<semaphore_mem>>) src(%dma_wait3A_290 : memref<640x128xf32, #tpu.memory_space<hbm>>) dst(%dma_wait3A_288 : memref<640x128xf32, #tpu.memory_space<vmem_shared>>)
      tpu.yield
    }) : () -> ()
    %barrier3A = arith.constant 0 : index
    tpu.barrier barrier_id(%barrier3A)
    %add3A_8 = arith.constant 0 : i32
    %add3A_9 = arith.addi %add3A, %add3A_8 : i32
    %dma_start3A = tpu.memref_slice %arg2[%add3A_9] : memref<323584xi32, #tpu.memory_space<hbm>> -> memref<128xi32, #tpu.memory_space<hbm>>
    %dma_start3A_10 = tpu.memref_slice %arg2[%add3A_9] : memref<323584xi32, #tpu.memory_space<hbm>> -> memref<128xi32, #tpu.memory_space<hbm>>
    tpu.enqueue_dma source(%dma_start3A_10 : memref<128xi32, #tpu.memory_space<hbm>>) target(%arg6 : memref<128xi32, #tpu.memory_space<vmem>>) target_semaphore(%arg15 : memref<!tpu.dma_semaphore, #tpu.memory_space<semaphore_mem>>)
    %add3A_11 = arith.constant 0 : i32
    %add3A_12 = arith.addi %add3A, %add3A_11 : i32
    %dma_start3A_13 = tpu.memref_slice %arg3[%add3A_12] : memref<323584xi32, #tpu.memory_space<hbm>> -> memref<128xi32, #tpu.memory_space<hbm>>
    %dma_start3A_14 = tpu.memref_slice %arg3[%add3A_12] : memref<323584xi32, #tpu.memory_space<hbm>> -> memref<128xi32, #tpu.memory_space<hbm>>
    tpu.enqueue_dma source(%dma_start3A_14 : memref<128xi32, #tpu.memory_space<hbm>>) target(%arg8 : memref<128xi32, #tpu.memory_space<vmem>>) target_semaphore(%arg17 : memref<!tpu.dma_semaphore, #tpu.memory_space<semaphore_mem>>)
    %dma_wait3A = arith.constant 0 : i32
    %dma_wait3A_15 = tpu.memref_slice %arg2[%dma_wait3A] : memref<323584xi32, #tpu.memory_space<hbm>> -> memref<128xi32, #tpu.memory_space<hbm>>
    %dma_wait3A_16 = arith.constant 0 : i32
    %dma_wait3A_17 = tpu.memref_slice %arg2[%dma_wait3A_16] : memref<323584xi32, #tpu.memory_space<hbm>> -> memref<128xi32, #tpu.memory_space<hbm>>
    tpu.wait_dma2 semaphore(%arg15 : memref<!tpu.dma_semaphore, #tpu.memory_space<semaphore_mem>>) src(%dma_wait3A_17 : memref<128xi32, #tpu.memory_space<hbm>>) dst(%arg6 : memref<128xi32, #tpu.memory_space<vmem>>)
    %dma_start3A_18 = arith.constant 0 : i32
    %dma_start3A_19 = arith.constant 0 : i32
    %dma_start3A_20 = tpu.memref_slice %arg4[%dma_start3A_18, %dma_start3A_19] : memref<10240x128xf32, #tpu.memory_space<hbm>> -> memref<10240x128xf32, #tpu.memory_space<hbm>>
    tpu.enqueue_indirect_dma source(%dma_start3A_20 : memref<10240x128xf32, #tpu.memory_space<hbm>>) target(%arg11 : memref<128x128xf32, #tpu.memory_space<vmem>>) offsets(%arg6 : memref<128xi32, #tpu.memory_space<vmem>>) semaphore(%arg14 : memref<!tpu.dma_semaphore, #tpu.memory_space<semaphore_mem>>)
    %add3A_21 = arith.constant 128 : i32
    %add3A_22 = arith.addi %add3A, %add3A_21 : i32
    %dma_start3A_23 = tpu.memref_slice %arg2[%add3A_22] : memref<323584xi32, #tpu.memory_space<hbm>> -> memref<128xi32, #tpu.memory_space<hbm>>
    %dma_start3A_24 = tpu.memref_slice %arg2[%add3A_22] : memref<323584xi32, #tpu.memory_space<hbm>> -> memref<128xi32, #tpu.memory_space<hbm>>
    tpu.enqueue_dma source(%dma_start3A_24 : memref<128xi32, #tpu.memory_space<hbm>>) target(%arg7 : memref<128xi32, #tpu.memory_space<vmem>>) target_semaphore(%arg16 : memref<!tpu.dma_semaphore, #tpu.memory_space<semaphore_mem>>)
    %add3A_25 = arith.constant 128 : i32
    %add3A_26 = arith.addi %add3A, %add3A_25 : i32
    %dma_start3A_27 = tpu.memref_slice %arg3[%add3A_26] : memref<323584xi32, #tpu.memory_space<hbm>> -> memref<128xi32, #tpu.memory_space<hbm>>
    %dma_start3A_28 = tpu.memref_slice %arg3[%add3A_26] : memref<323584xi32, #tpu.memory_space<hbm>> -> memref<128xi32, #tpu.memory_space<hbm>>
    tpu.enqueue_dma source(%dma_start3A_28 : memref<128xi32, #tpu.memory_space<hbm>>) target(%arg9 : memref<128xi32, #tpu.memory_space<vmem>>) target_semaphore(%arg18 : memref<!tpu.dma_semaphore, #tpu.memory_space<semaphore_mem>>)
    %dma_wait3A_29 = arith.constant 0 : i32
    %dma_wait3A_30 = arith.constant 0 : i32
    %dma_wait3A_31 = tpu.memref_slice %arg4[%dma_wait3A_29, %dma_wait3A_30] : memref<10240x128xf32, #tpu.memory_space<hbm>> -> memref<10240x128xf32, #tpu.memory_space<hbm>>
    tpu.wait_indirect_dma semaphore(%arg14 : memref<!tpu.dma_semaphore, #tpu.memory_space<semaphore_mem>>) src(%dma_wait3A_31 : memref<10240x128xf32, #tpu.memory_space<hbm>>) dst(%arg11 : memref<128x128xf32, #tpu.memory_space<vmem>>)
    %dma_wait3A_32 = arith.constant 0 : i32
    %dma_wait3A_33 = tpu.memref_slice %arg2[%dma_wait3A_32] : memref<323584xi32, #tpu.memory_space<hbm>> -> memref<128xi32, #tpu.memory_space<hbm>>
    %dma_wait3A_34 = arith.constant 0 : i32
    %dma_wait3A_35 = tpu.memref_slice %arg2[%dma_wait3A_34] : memref<323584xi32, #tpu.memory_space<hbm>> -> memref<128xi32, #tpu.memory_space<hbm>>
    tpu.wait_dma2 semaphore(%arg16 : memref<!tpu.dma_semaphore, #tpu.memory_space<semaphore_mem>>) src(%dma_wait3A_35 : memref<128xi32, #tpu.memory_space<hbm>>) dst(%arg7 : memref<128xi32, #tpu.memory_space<vmem>>)
    %dma_start3A_36 = arith.constant 0 : i32
    %dma_start3A_37 = arith.constant 0 : i32
    %dma_start3A_38 = tpu.memref_slice %arg4[%dma_start3A_36, %dma_start3A_37] : memref<10240x128xf32, #tpu.memory_space<hbm>> -> memref<10240x128xf32, #tpu.memory_space<hbm>>
    tpu.enqueue_indirect_dma source(%dma_start3A_38 : memref<10240x128xf32, #tpu.memory_space<hbm>>) target(%arg12 : memref<128x128xf32, #tpu.memory_space<vmem>>) offsets(%arg7 : memref<128xi32, #tpu.memory_space<vmem>>) semaphore(%arg14 : memref<!tpu.dma_semaphore, #tpu.memory_space<semaphore_mem>>)
    %dma_wait3A_39 = arith.constant 0 : i32
    %dma_wait3A_40 = tpu.memref_slice %arg3[%dma_wait3A_39] : memref<323584xi32, #tpu.memory_space<hbm>> -> memref<128xi32, #tpu.memory_space<hbm>>
    %dma_wait3A_41 = arith.constant 0 : i32
    %dma_wait3A_42 = tpu.memref_slice %arg3[%dma_wait3A_41] : memref<323584xi32, #tpu.memory_space<hbm>> -> memref<128xi32, #tpu.memory_space<hbm>>
    tpu.wait_dma2 semaphore(%arg17 : memref<!tpu.dma_semaphore, #tpu.memory_space<semaphore_mem>>) src(%dma_wait3A_42 : memref<128xi32, #tpu.memory_space<hbm>>) dst(%arg8 : memref<128xi32, #tpu.memory_space<vmem>>)
    %get3A = arith.constant 0 : index
    %get3A_43 = tpu.vector_load %arg8[%get3A] {strides = array<i32>} : memref<128xi32, #tpu.memory_space<vmem>>, vector<16xi32>,
    %get3A_44 = vector.shape_cast %get3A_43 : vector<16xi32> to vector<16xi32>
    %swap3A = arith.constant 0 : index
    %swap3A_45 = tpu.vector_load %arg10[%swap3A] {strides = array<i32>} : memref<128xi32, #tpu.memory_space<vmem>>, vector<16xi32>,
    %swap3A_46 = vector.shape_cast %swap3A_45 : vector<16xi32> to vector<16xi32>
    %swap3A_47 = vector.shape_cast %get3A_44 : vector<16xi32> to vector<16xi32>
    tpu.vector_store %arg10[%swap3A], %swap3A_47 {strides = array<i32>} : memref<128xi32, #tpu.memory_space<vmem>>, vector<16xi32>,
    %get3A_48 = arith.constant 16 : index
    %get3A_49 = tpu.vector_load %arg8[%get3A_48] {strides = array<i32>} : memref<128xi32, #tpu.memory_space<vmem>>, vector<16xi32>,
    %get3A_50 = vector.shape_cast %get3A_49 : vector<16xi32> to vector<16xi32>
    %swap3A_51 = arith.constant 16 : index
    %swap3A_52 = tpu.vector_load %arg10[%swap3A_51] {strides = array<i32>} : memref<128xi32, #tpu.memory_space<vmem>>, vector<16xi32>,
    %swap3A_53 = vector.shape_cast %swap3A_52 : vector<16xi32> to vector<16xi32>
    %swap3A_54 = vector.shape_cast %get3A_50 : vector<16xi32> to vector<16xi32>
    tpu.vector_store %arg10[%swap3A_51], %swap3A_54 {strides = array<i32>} : memref<128xi32, #tpu.memory_space<vmem>>, vector<16xi32>,
    %get3A_55 = arith.constant 32 : index
    %get3A_56 = tpu.vector_load %arg8[%get3A_55] {strides = array<i32>} : memref<128xi32, #tpu.memory_space<vmem>>, vector<16xi32>,
    %get3A_57 = vector.shape_cast %get3A_56 : vector<16xi32> to vector<16xi32>
    %swap3A_58 = arith.constant 32 : index
    %swap3A_59 = tpu.vector_load %arg10[%swap3A_58] {strides = array<i32>} : memref<128xi32, #tpu.memory_space<vmem>>, vector<16xi32>,
    %swap3A_60 = vector.shape_cast %swap3A_59 : vector<16xi32> to vector<16xi32>
    %swap3A_61 = vector.shape_cast %get3A_57 : vector<16xi32> to vector<16xi32>
    tpu.vector_store %arg10[%swap3A_58], %swap3A_61 {strides = array<i32>} : memref<128xi32, #tpu.memory_space<vmem>>, vector<16xi32>,
    %get3A_62 = arith.constant 48 : index
    %get3A_63 = tpu.vector_load %arg8[%get3A_62] {strides = array<i32>} : memref<128xi32, #tpu.memory_space<vmem>>, vector<16xi32>,
    %get3A_64 = vector.shape_cast %get3A_63 : vector<16xi32> to vector<16xi32>
    %swap3A_65 = arith.constant 48 : index
    %swap3A_66 = tpu.vector_load %arg10[%swap3A_65] {strides = array<i32>} : memref<128xi32, #tpu.memory_space<vmem>>, vector<16xi32>,
    %swap3A_67 = vector.shape_cast %swap3A_66 : vector<16xi32> to vector<16xi32>
    %swap3A_68 = vector.shape_cast %get3A_64 : vector<16xi32> to vector<16xi32>
    tpu.vector_store %arg10[%swap3A_65], %swap3A_68 {strides = array<i32>} : memref<128xi32, #tpu.memory_space<vmem>>, vector<16xi32>,
    %get3A_69 = arith.constant 64 : index
    %get3A_70 = tpu.vector_load %arg8[%get3A_69] {strides = array<i32>} : memref<128xi32, #tpu.memory_space<vmem>>, vector<16xi32>,
    %get3A_71 = vector.shape_cast %get3A_70 : vector<16xi32> to vector<16xi32>
    %swap3A_72 = arith.constant 64 : index
    %swap3A_73 = tpu.vector_load %arg10[%swap3A_72] {strides = array<i32>} : memref<128xi32, #tpu.memory_space<vmem>>, vector<16xi32>,
    %swap3A_74 = vector.shape_cast %swap3A_73 : vector<16xi32> to vector<16xi32>
    %swap3A_75 = vector.shape_cast %get3A_71 : vector<16xi32> to vector<16xi32>
    tpu.vector_store %arg10[%swap3A_72], %swap3A_75 {strides = array<i32>} : memref<128xi32, #tpu.memory_space<vmem>>, vector<16xi32>,
    %get3A_76 = arith.constant 80 : index
    %get3A_77 = tpu.vector_load %arg8[%get3A_76] {strides = array<i32>} : memref<128xi32, #tpu.memory_space<vmem>>, vector<16xi32>,
    %get3A_78 = vector.shape_cast %get3A_77 : vector<16xi32> to vector<16xi32>
    %swap3A_79 = arith.constant 80 : index
    %swap3A_80 = tpu.vector_load %arg10[%swap3A_79] {strides = array<i32>} : memref<128xi32, #tpu.memory_space<vmem>>, vector<16xi32>,
    %swap3A_81 = vector.shape_cast %swap3A_80 : vector<16xi32> to vector<16xi32>
    %swap3A_82 = vector.shape_cast %get3A_78 : vector<16xi32> to vector<16xi32>
    tpu.vector_store %arg10[%swap3A_79], %swap3A_82 {strides = array<i32>} : memref<128xi32, #tpu.memory_space<vmem>>, vector<16xi32>,
    %get3A_83 = arith.constant 96 : index
    %get3A_84 = tpu.vector_load %arg8[%get3A_83] {strides = array<i32>} : memref<128xi32, #tpu.memory_space<vmem>>, vector<16xi32>,
    %get3A_85 = vector.shape_cast %get3A_84 : vector<16xi32> to vector<16xi32>
    %swap3A_86 = arith.constant 96 : index
    %swap3A_87 = tpu.vector_load %arg10[%swap3A_86] {strides = array<i32>} : memref<128xi32, #tpu.memory_space<vmem>>, vector<16xi32>,
    %swap3A_88 = vector.shape_cast %swap3A_87 : vector<16xi32> to vector<16xi32>
    %swap3A_89 = vector.shape_cast %get3A_85 : vector<16xi32> to vector<16xi32>
    tpu.vector_store %arg10[%swap3A_86], %swap3A_89 {strides = array<i32>} : memref<128xi32, #tpu.memory_space<vmem>>, vector<16xi32>,
    %get3A_90 = arith.constant 112 : index
    %get3A_91 = tpu.vector_load %arg8[%get3A_90] {strides = array<i32>} : memref<128xi32, #tpu.memory_space<vmem>>, vector<16xi32>,
    %get3A_92 = vector.shape_cast %get3A_91 : vector<16xi32> to vector<16xi32>
    %swap3A_93 = arith.constant 112 : index
    %swap3A_94 = tpu.vector_load %arg10[%swap3A_93] {strides = array<i32>} : memref<128xi32, #tpu.memory_space<vmem>>, vector<16xi32>,
    %swap3A_95 = vector.shape_cast %swap3A_94 : vector<16xi32> to vector<16xi32>
    %swap3A_96 = vector.shape_cast %get3A_92 : vector<16xi32> to vector<16xi32>
    tpu.vector_store %arg10[%swap3A_93], %swap3A_96 {strides = array<i32>} : memref<128xi32, #tpu.memory_space<vmem>>, vector<16xi32>,
    %dma_start3A_97 = arith.constant 0 : i32
    %dma_start3A_98 = arith.constant 0 : i32
    %dma_start3A_99 = tpu.memref_slice %arg13[%dma_start3A_97, %dma_start3A_98] : memref<10240x128xf32, #tpu.memory_space<vmem_shared>> -> memref<10240x128xf32, #tpu.memory_space<vmem_shared>>
    tpu.enqueue_indirect_dma source(%arg11 : memref<128x128xf32, #tpu.memory_space<vmem>>) target(%dma_start3A_99 : memref<10240x128xf32, #tpu.memory_space<vmem_shared>>) offsets(%arg10 : memref<128xi32, #tpu.memory_space<vmem>>) semaphore(%arg19 : memref<!tpu.dma_semaphore, #tpu.memory_space<semaphore_mem>>) {add = true}
    %gt3A = arith.constant 2 : i32
    %gt3A_100 = arith.cmpi sgt, %select_n3A, %gt3A : i32
    %convert_element_type3A = arith.extui %gt3A_100 : i1 to i32
    %cond3A = arith.constant 0 : i32
    %cond3A_101 = arith.cmpi ne, %convert_element_type3A, %cond3A : i32
    scf.if %cond3A_101 {
      %add3A_283 = arith.constant 256 : i32
      %add3A_284 = arith.addi %add3A, %add3A_283 : i32
      %dma_start3A_285 = tpu.memref_slice %arg2[%add3A_284] : memref<323584xi32, #tpu.memory_space<hbm>> -> memref<128xi32, #tpu.memory_space<hbm>>
      %dma_start3A_286 = tpu.memref_slice %arg2[%add3A_284] : memref<323584xi32, #tpu.memory_space<hbm>> -> memref<128xi32, #tpu.memory_space<hbm>>
      tpu.enqueue_dma source(%dma_start3A_286 : memref<128xi32, #tpu.memory_space<hbm>>) target(%arg6 : memref<128xi32, #tpu.memory_space<vmem>>) target_semaphore(%arg15 : memref<!tpu.dma_semaphore, #tpu.memory_space<semaphore_mem>>)
      %add3A_287 = arith.constant 256 : i32
      %add3A_288 = arith.addi %add3A, %add3A_287 : i32
      %dma_start3A_289 = tpu.memref_slice %arg3[%add3A_288] : memref<323584xi32, #tpu.memory_space<hbm>> -> memref<128xi32, #tpu.memory_space<hbm>>
      %dma_start3A_290 = tpu.memref_slice %arg3[%add3A_288] : memref<323584xi32, #tpu.memory_space<hbm>> -> memref<128xi32, #tpu.memory_space<hbm>>
      tpu.enqueue_dma source(%dma_start3A_290 : memref<128xi32, #tpu.memory_space<hbm>>) target(%arg8 : memref<128xi32, #tpu.memory_space<vmem>>) target_semaphore(%arg17 : memref<!tpu.dma_semaphore, #tpu.memory_space<semaphore_mem>>)
    } else {
    }
    %dma_wait3A_102 = arith.constant 0 : i32
    %dma_wait3A_103 = arith.constant 0 : i32
    %dma_wait3A_104 = tpu.memref_slice %arg4[%dma_wait3A_102, %dma_wait3A_103] : memref<10240x128xf32, #tpu.memory_space<hbm>> -> memref<10240x128xf32, #tpu.memory_space<hbm>>
    tpu.wait_indirect_dma semaphore(%arg14 : memref<!tpu.dma_semaphore, #tpu.memory_space<semaphore_mem>>) src(%dma_wait3A_104 : memref<10240x128xf32, #tpu.memory_space<hbm>>) dst(%arg12 : memref<128x128xf32, #tpu.memory_space<vmem>>)
    %dma_wait3A_105 = arith.constant 0 : i32
    %dma_wait3A_106 = tpu.memref_slice %arg2[%dma_wait3A_105] : memref<323584xi32, #tpu.memory_space<hbm>> -> memref<128xi32, #tpu.memory_space<hbm>>
    %dma_wait3A_107 = arith.constant 0 : i32
    %dma_wait3A_108 = tpu.memref_slice %arg2[%dma_wait3A_107] : memref<323584xi32, #tpu.memory_space<hbm>> -> memref<128xi32, #tpu.memory_space<hbm>>
    tpu.wait_dma2 semaphore(%arg15 : memref<!tpu.dma_semaphore, #tpu.memory_space<semaphore_mem>>) src(%dma_wait3A_108 : memref<128xi32, #tpu.memory_space<hbm>>) dst(%arg6 : memref<128xi32, #tpu.memory_space<vmem>>)
    %dma_wait3A_109 = arith.constant 0 : i32
    %dma_wait3A_110 = arith.constant 0 : i32
    %dma_wait3A_111 = tpu.memref_slice %arg13[%dma_wait3A_109, %dma_wait3A_110] : memref<10240x128xf32, #tpu.memory_space<vmem_shared>> -> memref<10240x128xf32, #tpu.memory_space<vmem_shared>>
    tpu.wait_indirect_dma semaphore(%arg19 : memref<!tpu.dma_semaphore, #tpu.memory_space<semaphore_mem>>) src(%arg11 : memref<128x128xf32, #tpu.memory_space<vmem>>) dst(%dma_wait3A_111 : memref<10240x128xf32, #tpu.memory_space<vmem_shared>>)
    %dma_start3A_112 = arith.constant 0 : i32
    %dma_start3A_113 = arith.constant 0 : i32
    %dma_start3A_114 = tpu.memref_slice %arg4[%dma_start3A_112, %dma_start3A_113] : memref<10240x128xf32, #tpu.memory_space<hbm>> -> memref<10240x128xf32, #tpu.memory_space<hbm>>
    tpu.enqueue_indirect_dma source(%dma_start3A_114 : memref<10240x128xf32, #tpu.memory_space<hbm>>) target(%arg11 : memref<128x128xf32, #tpu.memory_space<vmem>>) offsets(%arg6 : memref<128xi32, #tpu.memory_space<vmem>>) semaphore(%arg14 : memref<!tpu.dma_semaphore, #tpu.memory_space<semaphore_mem>>)
    %dma_wait3A_115 = arith.constant 0 : i32
    %dma_wait3A_116 = tpu.memref_slice %arg3[%dma_wait3A_115] : memref<323584xi32, #tpu.memory_space<hbm>> -> memref<128xi32, #tpu.memory_space<hbm>>
    %dma_wait3A_117 = arith.constant 0 : i32
    %dma_wait3A_118 = tpu.memref_slice %arg3[%dma_wait3A_117] : memref<323584xi32, #tpu.memory_space<hbm>> -> memref<128xi32, #tpu.memory_space<hbm>>
    tpu.wait_dma2 semaphore(%arg18 : memref<!tpu.dma_semaphore, #tpu.memory_space<semaphore_mem>>) src(%dma_wait3A_118 : memref<128xi32, #tpu.memory_space<hbm>>) dst(%arg9 : memref<128xi32, #tpu.memory_space<vmem>>)
    %get3A_119 = arith.constant 0 : index
    %get3A_120 = tpu.vector_load %arg9[%get3A_119] {strides = array<i32>} : memref<128xi32, #tpu.memory_space<vmem>>, vector<16xi32>,
    %get3A_121 = vector.shape_cast %get3A_120 : vector<16xi32> to vector<16xi32>
    %swap3A_122 = arith.constant 0 : index
    %swap3A_123 = tpu.vector_load %arg10[%swap3A_122] {strides = array<i32>} : memref<128xi32, #tpu.memory_space<vmem>>, vector<16xi32>,
    %swap3A_124 = vector.shape_cast %swap3A_123 : vector<16xi32> to vector<16xi32>
    %swap3A_125 = vector.shape_cast %get3A_121 : vector<16xi32> to vector<16xi32>
    tpu.vector_store %arg10[%swap3A_122], %swap3A_125 {strides = array<i32>} : memref<128xi32, #tpu.memory_space<vmem>>, vector<16xi32>,
    %get3A_126 = arith.constant 16 : index
    %get3A_127 = tpu.vector_load %arg9[%get3A_126] {strides = array<i32>} : memref<128xi32, #tpu.memory_space<vmem>>, vector<16xi32>,
    %get3A_128 = vector.shape_cast %get3A_127 : vector<16xi32> to vector<16xi32>
    %swap3A_129 = arith.constant 16 : index
    %swap3A_130 = tpu.vector_load %arg10[%swap3A_129] {strides = array<i32>} : memref<128xi32, #tpu.memory_space<vmem>>, vector<16xi32>,
    %swap3A_131 = vector.shape_cast %swap3A_130 : vector<16xi32> to vector<16xi32>
    %swap3A_132 = vector.shape_cast %get3A_128 : vector<16xi32> to vector<16xi32>
    tpu.vector_store %arg10[%swap3A_129], %swap3A_132 {strides = array<i32>} : memref<128xi32, #tpu.memory_space<vmem>>, vector<16xi32>,
    %get3A_133 = arith.constant 32 : index
    %get3A_134 = tpu.vector_load %arg9[%get3A_133] {strides = array<i32>} : memref<128xi32, #tpu.memory_space<vmem>>, vector<16xi32>,
    %get3A_135 = vector.shape_cast %get3A_134 : vector<16xi32> to vector<16xi32>
    %swap3A_136 = arith.constant 32 : index
    %swap3A_137 = tpu.vector_load %arg10[%swap3A_136] {strides = array<i32>} : memref<128xi32, #tpu.memory_space<vmem>>, vector<16xi32>,
    %swap3A_138 = vector.shape_cast %swap3A_137 : vector<16xi32> to vector<16xi32>
    %swap3A_139 = vector.shape_cast %get3A_135 : vector<16xi32> to vector<16xi32>
    tpu.vector_store %arg10[%swap3A_136], %swap3A_139 {strides = array<i32>} : memref<128xi32, #tpu.memory_space<vmem>>, vector<16xi32>,
    %get3A_140 = arith.constant 48 : index
    %get3A_141 = tpu.vector_load %arg9[%get3A_140] {strides = array<i32>} : memref<128xi32, #tpu.memory_space<vmem>>, vector<16xi32>,
    %get3A_142 = vector.shape_cast %get3A_141 : vector<16xi32> to vector<16xi32>
    %swap3A_143 = arith.constant 48 : index
    %swap3A_144 = tpu.vector_load %arg10[%swap3A_143] {strides = array<i32>} : memref<128xi32, #tpu.memory_space<vmem>>, vector<16xi32>,
    %swap3A_145 = vector.shape_cast %swap3A_144 : vector<16xi32> to vector<16xi32>
    %swap3A_146 = vector.shape_cast %get3A_142 : vector<16xi32> to vector<16xi32>
    tpu.vector_store %arg10[%swap3A_143], %swap3A_146 {strides = array<i32>} : memref<128xi32, #tpu.memory_space<vmem>>, vector<16xi32>,
    %get3A_147 = arith.constant 64 : index
    %get3A_148 = tpu.vector_load %arg9[%get3A_147] {strides = array<i32>} : memref<128xi32, #tpu.memory_space<vmem>>, vector<16xi32>,
    %get3A_149 = vector.shape_cast %get3A_148 : vector<16xi32> to vector<16xi32>
    %swap3A_150 = arith.constant 64 : index
    %swap3A_151 = tpu.vector_load %arg10[%swap3A_150] {strides = array<i32>} : memref<128xi32, #tpu.memory_space<vmem>>, vector<16xi32>,
    %swap3A_152 = vector.shape_cast %swap3A_151 : vector<16xi32> to vector<16xi32>
    %swap3A_153 = vector.shape_cast %get3A_149 : vector<16xi32> to vector<16xi32>
    tpu.vector_store %arg10[%swap3A_150], %swap3A_153 {strides = array<i32>} : memref<128xi32, #tpu.memory_space<vmem>>, vector<16xi32>,
    %get3A_154 = arith.constant 80 : index
    %get3A_155 = tpu.vector_load %arg9[%get3A_154] {strides = array<i32>} : memref<128xi32, #tpu.memory_space<vmem>>, vector<16xi32>,
    %get3A_156 = vector.shape_cast %get3A_155 : vector<16xi32> to vector<16xi32>
    %swap3A_157 = arith.constant 80 : index
    %swap3A_158 = tpu.vector_load %arg10[%swap3A_157] {strides = array<i32>} : memref<128xi32, #tpu.memory_space<vmem>>, vector<16xi32>,
    %swap3A_159 = vector.shape_cast %swap3A_158 : vector<16xi32> to vector<16xi32>
    %swap3A_160 = vector.shape_cast %get3A_156 : vector<16xi32> to vector<16xi32>
    tpu.vector_store %arg10[%swap3A_157], %swap3A_160 {strides = array<i32>} : memref<128xi32, #tpu.memory_space<vmem>>, vector<16xi32>,
    %get3A_161 = arith.constant 96 : index
    %get3A_162 = tpu.vector_load %arg9[%get3A_161] {strides = array<i32>} : memref<128xi32, #tpu.memory_space<vmem>>, vector<16xi32>,
    %get3A_163 = vector.shape_cast %get3A_162 : vector<16xi32> to vector<16xi32>
    %swap3A_164 = arith.constant 96 : index
    %swap3A_165 = tpu.vector_load %arg10[%swap3A_164] {strides = array<i32>} : memref<128xi32, #tpu.memory_space<vmem>>, vector<16xi32>,
    %swap3A_166 = vector.shape_cast %swap3A_165 : vector<16xi32> to vector<16xi32>
    %swap3A_167 = vector.shape_cast %get3A_163 : vector<16xi32> to vector<16xi32>
    tpu.vector_store %arg10[%swap3A_164], %swap3A_167 {strides = array<i32>} : memref<128xi32, #tpu.memory_space<vmem>>, vector<16xi32>,
    %get3A_168 = arith.constant 112 : index
    %get3A_169 = tpu.vector_load %arg9[%get3A_168] {strides = array<i32>} : memref<128xi32, #tpu.memory_space<vmem>>, vector<16xi32>,
    %get3A_170 = vector.shape_cast %get3A_169 : vector<16xi32> to vector<16xi32>
    %swap3A_171 = arith.constant 112 : index
    %swap3A_172 = tpu.vector_load %arg10[%swap3A_171] {strides = array<i32>} : memref<128xi32, #tpu.memory_space<vmem>>, vector<16xi32>,
    %swap3A_173 = vector.shape_cast %swap3A_172 : vector<16xi32> to vector<16xi32>
    %swap3A_174 = vector.shape_cast %get3A_170 : vector<16xi32> to vector<16xi32>
    tpu.vector_store %arg10[%swap3A_171], %swap3A_174 {strides = array<i32>} : memref<128xi32, #tpu.memory_space<vmem>>, vector<16xi32>,
    %dma_start3A_175 = arith.constant 0 : i32
    %dma_start3A_176 = arith.constant 0 : i32
    %dma_start3A_177 = tpu.memref_slice %arg13[%dma_start3A_175, %dma_start3A_176] : memref<10240x128xf32, #tpu.memory_space<vmem_shared>> -> memref<10240x128xf32, #tpu.memory_space<vmem_shared>>
    tpu.enqueue_indirect_dma source(%arg12 : memref<128x128xf32, #tpu.memory_space<vmem>>) target(%dma_start3A_177 : memref<10240x128xf32, #tpu.memory_space<vmem_shared>>) offsets(%arg10 : memref<128xi32, #tpu.memory_space<vmem>>) semaphore(%arg19 : memref<!tpu.dma_semaphore, #tpu.memory_space<semaphore_mem>>) {add = true}
    %gt3A_178 = arith.constant 3 : i32
    %gt3A_179 = arith.cmpi sgt, %select_n3A, %gt3A_178 : i32
    %convert_element_type3A_180 = arith.extui %gt3A_179 : i1 to i32
    %cond3A_181 = arith.constant 0 : i32
    %cond3A_182 = arith.cmpi ne, %convert_element_type3A_180, %cond3A_181 : i32
    scf.if %cond3A_182 {
      %add3A_283 = arith.constant 384 : i32
      %add3A_284 = arith.addi %add3A, %add3A_283 : i32
      %dma_start3A_285 = tpu.memref_slice %arg2[%add3A_284] : memref<323584xi32, #tpu.memory_space<hbm>> -> memref<128xi32, #tpu.memory_space<hbm>>
      %dma_start3A_286 = tpu.memref_slice %arg2[%add3A_284] : memref<323584xi32, #tpu.memory_space<hbm>> -> memref<128xi32, #tpu.memory_space<hbm>>
      tpu.enqueue_dma source(%dma_start3A_286 : memref<128xi32, #tpu.memory_space<hbm>>) target(%arg7 : memref<128xi32, #tpu.memory_space<vmem>>) target_semaphore(%arg16 : memref<!tpu.dma_semaphore, #tpu.memory_space<semaphore_mem>>)
      %add3A_287 = arith.constant 384 : i32
      %add3A_288 = arith.addi %add3A, %add3A_287 : i32
      %dma_start3A_289 = tpu.memref_slice %arg3[%add3A_288] : memref<323584xi32, #tpu.memory_space<hbm>> -> memref<128xi32, #tpu.memory_space<hbm>>
      %dma_start3A_290 = tpu.memref_slice %arg3[%add3A_288] : memref<323584xi32, #tpu.memory_space<hbm>> -> memref<128xi32, #tpu.memory_space<hbm>>
      tpu.enqueue_dma source(%dma_start3A_290 : memref<128xi32, #tpu.memory_space<hbm>>) target(%arg9 : memref<128xi32, #tpu.memory_space<vmem>>) target_semaphore(%arg18 : memref<!tpu.dma_semaphore, #tpu.memory_space<semaphore_mem>>)
    } else {
    }
    %jit3A_183 = arith.constant 2 : i32
    %div3A = arith.divsi %select_n3A, %jit3A_183 : i32
    %sign3A = arith.constant 0 : i32
    %sign3A_184 = arith.cmpi sgt, %select_n3A, %sign3A : i32
    %sign3A_185 = arith.extui %sign3A_184 : i1 to i32
    %sign3A_186 = arith.constant 0 : i32
    %sign3A_187 = arith.cmpi slt, %select_n3A, %sign3A_186 : i32
    %sign3A_188 = arith.extui %sign3A_187 : i1 to i32
    %sign3A_189 = arith.subi %sign3A_185, %sign3A_188 : i32
    %sign3A_190 = arith.constant 0 : i32
    %sign3A_191 = arith.cmpi sgt, %jit3A_183, %sign3A_190 : i32
    %sign3A_192 = arith.extui %sign3A_191 : i1 to i32
    %sign3A_193 = arith.constant 0 : i32
    %sign3A_194 = arith.cmpi slt, %jit3A_183, %sign3A_193 : i32
    %sign3A_195 = arith.extui %sign3A_194 : i1 to i32
    %sign3A_196 = arith.subi %sign3A_192, %sign3A_195 : i32
    %ne3A = arith.cmpi ne, %sign3A_189, %sign3A_196 : i32
    %rem3A = arith.remsi %select_n3A, %jit3A_183 : i32
    %ne3A_197 = arith.constant 0 : i32
    %ne3A_198 = arith.cmpi ne, %rem3A, %ne3A_197 : i32
    %and3A = arith.andi %ne3A, %ne3A_198 : i1
    %sub3A = arith.constant 1 : i32
    %sub3A_199 = arith.subi %div3A, %sub3A : i32
    %select_n3A_200 = arith.select %and3A, %sub3A_199, %div3A : i32
    %while3A = arith.constant 0 : i32
    %while3A_201 = arith.constant 1 : i32
    %while3A_202 = arith.subi %select_n3A_200, %while3A_201 : i32
    %while3A_203 = arith.addi %while3A_201, %while3A_202 : i32
    %while3A_204 = arith.constant 1 : i32
    %while3A_205 = arith.divsi %while3A_202, %while3A_204 : i32
    %while3A_206 = arith.muli %while3A_205, %while3A_204 : i32
    %while3A_207 = arith.addi %while3A_201, %while3A_206 : i32
    %while3A_208 = arith.constant 1 : i32
    scf.for %while3A_283 = %while3A_201 to %while3A_207 step %while3A_208  : i32 {
      %mul3A_284 = arith.constant 2 : i32
      %mul3A_285 = arith.muli %mul3A_284, %while3A_283 : i32
      %dma_wait3A_286 = arith.constant 0 : i32
      %dma_wait3A_287 = arith.constant 0 : i32
      %dma_wait3A_288 = tpu.memref_slice %arg4[%dma_wait3A_286, %dma_wait3A_287] : memref<10240x128xf32, #tpu.memory_space<hbm>> -> memref<10240x128xf32, #tpu.memory_space<hbm>>
      tpu.wait_indirect_dma semaphore(%arg14 : memref<!tpu.dma_semaphore, #tpu.memory_space<semaphore_mem>>) src(%dma_wait3A_288 : memref<10240x128xf32, #tpu.memory_space<hbm>>) dst(%arg11 : memref<128x128xf32, #tpu.memory_space<vmem>>)
      %dma_wait3A_289 = arith.constant 0 : i32
      %dma_wait3A_290 = tpu.memref_slice %arg2[%dma_wait3A_289] : memref<323584xi32, #tpu.memory_space<hbm>> -> memref<128xi32, #tpu.memory_space<hbm>>
      %dma_wait3A_291 = arith.constant 0 : i32
      %dma_wait3A_292 = tpu.memref_slice %arg2[%dma_wait3A_291] : memref<323584xi32, #tpu.memory_space<hbm>> -> memref<128xi32, #tpu.memory_space<hbm>>
      tpu.wait_dma2 semaphore(%arg16 : memref<!tpu.dma_semaphore, #tpu.memory_space<semaphore_mem>>) src(%dma_wait3A_292 : memref<128xi32, #tpu.memory_space<hbm>>) dst(%arg7 : memref<128xi32, #tpu.memory_space<vmem>>)
      %dma_wait3A_293 = arith.constant 0 : i32
      %dma_wait3A_294 = arith.constant 0 : i32
      %dma_wait3A_295 = tpu.memref_slice %arg13[%dma_wait3A_293, %dma_wait3A_294] : memref<10240x128xf32, #tpu.memory_space<vmem_shared>> -> memref<10240x128xf32, #tpu.memory_space<vmem_shared>>
      tpu.wait_indirect_dma semaphore(%arg19 : memref<!tpu.dma_semaphore, #tpu.memory_space<semaphore_mem>>) src(%arg12 : memref<128x128xf32, #tpu.memory_space<vmem>>) dst(%dma_wait3A_295 : memref<10240x128xf32, #tpu.memory_space<vmem_shared>>)
      %dma_start3A_296 = arith.constant 0 : i32
      %dma_start3A_297 = arith.constant 0 : i32
      %dma_start3A_298 = tpu.memref_slice %arg4[%dma_start3A_296, %dma_start3A_297] : memref<10240x128xf32, #tpu.memory_space<hbm>> -> memref<10240x128xf32, #tpu.memory_space<hbm>>
      tpu.enqueue_indirect_dma source(%dma_start3A_298 : memref<10240x128xf32, #tpu.memory_space<hbm>>) target(%arg12 : memref<128x128xf32, #tpu.memory_space<vmem>>) offsets(%arg7 : memref<128xi32, #tpu.memory_space<vmem>>) semaphore(%arg14 : memref<!tpu.dma_semaphore, #tpu.memory_space<semaphore_mem>>)
      %dma_wait3A_299 = arith.constant 0 : i32
      %dma_wait3A_300 = tpu.memref_slice %arg3[%dma_wait3A_299] : memref<323584xi32, #tpu.memory_space<hbm>> -> memref<128xi32, #tpu.memory_space<hbm>>
      %dma_wait3A_301 = arith.constant 0 : i32
      %dma_wait3A_302 = tpu.memref_slice %arg3[%dma_wait3A_301] : memref<323584xi32, #tpu.memory_space<hbm>> -> memref<128xi32, #tpu.memory_space<hbm>>
      tpu.wait_dma2 semaphore(%arg17 : memref<!tpu.dma_semaphore, #tpu.memory_space<semaphore_mem>>) src(%dma_wait3A_302 : memref<128xi32, #tpu.memory_space<hbm>>) dst(%arg8 : memref<128xi32, #tpu.memory_space<vmem>>)
      %get3A_303 = arith.constant 0 : index
      %get3A_304 = tpu.vector_load %arg8[%get3A_303] {strides = array<i32>} : memref<128xi32, #tpu.memory_space<vmem>>, vector<16xi32>,
      %get3A_305 = vector.shape_cast %get3A_304 : vector<16xi32> to vector<16xi32>
      %swap3A_306 = arith.constant 0 : index
      %swap3A_307 = tpu.vector_load %arg10[%swap3A_306] {strides = array<i32>} : memref<128xi32, #tpu.memory_space<vmem>>, vector<16xi32>,
      %swap3A_308 = vector.shape_cast %swap3A_307 : vector<16xi32> to vector<16xi32>
      %swap3A_309 = vector.shape_cast %get3A_305 : vector<16xi32> to vector<16xi32>
      tpu.vector_store %arg10[%swap3A_306], %swap3A_309 {strides = array<i32>} : memref<128xi32, #tpu.memory_space<vmem>>, vector<16xi32>,
      %get3A_310 = arith.constant 16 : index
      %get3A_311 = tpu.vector_load %arg8[%get3A_310] {strides = array<i32>} : memref<128xi32, #tpu.memory_space<vmem>>, vector<16xi32>,
      %get3A_312 = vector.shape_cast %get3A_311 : vector<16xi32> to vector<16xi32>
      %swap3A_313 = arith.constant 16 : index
      %swap3A_314 = tpu.vector_load %arg10[%swap3A_313] {strides = array<i32>} : memref<128xi32, #tpu.memory_space<vmem>>, vector<16xi32>,
      %swap3A_315 = vector.shape_cast %swap3A_314 : vector<16xi32> to vector<16xi32>
      %swap3A_316 = vector.shape_cast %get3A_312 : vector<16xi32> to vector<16xi32>
      tpu.vector_store %arg10[%swap3A_313], %swap3A_316 {strides = array<i32>} : memref<128xi32, #tpu.memory_space<vmem>>, vector<16xi32>,
      %get3A_317 = arith.constant 32 : index
      %get3A_318 = tpu.vector_load %arg8[%get3A_317] {strides = array<i32>} : memref<128xi32, #tpu.memory_space<vmem>>, vector<16xi32>,
      %get3A_319 = vector.shape_cast %get3A_318 : vector<16xi32> to vector<16xi32>
      %swap3A_320 = arith.constant 32 : index
      %swap3A_321 = tpu.vector_load %arg10[%swap3A_320] {strides = array<i32>} : memref<128xi32, #tpu.memory_space<vmem>>, vector<16xi32>,
      %swap3A_322 = vector.shape_cast %swap3A_321 : vector<16xi32> to vector<16xi32>
      %swap3A_323 = vector.shape_cast %get3A_319 : vector<16xi32> to vector<16xi32>
      tpu.vector_store %arg10[%swap3A_320], %swap3A_323 {strides = array<i32>} : memref<128xi32, #tpu.memory_space<vmem>>, vector<16xi32>,
      %get3A_324 = arith.constant 48 : index
      %get3A_325 = tpu.vector_load %arg8[%get3A_324] {strides = array<i32>} : memref<128xi32, #tpu.memory_space<vmem>>, vector<16xi32>,
      %get3A_326 = vector.shape_cast %get3A_325 : vector<16xi32> to vector<16xi32>
      %swap3A_327 = arith.constant 48 : index
      %swap3A_328 = tpu.vector_load %arg10[%swap3A_327] {strides = array<i32>} : memref<128xi32, #tpu.memory_space<vmem>>, vector<16xi32>,
      %swap3A_329 = vector.shape_cast %swap3A_328 : vector<16xi32> to vector<16xi32>
      %swap3A_330 = vector.shape_cast %get3A_326 : vector<16xi32> to vector<16xi32>
      tpu.vector_store %arg10[%swap3A_327], %swap3A_330 {strides = array<i32>} : memref<128xi32, #tpu.memory_space<vmem>>, vector<16xi32>,
      %get3A_331 = arith.constant 64 : index
      %get3A_332 = tpu.vector_load %arg8[%get3A_331] {strides = array<i32>} : memref<128xi32, #tpu.memory_space<vmem>>, vector<16xi32>,
      %get3A_333 = vector.shape_cast %get3A_332 : vector<16xi32> to vector<16xi32>
      %swap3A_334 = arith.constant 64 : index
      %swap3A_335 = tpu.vector_load %arg10[%swap3A_334] {strides = array<i32>} : memref<128xi32, #tpu.memory_space<vmem>>, vector<16xi32>,
      %swap3A_336 = vector.shape_cast %swap3A_335 : vector<16xi32> to vector<16xi32>
      %swap3A_337 = vector.shape_cast %get3A_333 : vector<16xi32> to vector<16xi32>
      tpu.vector_store %arg10[%swap3A_334], %swap3A_337 {strides = array<i32>} : memref<128xi32, #tpu.memory_space<vmem>>, vector<16xi32>,
      %get3A_338 = arith.constant 80 : index
      %get3A_339 = tpu.vector_load %arg8[%get3A_338] {strides = array<i32>} : memref<128xi32, #tpu.memory_space<vmem>>, vector<16xi32>,
      %get3A_340 = vector.shape_cast %get3A_339 : vector<16xi32> to vector<16xi32>
      %swap3A_341 = arith.constant 80 : index
      %swap3A_342 = tpu.vector_load %arg10[%swap3A_341] {strides = array<i32>} : memref<128xi32, #tpu.memory_space<vmem>>, vector<16xi32>,
      %swap3A_343 = vector.shape_cast %swap3A_342 : vector<16xi32> to vector<16xi32>
      %swap3A_344 = vector.shape_cast %get3A_340 : vector<16xi32> to vector<16xi32>
      tpu.vector_store %arg10[%swap3A_341], %swap3A_344 {strides = array<i32>} : memref<128xi32, #tpu.memory_space<vmem>>, vector<16xi32>,
      %get3A_345 = arith.constant 96 : index
      %get3A_346 = tpu.vector_load %arg8[%get3A_345] {strides = array<i32>} : memref<128xi32, #tpu.memory_space<vmem>>, vector<16xi32>,
      %get3A_347 = vector.shape_cast %get3A_346 : vector<16xi32> to vector<16xi32>
      %swap3A_348 = arith.constant 96 : index
      %swap3A_349 = tpu.vector_load %arg10[%swap3A_348] {strides = array<i32>} : memref<128xi32, #tpu.memory_space<vmem>>, vector<16xi32>,
      %swap3A_350 = vector.shape_cast %swap3A_349 : vector<16xi32> to vector<16xi32>
      %swap3A_351 = vector.shape_cast %get3A_347 : vector<16xi32> to vector<16xi32>
      tpu.vector_store %arg10[%swap3A_348], %swap3A_351 {strides = array<i32>} : memref<128xi32, #tpu.memory_space<vmem>>, vector<16xi32>,
      %get3A_352 = arith.constant 112 : index
      %get3A_353 = tpu.vector_load %arg8[%get3A_352] {strides = array<i32>} : memref<128xi32, #tpu.memory_space<vmem>>, vector<16xi32>,
      %get3A_354 = vector.shape_cast %get3A_353 : vector<16xi32> to vector<16xi32>
      %swap3A_355 = arith.constant 112 : index
      %swap3A_356 = tpu.vector_load %arg10[%swap3A_355] {strides = array<i32>} : memref<128xi32, #tpu.memory_space<vmem>>, vector<16xi32>,
      %swap3A_357 = vector.shape_cast %swap3A_356 : vector<16xi32> to vector<16xi32>
      %swap3A_358 = vector.shape_cast %get3A_354 : vector<16xi32> to vector<16xi32>
      tpu.vector_store %arg10[%swap3A_355], %swap3A_358 {strides = array<i32>} : memref<128xi32, #tpu.memory_space<vmem>>, vector<16xi32>,
      %dma_start3A_359 = arith.constant 0 : i32
      %dma_start3A_360 = arith.constant 0 : i32
      %dma_start3A_361 = tpu.memref_slice %arg13[%dma_start3A_359, %dma_start3A_360] : memref<10240x128xf32, #tpu.memory_space<vmem_shared>> -> memref<10240x128xf32, #tpu.memory_space<vmem_shared>>
      tpu.enqueue_indirect_dma source(%arg11 : memref<128x128xf32, #tpu.memory_space<vmem>>) target(%dma_start3A_361 : memref<10240x128xf32, #tpu.memory_space<vmem_shared>>) offsets(%arg10 : memref<128xi32, #tpu.memory_space<vmem>>) semaphore(%arg19 : memref<!tpu.dma_semaphore, #tpu.memory_space<semaphore_mem>>) {add = true}
      %add3A_362 = arith.constant 2 : i32
      %add3A_363 = arith.addi %mul3A_285, %add3A_362 : i32
      %lt3A = arith.cmpi slt, %add3A_363, %select_n3A : i32
      %convert_element_type3A_364 = arith.extui %lt3A : i1 to i32
      %cond3A_365 = arith.constant 0 : i32
      %cond3A_366 = arith.cmpi ne, %convert_element_type3A_364, %cond3A_365 : i32
      scf.if %cond3A_366 {
        %add3A_451 = arith.constant 2 : i32
        %add3A_452 = arith.addi %mul3A_285, %add3A_451 : i32
        %mul3A_453 = arith.constant 128 : i32
        %mul3A_454 = arith.muli %add3A_452, %mul3A_453 : i32
        %add3A_455 = arith.addi %add3A, %mul3A_454 : i32
        %dma_start3A_456 = tpu.memref_slice %arg2[%add3A_455] : memref<323584xi32, #tpu.memory_space<hbm>> -> memref<128xi32, #tpu.memory_space<hbm>>
        %dma_start3A_457 = tpu.memref_slice %arg2[%add3A_455] : memref<323584xi32, #tpu.memory_space<hbm>> -> memref<128xi32, #tpu.memory_space<hbm>>
        tpu.enqueue_dma source(%dma_start3A_457 : memref<128xi32, #tpu.memory_space<hbm>>) target(%arg6 : memref<128xi32, #tpu.memory_space<vmem>>) target_semaphore(%arg15 : memref<!tpu.dma_semaphore, #tpu.memory_space<semaphore_mem>>)
        %mul3A_458 = arith.constant 128 : i32
        %mul3A_459 = arith.muli %add3A_452, %mul3A_458 : i32
        %add3A_460 = arith.addi %add3A, %mul3A_459 : i32
        %dma_start3A_461 = tpu.memref_slice %arg3[%add3A_460] : memref<323584xi32, #tpu.memory_space<hbm>> -> memref<128xi32, #tpu.memory_space<hbm>>
        %dma_start3A_462 = tpu.memref_slice %arg3[%add3A_460] : memref<323584xi32, #tpu.memory_space<hbm>> -> memref<128xi32, #tpu.memory_space<hbm>>
        tpu.enqueue_dma source(%dma_start3A_462 : memref<128xi32, #tpu.memory_space<hbm>>) target(%arg8 : memref<128xi32, #tpu.memory_space<vmem>>) target_semaphore(%arg17 : memref<!tpu.dma_semaphore, #tpu.memory_space<semaphore_mem>>)
      } else {
      }
      %add3A_367 = arith.constant 1 : i32
      %add3A_368 = arith.addi %mul3A_285, %add3A_367 : i32
      %dma_wait3A_369 = arith.constant 0 : i32
      %dma_wait3A_370 = arith.constant 0 : i32
      %dma_wait3A_371 = tpu.memref_slice %arg4[%dma_wait3A_369, %dma_wait3A_370] : memref<10240x128xf32, #tpu.memory_space<hbm>> -> memref<10240x128xf32, #tpu.memory_space<hbm>>
      tpu.wait_indirect_dma semaphore(%arg14 : memref<!tpu.dma_semaphore, #tpu.memory_space<semaphore_mem>>) src(%dma_wait3A_371 : memref<10240x128xf32, #tpu.memory_space<hbm>>) dst(%arg12 : memref<128x128xf32, #tpu.memory_space<vmem>>)
      %dma_wait3A_372 = arith.constant 0 : i32
      %dma_wait3A_373 = tpu.memref_slice %arg2[%dma_wait3A_372] : memref<323584xi32, #tpu.memory_space<hbm>> -> memref<128xi32, #tpu.memory_space<hbm>>
      %dma_wait3A_374 = arith.constant 0 : i32
      %dma_wait3A_375 = tpu.memref_slice %arg2[%dma_wait3A_374] : memref<323584xi32, #tpu.memory_space<hbm>> -> memref<128xi32, #tpu.memory_space<hbm>>
      tpu.wait_dma2 semaphore(%arg15 : memref<!tpu.dma_semaphore, #tpu.memory_space<semaphore_mem>>) src(%dma_wait3A_375 : memref<128xi32, #tpu.memory_space<hbm>>) dst(%arg6 : memref<128xi32, #tpu.memory_space<vmem>>)
      %dma_wait3A_376 = arith.constant 0 : i32
      %dma_wait3A_377 = arith.constant 0 : i32
      %dma_wait3A_378 = tpu.memref_slice %arg13[%dma_wait3A_376, %dma_wait3A_377] : memref<10240x128xf32, #tpu.memory_space<vmem_shared>> -> memref<10240x128xf32, #tpu.memory_space<vmem_shared>>
      tpu.wait_indirect_dma semaphore(%arg19 : memref<!tpu.dma_semaphore, #tpu.memory_space<semaphore_mem>>) src(%arg11 : memref<128x128xf32, #tpu.memory_space<vmem>>) dst(%dma_wait3A_378 : memref<10240x128xf32, #tpu.memory_space<vmem_shared>>)
      %dma_start3A_379 = arith.constant 0 : i32
      %dma_start3A_380 = arith.constant 0 : i32
      %dma_start3A_381 = tpu.memref_slice %arg4[%dma_start3A_379, %dma_start3A_380] : memref<10240x128xf32, #tpu.memory_space<hbm>> -> memref<10240x128xf32, #tpu.memory_space<hbm>>
      tpu.enqueue_indirect_dma source(%dma_start3A_381 : memref<10240x128xf32, #tpu.memory_space<hbm>>) target(%arg11 : memref<128x128xf32, #tpu.memory_space<vmem>>) offsets(%arg6 : memref<128xi32, #tpu.memory_space<vmem>>) semaphore(%arg14 : memref<!tpu.dma_semaphore, #tpu.memory_space<semaphore_mem>>)
      %dma_wait3A_382 = arith.constant 0 : i32
      %dma_wait3A_383 = tpu.memref_slice %arg3[%dma_wait3A_382] : memref<323584xi32, #tpu.memory_space<hbm>> -> memref<128xi32, #tpu.memory_space<hbm>>
      %dma_wait3A_384 = arith.constant 0 : i32
      %dma_wait3A_385 = tpu.memref_slice %arg3[%dma_wait3A_384] : memref<323584xi32, #tpu.memory_space<hbm>> -> memref<128xi32, #tpu.memory_space<hbm>>
      tpu.wait_dma2 semaphore(%arg18 : memref<!tpu.dma_semaphore, #tpu.memory_space<semaphore_mem>>) src(%dma_wait3A_385 : memref<128xi32, #tpu.memory_space<hbm>>) dst(%arg9 : memref<128xi32, #tpu.memory_space<vmem>>)
      %get3A_386 = arith.constant 0 : index
      %get3A_387 = tpu.vector_load %arg9[%get3A_386] {strides = array<i32>} : memref<128xi32, #tpu.memory_space<vmem>>, vector<16xi32>,
      %get3A_388 = vector.shape_cast %get3A_387 : vector<16xi32> to vector<16xi32>
      %swap3A_389 = arith.constant 0 : index
      %swap3A_390 = tpu.vector_load %arg10[%swap3A_389] {strides = array<i32>} : memref<128xi32, #tpu.memory_space<vmem>>, vector<16xi32>,
      %swap3A_391 = vector.shape_cast %swap3A_390 : vector<16xi32> to vector<16xi32>
      %swap3A_392 = vector.shape_cast %get3A_388 : vector<16xi32> to vector<16xi32>
      tpu.vector_store %arg10[%swap3A_389], %swap3A_392 {strides = array<i32>} : memref<128xi32, #tpu.memory_space<vmem>>, vector<16xi32>,
      %get3A_393 = arith.constant 16 : index
      %get3A_394 = tpu.vector_load %arg9[%get3A_393] {strides = array<i32>} : memref<128xi32, #tpu.memory_space<vmem>>, vector<16xi32>,
      %get3A_395 = vector.shape_cast %get3A_394 : vector<16xi32> to vector<16xi32>
      %swap3A_396 = arith.constant 16 : index
      %swap3A_397 = tpu.vector_load %arg10[%swap3A_396] {strides = array<i32>} : memref<128xi32, #tpu.memory_space<vmem>>, vector<16xi32>,
      %swap3A_398 = vector.shape_cast %swap3A_397 : vector<16xi32> to vector<16xi32>
      %swap3A_399 = vector.shape_cast %get3A_395 : vector<16xi32> to vector<16xi32>
      tpu.vector_store %arg10[%swap3A_396], %swap3A_399 {strides = array<i32>} : memref<128xi32, #tpu.memory_space<vmem>>, vector<16xi32>,
      %get3A_400 = arith.constant 32 : index
      %get3A_401 = tpu.vector_load %arg9[%get3A_400] {strides = array<i32>} : memref<128xi32, #tpu.memory_space<vmem>>, vector<16xi32>,
      %get3A_402 = vector.shape_cast %get3A_401 : vector<16xi32> to vector<16xi32>
      %swap3A_403 = arith.constant 32 : index
      %swap3A_404 = tpu.vector_load %arg10[%swap3A_403] {strides = array<i32>} : memref<128xi32, #tpu.memory_space<vmem>>, vector<16xi32>,
      %swap3A_405 = vector.shape_cast %swap3A_404 : vector<16xi32> to vector<16xi32>
      %swap3A_406 = vector.shape_cast %get3A_402 : vector<16xi32> to vector<16xi32>
      tpu.vector_store %arg10[%swap3A_403], %swap3A_406 {strides = array<i32>} : memref<128xi32, #tpu.memory_space<vmem>>, vector<16xi32>,
      %get3A_407 = arith.constant 48 : index
      %get3A_408 = tpu.vector_load %arg9[%get3A_407] {strides = array<i32>} : memref<128xi32, #tpu.memory_space<vmem>>, vector<16xi32>,
      %get3A_409 = vector.shape_cast %get3A_408 : vector<16xi32> to vector<16xi32>
      %swap3A_410 = arith.constant 48 : index
      %swap3A_411 = tpu.vector_load %arg10[%swap3A_410] {strides = array<i32>} : memref<128xi32, #tpu.memory_space<vmem>>, vector<16xi32>,
      %swap3A_412 = vector.shape_cast %swap3A_411 : vector<16xi32> to vector<16xi32>
      %swap3A_413 = vector.shape_cast %get3A_409 : vector<16xi32> to vector<16xi32>
      tpu.vector_store %arg10[%swap3A_410], %swap3A_413 {strides = array<i32>} : memref<128xi32, #tpu.memory_space<vmem>>, vector<16xi32>,
      %get3A_414 = arith.constant 64 : index
      %get3A_415 = tpu.vector_load %arg9[%get3A_414] {strides = array<i32>} : memref<128xi32, #tpu.memory_space<vmem>>, vector<16xi32>,
      %get3A_416 = vector.shape_cast %get3A_415 : vector<16xi32> to vector<16xi32>
      %swap3A_417 = arith.constant 64 : index
      %swap3A_418 = tpu.vector_load %arg10[%swap3A_417] {strides = array<i32>} : memref<128xi32, #tpu.memory_space<vmem>>, vector<16xi32>,
      %swap3A_419 = vector.shape_cast %swap3A_418 : vector<16xi32> to vector<16xi32>
      %swap3A_420 = vector.shape_cast %get3A_416 : vector<16xi32> to vector<16xi32>
      tpu.vector_store %arg10[%swap3A_417], %swap3A_420 {strides = array<i32>} : memref<128xi32, #tpu.memory_space<vmem>>, vector<16xi32>,
      %get3A_421 = arith.constant 80 : index
      %get3A_422 = tpu.vector_load %arg9[%get3A_421] {strides = array<i32>} : memref<128xi32, #tpu.memory_space<vmem>>, vector<16xi32>,
      %get3A_423 = vector.shape_cast %get3A_422 : vector<16xi32> to vector<16xi32>
      %swap3A_424 = arith.constant 80 : index
      %swap3A_425 = tpu.vector_load %arg10[%swap3A_424] {strides = array<i32>} : memref<128xi32, #tpu.memory_space<vmem>>, vector<16xi32>,
      %swap3A_426 = vector.shape_cast %swap3A_425 : vector<16xi32> to vector<16xi32>
      %swap3A_427 = vector.shape_cast %get3A_423 : vector<16xi32> to vector<16xi32>
      tpu.vector_store %arg10[%swap3A_424], %swap3A_427 {strides = array<i32>} : memref<128xi32, #tpu.memory_space<vmem>>, vector<16xi32>,
      %get3A_428 = arith.constant 96 : index
      %get3A_429 = tpu.vector_load %arg9[%get3A_428] {strides = array<i32>} : memref<128xi32, #tpu.memory_space<vmem>>, vector<16xi32>,
      %get3A_430 = vector.shape_cast %get3A_429 : vector<16xi32> to vector<16xi32>
      %swap3A_431 = arith.constant 96 : index
      %swap3A_432 = tpu.vector_load %arg10[%swap3A_431] {strides = array<i32>} : memref<128xi32, #tpu.memory_space<vmem>>, vector<16xi32>,
      %swap3A_433 = vector.shape_cast %swap3A_432 : vector<16xi32> to vector<16xi32>
      %swap3A_434 = vector.shape_cast %get3A_430 : vector<16xi32> to vector<16xi32>
      tpu.vector_store %arg10[%swap3A_431], %swap3A_434 {strides = array<i32>} : memref<128xi32, #tpu.memory_space<vmem>>, vector<16xi32>,
      %get3A_435 = arith.constant 112 : index
      %get3A_436 = tpu.vector_load %arg9[%get3A_435] {strides = array<i32>} : memref<128xi32, #tpu.memory_space<vmem>>, vector<16xi32>,
      %get3A_437 = vector.shape_cast %get3A_436 : vector<16xi32> to vector<16xi32>
      %swap3A_438 = arith.constant 112 : index
      %swap3A_439 = tpu.vector_load %arg10[%swap3A_438] {strides = array<i32>} : memref<128xi32, #tpu.memory_space<vmem>>, vector<16xi32>,
      %swap3A_440 = vector.shape_cast %swap3A_439 : vector<16xi32> to vector<16xi32>
      %swap3A_441 = vector.shape_cast %get3A_437 : vector<16xi32> to vector<16xi32>
      tpu.vector_store %arg10[%swap3A_438], %swap3A_441 {strides = array<i32>} : memref<128xi32, #tpu.memory_space<vmem>>, vector<16xi32>,
      %dma_start3A_442 = arith.constant 0 : i32
      %dma_start3A_443 = arith.constant 0 : i32
      %dma_start3A_444 = tpu.memref_slice %arg13[%dma_start3A_442, %dma_start3A_443] : memref<10240x128xf32, #tpu.memory_space<vmem_shared>> -> memref<10240x128xf32, #tpu.memory_space<vmem_shared>>
      tpu.enqueue_indirect_dma source(%arg12 : memref<128x128xf32, #tpu.memory_space<vmem>>) target(%dma_start3A_444 : memref<10240x128xf32, #tpu.memory_space<vmem_shared>>) offsets(%arg10 : memref<128xi32, #tpu.memory_space<vmem>>) semaphore(%arg19 : memref<!tpu.dma_semaphore, #tpu.memory_space<semaphore_mem>>) {add = true}
      %add3A_445 = arith.constant 2 : i32
      %add3A_446 = arith.addi %add3A_368, %add3A_445 : i32
      %lt3A_447 = arith.cmpi slt, %add3A_446, %select_n3A : i32
      %convert_element_type3A_448 = arith.extui %lt3A_447 : i1 to i32
      %cond3A_449 = arith.constant 0 : i32
      %cond3A_450 = arith.cmpi ne, %convert_element_type3A_448, %cond3A_449 : i32
      scf.if %cond3A_450 {
        %add3A_451 = arith.constant 2 : i32
        %add3A_452 = arith.addi %add3A_368, %add3A_451 : i32
        %mul3A_453 = arith.constant 128 : i32
        %mul3A_454 = arith.muli %add3A_452, %mul3A_453 : i32
        %add3A_455 = arith.addi %add3A, %mul3A_454 : i32
        %dma_start3A_456 = tpu.memref_slice %arg2[%add3A_455] : memref<323584xi32, #tpu.memory_space<hbm>> -> memref<128xi32, #tpu.memory_space<hbm>>
        %dma_start3A_457 = tpu.memref_slice %arg2[%add3A_455] : memref<323584xi32, #tpu.memory_space<hbm>> -> memref<128xi32, #tpu.memory_space<hbm>>
        tpu.enqueue_dma source(%dma_start3A_457 : memref<128xi32, #tpu.memory_space<hbm>>) target(%arg7 : memref<128xi32, #tpu.memory_space<vmem>>) target_semaphore(%arg16 : memref<!tpu.dma_semaphore, #tpu.memory_space<semaphore_mem>>)
        %mul3A_458 = arith.constant 128 : i32
        %mul3A_459 = arith.muli %add3A_452, %mul3A_458 : i32
        %add3A_460 = arith.addi %add3A, %mul3A_459 : i32
        %dma_start3A_461 = tpu.memref_slice %arg3[%add3A_460] : memref<323584xi32, #tpu.memory_space<hbm>> -> memref<128xi32, #tpu.memory_space<hbm>>
        %dma_start3A_462 = tpu.memref_slice %arg3[%add3A_460] : memref<323584xi32, #tpu.memory_space<hbm>> -> memref<128xi32, #tpu.memory_space<hbm>>
        tpu.enqueue_dma source(%dma_start3A_462 : memref<128xi32, #tpu.memory_space<hbm>>) target(%arg9 : memref<128xi32, #tpu.memory_space<vmem>>) target_semaphore(%arg18 : memref<!tpu.dma_semaphore, #tpu.memory_space<semaphore_mem>>)
      } else {
      }
    }
    %while3A_209 = arith.constant 1 : i32
    scf.for %while3A_283 = %while3A_207 to %while3A_203 step %while3A_209  : i32 {
      %mul3A_284 = arith.constant 2 : i32
      %mul3A_285 = arith.muli %mul3A_284, %while3A_283 : i32
      %dma_wait3A_286 = arith.constant 0 : i32
      %dma_wait3A_287 = arith.constant 0 : i32
      %dma_wait3A_288 = tpu.memref_slice %arg4[%dma_wait3A_286, %dma_wait3A_287] : memref<10240x128xf32, #tpu.memory_space<hbm>> -> memref<10240x128xf32, #tpu.memory_space<hbm>>
      tpu.wait_indirect_dma semaphore(%arg14 : memref<!tpu.dma_semaphore, #tpu.memory_space<semaphore_mem>>) src(%dma_wait3A_288 : memref<10240x128xf32, #tpu.memory_space<hbm>>) dst(%arg11 : memref<128x128xf32, #tpu.memory_space<vmem>>)
      %dma_wait3A_289 = arith.constant 0 : i32
      %dma_wait3A_290 = tpu.memref_slice %arg2[%dma_wait3A_289] : memref<323584xi32, #tpu.memory_space<hbm>> -> memref<128xi32, #tpu.memory_space<hbm>>
      %dma_wait3A_291 = arith.constant 0 : i32
      %dma_wait3A_292 = tpu.memref_slice %arg2[%dma_wait3A_291] : memref<323584xi32, #tpu.memory_space<hbm>> -> memref<128xi32, #tpu.memory_space<hbm>>
      tpu.wait_dma2 semaphore(%arg16 : memref<!tpu.dma_semaphore, #tpu.memory_space<semaphore_mem>>) src(%dma_wait3A_292 : memref<128xi32, #tpu.memory_space<hbm>>) dst(%arg7 : memref<128xi32, #tpu.memory_space<vmem>>)
      %dma_wait3A_293 = arith.constant 0 : i32
      %dma_wait3A_294 = arith.constant 0 : i32
      %dma_wait3A_295 = tpu.memref_slice %arg13[%dma_wait3A_293, %dma_wait3A_294] : memref<10240x128xf32, #tpu.memory_space<vmem_shared>> -> memref<10240x128xf32, #tpu.memory_space<vmem_shared>>
      tpu.wait_indirect_dma semaphore(%arg19 : memref<!tpu.dma_semaphore, #tpu.memory_space<semaphore_mem>>) src(%arg12 : memref<128x128xf32, #tpu.memory_space<vmem>>) dst(%dma_wait3A_295 : memref<10240x128xf32, #tpu.memory_space<vmem_shared>>)
      %dma_start3A_296 = arith.constant 0 : i32
      %dma_start3A_297 = arith.constant 0 : i32
      %dma_start3A_298 = tpu.memref_slice %arg4[%dma_start3A_296, %dma_start3A_297] : memref<10240x128xf32, #tpu.memory_space<hbm>> -> memref<10240x128xf32, #tpu.memory_space<hbm>>
      tpu.enqueue_indirect_dma source(%dma_start3A_298 : memref<10240x128xf32, #tpu.memory_space<hbm>>) target(%arg12 : memref<128x128xf32, #tpu.memory_space<vmem>>) offsets(%arg7 : memref<128xi32, #tpu.memory_space<vmem>>) semaphore(%arg14 : memref<!tpu.dma_semaphore, #tpu.memory_space<semaphore_mem>>)
      %dma_wait3A_299 = arith.constant 0 : i32
      %dma_wait3A_300 = tpu.memref_slice %arg3[%dma_wait3A_299] : memref<323584xi32, #tpu.memory_space<hbm>> -> memref<128xi32, #tpu.memory_space<hbm>>
      %dma_wait3A_301 = arith.constant 0 : i32
      %dma_wait3A_302 = tpu.memref_slice %arg3[%dma_wait3A_301] : memref<323584xi32, #tpu.memory_space<hbm>> -> memref<128xi32, #tpu.memory_space<hbm>>
      tpu.wait_dma2 semaphore(%arg17 : memref<!tpu.dma_semaphore, #tpu.memory_space<semaphore_mem>>) src(%dma_wait3A_302 : memref<128xi32, #tpu.memory_space<hbm>>) dst(%arg8 : memref<128xi32, #tpu.memory_space<vmem>>)
      %get3A_303 = arith.constant 0 : index
      %get3A_304 = tpu.vector_load %arg8[%get3A_303] {strides = array<i32>} : memref<128xi32, #tpu.memory_space<vmem>>, vector<16xi32>,
      %get3A_305 = vector.shape_cast %get3A_304 : vector<16xi32> to vector<16xi32>
      %swap3A_306 = arith.constant 0 : index
      %swap3A_307 = tpu.vector_load %arg10[%swap3A_306] {strides = array<i32>} : memref<128xi32, #tpu.memory_space<vmem>>, vector<16xi32>,
      %swap3A_308 = vector.shape_cast %swap3A_307 : vector<16xi32> to vector<16xi32>
      %swap3A_309 = vector.shape_cast %get3A_305 : vector<16xi32> to vector<16xi32>
      tpu.vector_store %arg10[%swap3A_306], %swap3A_309 {strides = array<i32>} : memref<128xi32, #tpu.memory_space<vmem>>, vector<16xi32>,
      %get3A_310 = arith.constant 16 : index
      %get3A_311 = tpu.vector_load %arg8[%get3A_310] {strides = array<i32>} : memref<128xi32, #tpu.memory_space<vmem>>, vector<16xi32>,
      %get3A_312 = vector.shape_cast %get3A_311 : vector<16xi32> to vector<16xi32>
      %swap3A_313 = arith.constant 16 : index
      %swap3A_314 = tpu.vector_load %arg10[%swap3A_313] {strides = array<i32>} : memref<128xi32, #tpu.memory_space<vmem>>, vector<16xi32>,
      %swap3A_315 = vector.shape_cast %swap3A_314 : vector<16xi32> to vector<16xi32>
      %swap3A_316 = vector.shape_cast %get3A_312 : vector<16xi32> to vector<16xi32>
      tpu.vector_store %arg10[%swap3A_313], %swap3A_316 {strides = array<i32>} : memref<128xi32, #tpu.memory_space<vmem>>, vector<16xi32>,
      %get3A_317 = arith.constant 32 : index
      %get3A_318 = tpu.vector_load %arg8[%get3A_317] {strides = array<i32>} : memref<128xi32, #tpu.memory_space<vmem>>, vector<16xi32>,
      %get3A_319 = vector.shape_cast %get3A_318 : vector<16xi32> to vector<16xi32>
      %swap3A_320 = arith.constant 32 : index
      %swap3A_321 = tpu.vector_load %arg10[%swap3A_320] {strides = array<i32>} : memref<128xi32, #tpu.memory_space<vmem>>, vector<16xi32>,
      %swap3A_322 = vector.shape_cast %swap3A_321 : vector<16xi32> to vector<16xi32>
      %swap3A_323 = vector.shape_cast %get3A_319 : vector<16xi32> to vector<16xi32>
      tpu.vector_store %arg10[%swap3A_320], %swap3A_323 {strides = array<i32>} : memref<128xi32, #tpu.memory_space<vmem>>, vector<16xi32>,
      %get3A_324 = arith.constant 48 : index
      %get3A_325 = tpu.vector_load %arg8[%get3A_324] {strides = array<i32>} : memref<128xi32, #tpu.memory_space<vmem>>, vector<16xi32>,
      %get3A_326 = vector.shape_cast %get3A_325 : vector<16xi32> to vector<16xi32>
      %swap3A_327 = arith.constant 48 : index
      %swap3A_328 = tpu.vector_load %arg10[%swap3A_327] {strides = array<i32>} : memref<128xi32, #tpu.memory_space<vmem>>, vector<16xi32>,
      %swap3A_329 = vector.shape_cast %swap3A_328 : vector<16xi32> to vector<16xi32>
      %swap3A_330 = vector.shape_cast %get3A_326 : vector<16xi32> to vector<16xi32>
      tpu.vector_store %arg10[%swap3A_327], %swap3A_330 {strides = array<i32>} : memref<128xi32, #tpu.memory_space<vmem>>, vector<16xi32>,
      %get3A_331 = arith.constant 64 : index
      %get3A_332 = tpu.vector_load %arg8[%get3A_331] {strides = array<i32>} : memref<128xi32, #tpu.memory_space<vmem>>, vector<16xi32>,
      %get3A_333 = vector.shape_cast %get3A_332 : vector<16xi32> to vector<16xi32>
      %swap3A_334 = arith.constant 64 : index
      %swap3A_335 = tpu.vector_load %arg10[%swap3A_334] {strides = array<i32>} : memref<128xi32, #tpu.memory_space<vmem>>, vector<16xi32>,
      %swap3A_336 = vector.shape_cast %swap3A_335 : vector<16xi32> to vector<16xi32>
      %swap3A_337 = vector.shape_cast %get3A_333 : vector<16xi32> to vector<16xi32>
      tpu.vector_store %arg10[%swap3A_334], %swap3A_337 {strides = array<i32>} : memref<128xi32, #tpu.memory_space<vmem>>, vector<16xi32>,
      %get3A_338 = arith.constant 80 : index
      %get3A_339 = tpu.vector_load %arg8[%get3A_338] {strides = array<i32>} : memref<128xi32, #tpu.memory_space<vmem>>, vector<16xi32>,
      %get3A_340 = vector.shape_cast %get3A_339 : vector<16xi32> to vector<16xi32>
      %swap3A_341 = arith.constant 80 : index
      %swap3A_342 = tpu.vector_load %arg10[%swap3A_341] {strides = array<i32>} : memref<128xi32, #tpu.memory_space<vmem>>, vector<16xi32>,
      %swap3A_343 = vector.shape_cast %swap3A_342 : vector<16xi32> to vector<16xi32>
      %swap3A_344 = vector.shape_cast %get3A_340 : vector<16xi32> to vector<16xi32>
      tpu.vector_store %arg10[%swap3A_341], %swap3A_344 {strides = array<i32>} : memref<128xi32, #tpu.memory_space<vmem>>, vector<16xi32>,
      %get3A_345 = arith.constant 96 : index
      %get3A_346 = tpu.vector_load %arg8[%get3A_345] {strides = array<i32>} : memref<128xi32, #tpu.memory_space<vmem>>, vector<16xi32>,
      %get3A_347 = vector.shape_cast %get3A_346 : vector<16xi32> to vector<16xi32>
      %swap3A_348 = arith.constant 96 : index
      %swap3A_349 = tpu.vector_load %arg10[%swap3A_348] {strides = array<i32>} : memref<128xi32, #tpu.memory_space<vmem>>, vector<16xi32>,
      %swap3A_350 = vector.shape_cast %swap3A_349 : vector<16xi32> to vector<16xi32>
      %swap3A_351 = vector.shape_cast %get3A_347 : vector<16xi32> to vector<16xi32>
      tpu.vector_store %arg10[%swap3A_348], %swap3A_351 {strides = array<i32>} : memref<128xi32, #tpu.memory_space<vmem>>, vector<16xi32>,
      %get3A_352 = arith.constant 112 : index
      %get3A_353 = tpu.vector_load %arg8[%get3A_352] {strides = array<i32>} : memref<128xi32, #tpu.memory_space<vmem>>, vector<16xi32>,
      %get3A_354 = vector.shape_cast %get3A_353 : vector<16xi32> to vector<16xi32>
      %swap3A_355 = arith.constant 112 : index
      %swap3A_356 = tpu.vector_load %arg10[%swap3A_355] {strides = array<i32>} : memref<128xi32, #tpu.memory_space<vmem>>, vector<16xi32>,
      %swap3A_357 = vector.shape_cast %swap3A_356 : vector<16xi32> to vector<16xi32>
      %swap3A_358 = vector.shape_cast %get3A_354 : vector<16xi32> to vector<16xi32>
      tpu.vector_store %arg10[%swap3A_355], %swap3A_358 {strides = array<i32>} : memref<128xi32, #tpu.memory_space<vmem>>, vector<16xi32>,
      %dma_start3A_359 = arith.constant 0 : i32
      %dma_start3A_360 = arith.constant 0 : i32
      %dma_start3A_361 = tpu.memref_slice %arg13[%dma_start3A_359, %dma_start3A_360] : memref<10240x128xf32, #tpu.memory_space<vmem_shared>> -> memref<10240x128xf32, #tpu.memory_space<vmem_shared>>
      tpu.enqueue_indirect_dma source(%arg11 : memref<128x128xf32, #tpu.memory_space<vmem>>) target(%dma_start3A_361 : memref<10240x128xf32, #tpu.memory_space<vmem_shared>>) offsets(%arg10 : memref<128xi32, #tpu.memory_space<vmem>>) semaphore(%arg19 : memref<!tpu.dma_semaphore, #tpu.memory_space<semaphore_mem>>) {add = true}
      %add3A_362 = arith.constant 2 : i32
      %add3A_363 = arith.addi %mul3A_285, %add3A_362 : i32
      %lt3A = arith.cmpi slt, %add3A_363, %select_n3A : i32
      %convert_element_type3A_364 = arith.extui %lt3A : i1 to i32
      %cond3A_365 = arith.constant 0 : i32
      %cond3A_366 = arith.cmpi ne, %convert_element_type3A_364, %cond3A_365 : i32
      scf.if %cond3A_366 {
        %add3A_451 = arith.constant 2 : i32
        %add3A_452 = arith.addi %mul3A_285, %add3A_451 : i32
        %mul3A_453 = arith.constant 128 : i32
        %mul3A_454 = arith.muli %add3A_452, %mul3A_453 : i32
        %add3A_455 = arith.addi %add3A, %mul3A_454 : i32
        %dma_start3A_456 = tpu.memref_slice %arg2[%add3A_455] : memref<323584xi32, #tpu.memory_space<hbm>> -> memref<128xi32, #tpu.memory_space<hbm>>
        %dma_start3A_457 = tpu.memref_slice %arg2[%add3A_455] : memref<323584xi32, #tpu.memory_space<hbm>> -> memref<128xi32, #tpu.memory_space<hbm>>
        tpu.enqueue_dma source(%dma_start3A_457 : memref<128xi32, #tpu.memory_space<hbm>>) target(%arg6 : memref<128xi32, #tpu.memory_space<vmem>>) target_semaphore(%arg15 : memref<!tpu.dma_semaphore, #tpu.memory_space<semaphore_mem>>)
        %mul3A_458 = arith.constant 128 : i32
        %mul3A_459 = arith.muli %add3A_452, %mul3A_458 : i32
        %add3A_460 = arith.addi %add3A, %mul3A_459 : i32
        %dma_start3A_461 = tpu.memref_slice %arg3[%add3A_460] : memref<323584xi32, #tpu.memory_space<hbm>> -> memref<128xi32, #tpu.memory_space<hbm>>
        %dma_start3A_462 = tpu.memref_slice %arg3[%add3A_460] : memref<323584xi32, #tpu.memory_space<hbm>> -> memref<128xi32, #tpu.memory_space<hbm>>
        tpu.enqueue_dma source(%dma_start3A_462 : memref<128xi32, #tpu.memory_space<hbm>>) target(%arg8 : memref<128xi32, #tpu.memory_space<vmem>>) target_semaphore(%arg17 : memref<!tpu.dma_semaphore, #tpu.memory_space<semaphore_mem>>)
      } else {
      }
      %add3A_367 = arith.constant 1 : i32
      %add3A_368 = arith.addi %mul3A_285, %add3A_367 : i32
      %dma_wait3A_369 = arith.constant 0 : i32
      %dma_wait3A_370 = arith.constant 0 : i32
      %dma_wait3A_371 = tpu.memref_slice %arg4[%dma_wait3A_369, %dma_wait3A_370] : memref<10240x128xf32, #tpu.memory_space<hbm>> -> memref<10240x128xf32, #tpu.memory_space<hbm>>
      tpu.wait_indirect_dma semaphore(%arg14 : memref<!tpu.dma_semaphore, #tpu.memory_space<semaphore_mem>>) src(%dma_wait3A_371 : memref<10240x128xf32, #tpu.memory_space<hbm>>) dst(%arg12 : memref<128x128xf32, #tpu.memory_space<vmem>>)
      %dma_wait3A_372 = arith.constant 0 : i32
      %dma_wait3A_373 = tpu.memref_slice %arg2[%dma_wait3A_372] : memref<323584xi32, #tpu.memory_space<hbm>> -> memref<128xi32, #tpu.memory_space<hbm>>
      %dma_wait3A_374 = arith.constant 0 : i32
      %dma_wait3A_375 = tpu.memref_slice %arg2[%dma_wait3A_374] : memref<323584xi32, #tpu.memory_space<hbm>> -> memref<128xi32, #tpu.memory_space<hbm>>
      tpu.wait_dma2 semaphore(%arg15 : memref<!tpu.dma_semaphore, #tpu.memory_space<semaphore_mem>>) src(%dma_wait3A_375 : memref<128xi32, #tpu.memory_space<hbm>>) dst(%arg6 : memref<128xi32, #tpu.memory_space<vmem>>)
      %dma_wait3A_376 = arith.constant 0 : i32
      %dma_wait3A_377 = arith.constant 0 : i32
      %dma_wait3A_378 = tpu.memref_slice %arg13[%dma_wait3A_376, %dma_wait3A_377] : memref<10240x128xf32, #tpu.memory_space<vmem_shared>> -> memref<10240x128xf32, #tpu.memory_space<vmem_shared>>
      tpu.wait_indirect_dma semaphore(%arg19 : memref<!tpu.dma_semaphore, #tpu.memory_space<semaphore_mem>>) src(%arg11 : memref<128x128xf32, #tpu.memory_space<vmem>>) dst(%dma_wait3A_378 : memref<10240x128xf32, #tpu.memory_space<vmem_shared>>)
      %dma_start3A_379 = arith.constant 0 : i32
      %dma_start3A_380 = arith.constant 0 : i32
      %dma_start3A_381 = tpu.memref_slice %arg4[%dma_start3A_379, %dma_start3A_380] : memref<10240x128xf32, #tpu.memory_space<hbm>> -> memref<10240x128xf32, #tpu.memory_space<hbm>>
      tpu.enqueue_indirect_dma source(%dma_start3A_381 : memref<10240x128xf32, #tpu.memory_space<hbm>>) target(%arg11 : memref<128x128xf32, #tpu.memory_space<vmem>>) offsets(%arg6 : memref<128xi32, #tpu.memory_space<vmem>>) semaphore(%arg14 : memref<!tpu.dma_semaphore, #tpu.memory_space<semaphore_mem>>)
      %dma_wait3A_382 = arith.constant 0 : i32
      %dma_wait3A_383 = tpu.memref_slice %arg3[%dma_wait3A_382] : memref<323584xi32, #tpu.memory_space<hbm>> -> memref<128xi32, #tpu.memory_space<hbm>>
      %dma_wait3A_384 = arith.constant 0 : i32
      %dma_wait3A_385 = tpu.memref_slice %arg3[%dma_wait3A_384] : memref<323584xi32, #tpu.memory_space<hbm>> -> memref<128xi32, #tpu.memory_space<hbm>>
      tpu.wait_dma2 semaphore(%arg18 : memref<!tpu.dma_semaphore, #tpu.memory_space<semaphore_mem>>) src(%dma_wait3A_385 : memref<128xi32, #tpu.memory_space<hbm>>) dst(%arg9 : memref<128xi32, #tpu.memory_space<vmem>>)
      %get3A_386 = arith.constant 0 : index
      %get3A_387 = tpu.vector_load %arg9[%get3A_386] {strides = array<i32>} : memref<128xi32, #tpu.memory_space<vmem>>, vector<16xi32>,
      %get3A_388 = vector.shape_cast %get3A_387 : vector<16xi32> to vector<16xi32>
      %swap3A_389 = arith.constant 0 : index
      %swap3A_390 = tpu.vector_load %arg10[%swap3A_389] {strides = array<i32>} : memref<128xi32, #tpu.memory_space<vmem>>, vector<16xi32>,
      %swap3A_391 = vector.shape_cast %swap3A_390 : vector<16xi32> to vector<16xi32>
      %swap3A_392 = vector.shape_cast %get3A_388 : vector<16xi32> to vector<16xi32>
      tpu.vector_store %arg10[%swap3A_389], %swap3A_392 {strides = array<i32>} : memref<128xi32, #tpu.memory_space<vmem>>, vector<16xi32>,
      %get3A_393 = arith.constant 16 : index
      %get3A_394 = tpu.vector_load %arg9[%get3A_393] {strides = array<i32>} : memref<128xi32, #tpu.memory_space<vmem>>, vector<16xi32>,
      %get3A_395 = vector.shape_cast %get3A_394 : vector<16xi32> to vector<16xi32>
      %swap3A_396 = arith.constant 16 : index
      %swap3A_397 = tpu.vector_load %arg10[%swap3A_396] {strides = array<i32>} : memref<128xi32, #tpu.memory_space<vmem>>, vector<16xi32>,
      %swap3A_398 = vector.shape_cast %swap3A_397 : vector<16xi32> to vector<16xi32>
      %swap3A_399 = vector.shape_cast %get3A_395 : vector<16xi32> to vector<16xi32>
      tpu.vector_store %arg10[%swap3A_396], %swap3A_399 {strides = array<i32>} : memref<128xi32, #tpu.memory_space<vmem>>, vector<16xi32>,
      %get3A_400 = arith.constant 32 : index
      %get3A_401 = tpu.vector_load %arg9[%get3A_400] {strides = array<i32>} : memref<128xi32, #tpu.memory_space<vmem>>, vector<16xi32>,
      %get3A_402 = vector.shape_cast %get3A_401 : vector<16xi32> to vector<16xi32>
      %swap3A_403 = arith.constant 32 : index
      %swap3A_404 = tpu.vector_load %arg10[%swap3A_403] {strides = array<i32>} : memref<128xi32, #tpu.memory_space<vmem>>, vector<16xi32>,
      %swap3A_405 = vector.shape_cast %swap3A_404 : vector<16xi32> to vector<16xi32>
      %swap3A_406 = vector.shape_cast %get3A_402 : vector<16xi32> to vector<16xi32>
      tpu.vector_store %arg10[%swap3A_403], %swap3A_406 {strides = array<i32>} : memref<128xi32, #tpu.memory_space<vmem>>, vector<16xi32>,
      %get3A_407 = arith.constant 48 : index
      %get3A_408 = tpu.vector_load %arg9[%get3A_407] {strides = array<i32>} : memref<128xi32, #tpu.memory_space<vmem>>, vector<16xi32>,
      %get3A_409 = vector.shape_cast %get3A_408 : vector<16xi32> to vector<16xi32>
      %swap3A_410 = arith.constant 48 : index
      %swap3A_411 = tpu.vector_load %arg10[%swap3A_410] {strides = array<i32>} : memref<128xi32, #tpu.memory_space<vmem>>, vector<16xi32>,
      %swap3A_412 = vector.shape_cast %swap3A_411 : vector<16xi32> to vector<16xi32>
      %swap3A_413 = vector.shape_cast %get3A_409 : vector<16xi32> to vector<16xi32>
      tpu.vector_store %arg10[%swap3A_410], %swap3A_413 {strides = array<i32>} : memref<128xi32, #tpu.memory_space<vmem>>, vector<16xi32>,
      %get3A_414 = arith.constant 64 : index
      %get3A_415 = tpu.vector_load %arg9[%get3A_414] {strides = array<i32>} : memref<128xi32, #tpu.memory_space<vmem>>, vector<16xi32>,
      %get3A_416 = vector.shape_cast %get3A_415 : vector<16xi32> to vector<16xi32>
      %swap3A_417 = arith.constant 64 : index
      %swap3A_418 = tpu.vector_load %arg10[%swap3A_417] {strides = array<i32>} : memref<128xi32, #tpu.memory_space<vmem>>, vector<16xi32>,
      %swap3A_419 = vector.shape_cast %swap3A_418 : vector<16xi32> to vector<16xi32>
      %swap3A_420 = vector.shape_cast %get3A_416 : vector<16xi32> to vector<16xi32>
      tpu.vector_store %arg10[%swap3A_417], %swap3A_420 {strides = array<i32>} : memref<128xi32, #tpu.memory_space<vmem>>, vector<16xi32>,
      %get3A_421 = arith.constant 80 : index
      %get3A_422 = tpu.vector_load %arg9[%get3A_421] {strides = array<i32>} : memref<128xi32, #tpu.memory_space<vmem>>, vector<16xi32>,
      %get3A_423 = vector.shape_cast %get3A_422 : vector<16xi32> to vector<16xi32>
      %swap3A_424 = arith.constant 80 : index
      %swap3A_425 = tpu.vector_load %arg10[%swap3A_424] {strides = array<i32>} : memref<128xi32, #tpu.memory_space<vmem>>, vector<16xi32>,
      %swap3A_426 = vector.shape_cast %swap3A_425 : vector<16xi32> to vector<16xi32>
      %swap3A_427 = vector.shape_cast %get3A_423 : vector<16xi32> to vector<16xi32>
      tpu.vector_store %arg10[%swap3A_424], %swap3A_427 {strides = array<i32>} : memref<128xi32, #tpu.memory_space<vmem>>, vector<16xi32>,
      %get3A_428 = arith.constant 96 : index
      %get3A_429 = tpu.vector_load %arg9[%get3A_428] {strides = array<i32>} : memref<128xi32, #tpu.memory_space<vmem>>, vector<16xi32>,
      %get3A_430 = vector.shape_cast %get3A_429 : vector<16xi32> to vector<16xi32>
      %swap3A_431 = arith.constant 96 : index
      %swap3A_432 = tpu.vector_load %arg10[%swap3A_431] {strides = array<i32>} : memref<128xi32, #tpu.memory_space<vmem>>, vector<16xi32>,
      %swap3A_433 = vector.shape_cast %swap3A_432 : vector<16xi32> to vector<16xi32>
      %swap3A_434 = vector.shape_cast %get3A_430 : vector<16xi32> to vector<16xi32>
      tpu.vector_store %arg10[%swap3A_431], %swap3A_434 {strides = array<i32>} : memref<128xi32, #tpu.memory_space<vmem>>, vector<16xi32>,
      %get3A_435 = arith.constant 112 : index
      %get3A_436 = tpu.vector_load %arg9[%get3A_435] {strides = array<i32>} : memref<128xi32, #tpu.memory_space<vmem>>, vector<16xi32>,
      %get3A_437 = vector.shape_cast %get3A_436 : vector<16xi32> to vector<16xi32>
      %swap3A_438 = arith.constant 112 : index
      %swap3A_439 = tpu.vector_load %arg10[%swap3A_438] {strides = array<i32>} : memref<128xi32, #tpu.memory_space<vmem>>, vector<16xi32>,
      %swap3A_440 = vector.shape_cast %swap3A_439 : vector<16xi32> to vector<16xi32>
      %swap3A_441 = vector.shape_cast %get3A_437 : vector<16xi32> to vector<16xi32>
      tpu.vector_store %arg10[%swap3A_438], %swap3A_441 {strides = array<i32>} : memref<128xi32, #tpu.memory_space<vmem>>, vector<16xi32>,
      %dma_start3A_442 = arith.constant 0 : i32
      %dma_start3A_443 = arith.constant 0 : i32
      %dma_start3A_444 = tpu.memref_slice %arg13[%dma_start3A_442, %dma_start3A_443] : memref<10240x128xf32, #tpu.memory_space<vmem_shared>> -> memref<10240x128xf32, #tpu.memory_space<vmem_shared>>
      tpu.enqueue_indirect_dma source(%arg12 : memref<128x128xf32, #tpu.memory_space<vmem>>) target(%dma_start3A_444 : memref<10240x128xf32, #tpu.memory_space<vmem_shared>>) offsets(%arg10 : memref<128xi32, #tpu.memory_space<vmem>>) semaphore(%arg19 : memref<!tpu.dma_semaphore, #tpu.memory_space<semaphore_mem>>) {add = true}
      %add3A_445 = arith.constant 2 : i32
      %add3A_446 = arith.addi %add3A_368, %add3A_445 : i32
      %lt3A_447 = arith.cmpi slt, %add3A_446, %select_n3A : i32
      %convert_element_type3A_448 = arith.extui %lt3A_447 : i1 to i32
      %cond3A_449 = arith.constant 0 : i32
      %cond3A_450 = arith.cmpi ne, %convert_element_type3A_448, %cond3A_449 : i32
      scf.if %cond3A_450 {
        %add3A_451 = arith.constant 2 : i32
        %add3A_452 = arith.addi %add3A_368, %add3A_451 : i32
        %mul3A_453 = arith.constant 128 : i32
        %mul3A_454 = arith.muli %add3A_452, %mul3A_453 : i32
        %add3A_455 = arith.addi %add3A, %mul3A_454 : i32
        %dma_start3A_456 = tpu.memref_slice %arg2[%add3A_455] : memref<323584xi32, #tpu.memory_space<hbm>> -> memref<128xi32, #tpu.memory_space<hbm>>
        %dma_start3A_457 = tpu.memref_slice %arg2[%add3A_455] : memref<323584xi32, #tpu.memory_space<hbm>> -> memref<128xi32, #tpu.memory_space<hbm>>
        tpu.enqueue_dma source(%dma_start3A_457 : memref<128xi32, #tpu.memory_space<hbm>>) target(%arg7 : memref<128xi32, #tpu.memory_space<vmem>>) target_semaphore(%arg16 : memref<!tpu.dma_semaphore, #tpu.memory_space<semaphore_mem>>)
        %mul3A_458 = arith.constant 128 : i32
        %mul3A_459 = arith.muli %add3A_452, %mul3A_458 : i32
        %add3A_460 = arith.addi %add3A, %mul3A_459 : i32
        %dma_start3A_461 = tpu.memref_slice %arg3[%add3A_460] : memref<323584xi32, #tpu.memory_space<hbm>> -> memref<128xi32, #tpu.memory_space<hbm>>
        %dma_start3A_462 = tpu.memref_slice %arg3[%add3A_460] : memref<323584xi32, #tpu.memory_space<hbm>> -> memref<128xi32, #tpu.memory_space<hbm>>
        tpu.enqueue_dma source(%dma_start3A_462 : memref<128xi32, #tpu.memory_space<hbm>>) target(%arg9 : memref<128xi32, #tpu.memory_space<vmem>>) target_semaphore(%arg18 : memref<!tpu.dma_semaphore, #tpu.memory_space<semaphore_mem>>)
      } else {
      }
    }
    %dma_wait3A_210 = arith.constant 0 : i32
    %dma_wait3A_211 = arith.constant 0 : i32
    %dma_wait3A_212 = tpu.memref_slice %arg4[%dma_wait3A_210, %dma_wait3A_211] : memref<10240x128xf32, #tpu.memory_space<hbm>> -> memref<10240x128xf32, #tpu.memory_space<hbm>>
    tpu.wait_indirect_dma semaphore(%arg14 : memref<!tpu.dma_semaphore, #tpu.memory_space<semaphore_mem>>) src(%dma_wait3A_212 : memref<10240x128xf32, #tpu.memory_space<hbm>>) dst(%arg11 : memref<128x128xf32, #tpu.memory_space<vmem>>)
    %dma_wait3A_213 = arith.constant 0 : i32
    %dma_wait3A_214 = arith.constant 0 : i32
    %dma_wait3A_215 = tpu.memref_slice %arg13[%dma_wait3A_213, %dma_wait3A_214] : memref<10240x128xf32, #tpu.memory_space<vmem_shared>> -> memref<10240x128xf32, #tpu.memory_space<vmem_shared>>
    tpu.wait_indirect_dma semaphore(%arg19 : memref<!tpu.dma_semaphore, #tpu.memory_space<semaphore_mem>>) src(%arg12 : memref<128x128xf32, #tpu.memory_space<vmem>>) dst(%dma_wait3A_215 : memref<10240x128xf32, #tpu.memory_space<vmem_shared>>)
    %dma_wait3A_216 = arith.constant 0 : i32
    %dma_wait3A_217 = tpu.memref_slice %arg3[%dma_wait3A_216] : memref<323584xi32, #tpu.memory_space<hbm>> -> memref<128xi32, #tpu.memory_space<hbm>>
    %dma_wait3A_218 = arith.constant 0 : i32
    %dma_wait3A_219 = tpu.memref_slice %arg3[%dma_wait3A_218] : memref<323584xi32, #tpu.memory_space<hbm>> -> memref<128xi32, #tpu.memory_space<hbm>>
    tpu.wait_dma2 semaphore(%arg17 : memref<!tpu.dma_semaphore, #tpu.memory_space<semaphore_mem>>) src(%dma_wait3A_219 : memref<128xi32, #tpu.memory_space<hbm>>) dst(%arg8 : memref<128xi32, #tpu.memory_space<vmem>>)
    %get3A_220 = arith.constant 0 : index
    %get3A_221 = tpu.vector_load %arg8[%get3A_220] {strides = array<i32>} : memref<128xi32, #tpu.memory_space<vmem>>, vector<16xi32>,
    %get3A_222 = vector.shape_cast %get3A_221 : vector<16xi32> to vector<16xi32>
    %swap3A_223 = arith.constant 0 : index
    %swap3A_224 = tpu.vector_load %arg10[%swap3A_223] {strides = array<i32>} : memref<128xi32, #tpu.memory_space<vmem>>, vector<16xi32>,
    %swap3A_225 = vector.shape_cast %swap3A_224 : vector<16xi32> to vector<16xi32>
    %swap3A_226 = vector.shape_cast %get3A_222 : vector<16xi32> to vector<16xi32>
    tpu.vector_store %arg10[%swap3A_223], %swap3A_226 {strides = array<i32>} : memref<128xi32, #tpu.memory_space<vmem>>, vector<16xi32>,
    %get3A_227 = arith.constant 16 : index
    %get3A_228 = tpu.vector_load %arg8[%get3A_227] {strides = array<i32>} : memref<128xi32, #tpu.memory_space<vmem>>, vector<16xi32>,
    %get3A_229 = vector.shape_cast %get3A_228 : vector<16xi32> to vector<16xi32>
    %swap3A_230 = arith.constant 16 : index
    %swap3A_231 = tpu.vector_load %arg10[%swap3A_230] {strides = array<i32>} : memref<128xi32, #tpu.memory_space<vmem>>, vector<16xi32>,
    %swap3A_232 = vector.shape_cast %swap3A_231 : vector<16xi32> to vector<16xi32>
    %swap3A_233 = vector.shape_cast %get3A_229 : vector<16xi32> to vector<16xi32>
    tpu.vector_store %arg10[%swap3A_230], %swap3A_233 {strides = array<i32>} : memref<128xi32, #tpu.memory_space<vmem>>, vector<16xi32>,
    %get3A_234 = arith.constant 32 : index
    %get3A_235 = tpu.vector_load %arg8[%get3A_234] {strides = array<i32>} : memref<128xi32, #tpu.memory_space<vmem>>, vector<16xi32>,
    %get3A_236 = vector.shape_cast %get3A_235 : vector<16xi32> to vector<16xi32>
    %swap3A_237 = arith.constant 32 : index
    %swap3A_238 = tpu.vector_load %arg10[%swap3A_237] {strides = array<i32>} : memref<128xi32, #tpu.memory_space<vmem>>, vector<16xi32>,
    %swap3A_239 = vector.shape_cast %swap3A_238 : vector<16xi32> to vector<16xi32>
    %swap3A_240 = vector.shape_cast %get3A_236 : vector<16xi32> to vector<16xi32>
    tpu.vector_store %arg10[%swap3A_237], %swap3A_240 {strides = array<i32>} : memref<128xi32, #tpu.memory_space<vmem>>, vector<16xi32>,
    %get3A_241 = arith.constant 48 : index
    %get3A_242 = tpu.vector_load %arg8[%get3A_241] {strides = array<i32>} : memref<128xi32, #tpu.memory_space<vmem>>, vector<16xi32>,
    %get3A_243 = vector.shape_cast %get3A_242 : vector<16xi32> to vector<16xi32>
    %swap3A_244 = arith.constant 48 : index
    %swap3A_245 = tpu.vector_load %arg10[%swap3A_244] {strides = array<i32>} : memref<128xi32, #tpu.memory_space<vmem>>, vector<16xi32>,
    %swap3A_246 = vector.shape_cast %swap3A_245 : vector<16xi32> to vector<16xi32>
    %swap3A_247 = vector.shape_cast %get3A_243 : vector<16xi32> to vector<16xi32>
    tpu.vector_store %arg10[%swap3A_244], %swap3A_247 {strides = array<i32>} : memref<128xi32, #tpu.memory_space<vmem>>, vector<16xi32>,
    %get3A_248 = arith.constant 64 : index
    %get3A_249 = tpu.vector_load %arg8[%get3A_248] {strides = array<i32>} : memref<128xi32, #tpu.memory_space<vmem>>, vector<16xi32>,
    %get3A_250 = vector.shape_cast %get3A_249 : vector<16xi32> to vector<16xi32>
    %swap3A_251 = arith.constant 64 : index
    %swap3A_252 = tpu.vector_load %arg10[%swap3A_251] {strides = array<i32>} : memref<128xi32, #tpu.memory_space<vmem>>, vector<16xi32>,
    %swap3A_253 = vector.shape_cast %swap3A_252 : vector<16xi32> to vector<16xi32>
    %swap3A_254 = vector.shape_cast %get3A_250 : vector<16xi32> to vector<16xi32>
    tpu.vector_store %arg10[%swap3A_251], %swap3A_254 {strides = array<i32>} : memref<128xi32, #tpu.memory_space<vmem>>, vector<16xi32>,
    %get3A_255 = arith.constant 80 : index
    %get3A_256 = tpu.vector_load %arg8[%get3A_255] {strides = array<i32>} : memref<128xi32, #tpu.memory_space<vmem>>, vector<16xi32>,
    %get3A_257 = vector.shape_cast %get3A_256 : vector<16xi32> to vector<16xi32>
    %swap3A_258 = arith.constant 80 : index
    %swap3A_259 = tpu.vector_load %arg10[%swap3A_258] {strides = array<i32>} : memref<128xi32, #tpu.memory_space<vmem>>, vector<16xi32>,
    %swap3A_260 = vector.shape_cast %swap3A_259 : vector<16xi32> to vector<16xi32>
    %swap3A_261 = vector.shape_cast %get3A_257 : vector<16xi32> to vector<16xi32>
    tpu.vector_store %arg10[%swap3A_258], %swap3A_261 {strides = array<i32>} : memref<128xi32, #tpu.memory_space<vmem>>, vector<16xi32>,
    %get3A_262 = arith.constant 96 : index
    %get3A_263 = tpu.vector_load %arg8[%get3A_262] {strides = array<i32>} : memref<128xi32, #tpu.memory_space<vmem>>, vector<16xi32>,
    %get3A_264 = vector.shape_cast %get3A_263 : vector<16xi32> to vector<16xi32>
    %swap3A_265 = arith.constant 96 : index
    %swap3A_266 = tpu.vector_load %arg10[%swap3A_265] {strides = array<i32>} : memref<128xi32, #tpu.memory_space<vmem>>, vector<16xi32>,
    %swap3A_267 = vector.shape_cast %swap3A_266 : vector<16xi32> to vector<16xi32>
    %swap3A_268 = vector.shape_cast %get3A_264 : vector<16xi32> to vector<16xi32>
    tpu.vector_store %arg10[%swap3A_265], %swap3A_268 {strides = array<i32>} : memref<128xi32, #tpu.memory_space<vmem>>, vector<16xi32>,
    %get3A_269 = arith.constant 112 : index
    %get3A_270 = tpu.vector_load %arg8[%get3A_269] {strides = array<i32>} : memref<128xi32, #tpu.memory_space<vmem>>, vector<16xi32>,
    %get3A_271 = vector.shape_cast %get3A_270 : vector<16xi32> to vector<16xi32>
    %swap3A_272 = arith.constant 112 : index
    %swap3A_273 = tpu.vector_load %arg10[%swap3A_272] {strides = array<i32>} : memref<128xi32, #tpu.memory_space<vmem>>, vector<16xi32>,
    %swap3A_274 = vector.shape_cast %swap3A_273 : vector<16xi32> to vector<16xi32>
    %swap3A_275 = vector.shape_cast %get3A_271 : vector<16xi32> to vector<16xi32>
    tpu.vector_store %arg10[%swap3A_272], %swap3A_275 {strides = array<i32>} : memref<128xi32, #tpu.memory_space<vmem>>, vector<16xi32>,
    %dma_start3A_276 = arith.constant 0 : i32
    %dma_start3A_277 = arith.constant 0 : i32
    %dma_start3A_278 = tpu.memref_slice %arg13[%dma_start3A_276, %dma_start3A_277] : memref<10240x128xf32, #tpu.memory_space<vmem_shared>> -> memref<10240x128xf32, #tpu.memory_space<vmem_shared>>
    tpu.enqueue_indirect_dma source(%arg11 : memref<128x128xf32, #tpu.memory_space<vmem>>) target(%dma_start3A_278 : memref<10240x128xf32, #tpu.memory_space<vmem_shared>>) offsets(%arg10 : memref<128xi32, #tpu.memory_space<vmem>>) semaphore(%arg19 : memref<!tpu.dma_semaphore, #tpu.memory_space<semaphore_mem>>) {add = true}
    %dma_wait3A_279 = arith.constant 0 : i32
    %dma_wait3A_280 = arith.constant 0 : i32
    %dma_wait3A_281 = tpu.memref_slice %arg13[%dma_wait3A_279, %dma_wait3A_280] : memref<10240x128xf32, #tpu.memory_space<vmem_shared>> -> memref<10240x128xf32, #tpu.memory_space<vmem_shared>>
    tpu.wait_indirect_dma semaphore(%arg19 : memref<!tpu.dma_semaphore, #tpu.memory_space<semaphore_mem>>) src(%arg11 : memref<128x128xf32, #tpu.memory_space<vmem>>) dst(%dma_wait3A_281 : memref<10240x128xf32, #tpu.memory_space<vmem_shared>>)
    %barrier3A_282 = arith.constant 0 : index
    tpu.barrier barrier_id(%barrier3A_282)
    "tpu.region"() ({
      %run_scoped3A = tpu.sem_alloc : memref<!tpu.dma_semaphore, #tpu.memory_space<semaphore_mem>>
      %dma_start3A_283 = arith.constant 0 : i32
      %dma_start3A_284 = tpu.memref_slice %arg5[%arg0, %mul3A_0, %dma_start3A_283] : memref<2x10240x128xf32, #tpu.memory_space<hbm>> -> memref<1x640x128xf32, #tpu.memory_space<hbm>>
      %dma_start3A_285 = tpu.memref_squeeze %dma_start3A_284 : memref<1x640x128xf32, #tpu.memory_space<hbm>> -> memref<640x128xf32, #tpu.memory_space<hbm>>
      %dma_start3A_286 = arith.constant 0 : i32
      %dma_start3A_287 = tpu.memref_slice %arg13[%mul3A_0, %dma_start3A_286] : memref<10240x128xf32, #tpu.memory_space<vmem_shared>> -> memref<640x128xf32, #tpu.memory_space<vmem_shared>>
      tpu.enqueue_dma source(%dma_start3A_287 : memref<640x128xf32, #tpu.memory_space<vmem_shared>>) target(%dma_start3A_285 : memref<640x128xf32, #tpu.memory_space<hbm>>) target_semaphore(%run_scoped3A : memref<!tpu.dma_semaphore, #tpu.memory_space<semaphore_mem>>)
      %dma_wait3A_288 = arith.constant 0 : i32
      %dma_wait3A_289 = tpu.memref_slice %arg5[%arg0, %mul3A_0, %dma_wait3A_288] : memref<2x10240x128xf32, #tpu.memory_space<hbm>> -> memref<1x640x128xf32, #tpu.memory_space<hbm>>
      %dma_wait3A_290 = tpu.memref_squeeze %dma_wait3A_289 : memref<1x640x128xf32, #tpu.memory_space<hbm>> -> memref<640x128xf32, #tpu.memory_space<hbm>>
      %dma_wait3A_291 = arith.constant 0 : i32
      %dma_wait3A_292 = tpu.memref_slice %arg13[%mul3A_0, %dma_wait3A_291] : memref<10240x128xf32, #tpu.memory_space<vmem_shared>> -> memref<640x128xf32, #tpu.memory_space<vmem_shared>>
      tpu.wait_dma2 semaphore(%run_scoped3A : memref<!tpu.dma_semaphore, #tpu.memory_space<semaphore_mem>>) src(%dma_wait3A_292 : memref<640x128xf32, #tpu.memory_space<vmem_shared>>) dst(%dma_wait3A_290 : memref<640x128xf32, #tpu.memory_space<hbm>>)
      tpu.yield
    }) : () -> ()
    return
  }
}

#map = affine_map<(d0, d1) -> (0)>
#map1 = affine_map<(d0, d1) -> (0, 0)>
#map2 = affine_map<(d0, d1) -> (0, 0, 0)>
module attributes {stable_mosaic.version = 14 : i64} {
  func.func @spmm_k(%arg0: i32, %arg1: i32, %arg2: memref<323584xi32, #tpu.memory_space<hbm>>, %arg3: memref<323584xi32, #tpu.memory_space<hbm>>, %arg4: memref<10240x128xf32, #tpu.memory_space<hbm>>, %arg5: memref<2x10240x128xf32, #tpu.memory_space<hbm>>, %arg6: memref<128xi32, #tpu.memory_space<vmem>>, %arg7: memref<128xi32, #tpu.memory_space<vmem>>, %arg8: memref<128xi32, #tpu.memory_space<vmem>>, %arg9: memref<128xi32, #tpu.memory_space<vmem>>, %arg10: memref<128xi32, #tpu.memory_space<vmem>>, %arg11: memref<128x128xf32, #tpu.memory_space<vmem>>, %arg12: memref<128x128xf32, #tpu.memory_space<vmem>>, %arg13: memref<10240x128xf32, #tpu.memory_space<vmem_shared>>, %arg14: memref<!tpu.dma_semaphore, #tpu.memory_space<semaphore_mem>>, %arg15: memref<!tpu.dma_semaphore, #tpu.memory_space<semaphore_mem>>, %arg16: memref<!tpu.dma_semaphore, #tpu.memory_space<semaphore_mem>>, %arg17: memref<!tpu.dma_semaphore, #tpu.memory_space<semaphore_mem>>, %arg18: memref<!tpu.dma_semaphore, #tpu.memory_space<semaphore_mem>>, %arg19: memref<!tpu.dma_semaphore, #tpu.memory_space<semaphore_mem>>) attributes {dimension_semantics = [#tpu.dimension_semantics<core_parallel>, #tpu.dimension_semantics<subcore_parallel>], iteration_bounds = array<i64: 2, 16>, scalar_prefetch = 0 : i64, scratch_operands = 14 : i64, tpu.core_type = #tpu.core_type<sc_vector_subcore>, window_params = [{transform_indices = #map}, {transform_indices = #map}, {transform_indices = #map1}, {transform_indices = #map2}]} {
    %mul3A = arith.constant 640 : i32
    %mul3A_0 = arith.muli %arg1, %mul3A : i32
    %eq3A = arith.constant 0 : i32
    %eq3A_1 = arith.cmpi eq, %arg0, %eq3A : i32
    %jit3A = arith.constant 127 : i32
    %jit3A_2 = arith.constant 31 : i32
    %select_n3A = arith.select %eq3A_1, %jit3A, %jit3A_2 : i32
    %mul3A_3 = arith.constant 260096 : i32
    %mul3A_4 = arith.muli %arg0, %mul3A_3 : i32
    %mul3A_5 = arith.muli %arg1, %select_n3A : i32
    %mul3A_6 = arith.constant 128 : i32
    %mul3A_7 = arith.muli %mul3A_5, %mul3A_6 : i32
    %add3A = arith.addi %mul3A_4, %mul3A_7 : i32
    "tpu.region"() ({
      %run_scoped3A = tpu.sem_alloc : memref<!tpu.dma_semaphore, #tpu.memory_space<semaphore_mem>>
      %dma_start3A_283 = arith.constant 0 : i32
      %dma_start3A_284 = tpu.memref_slice %arg13[%mul3A_0, %dma_start3A_283] : memref<10240x128xf32, #tpu.memory_space<vmem_shared>> -> memref<640x128xf32, #tpu.memory_space<vmem_shared>>
      %dma_start3A_285 = arith.constant 0 : i32
      %dma_start3A_286 = tpu.memref_slice %arg4[%mul3A_0, %dma_start3A_285] : memref<10240x128xf32, #tpu.memory_space<hbm>> -> memref<640x128xf32, #tpu.memory_space<hbm>>
      tpu.enqueue_dma source(%dma_start3A_286 : memref<640x128xf32, #tpu.memory_space<hbm>>) target(%dma_start3A_284 : memref<640x128xf32, #tpu.memory_space<vmem_shared>>) target_semaphore(%run_scoped3A : memref<!tpu.dma_semaphore, #tpu.memory_space<semaphore_mem>>)
      %dma_wait3A_287 = arith.constant 0 : i32
      %dma_wait3A_288 = tpu.memref_slice %arg13[%mul3A_0, %dma_wait3A_287] : memref<10240x128xf32, #tpu.memory_space<vmem_shared>> -> memref<640x128xf32, #tpu.memory_space<vmem_shared>>
      %dma_wait3A_289 = arith.constant 0 : i32
      %dma_wait3A_290 = tpu.memref_slice %arg4[%mul3A_0, %dma_wait3A_289] : memref<10240x128xf32, #tpu.memory_space<hbm>> -> memref<640x128xf32, #tpu.memory_space<hbm>>
      tpu.wait_dma2 semaphore(%run_scoped3A : memref<!tpu.dma_semaphore, #tpu.memory_space<semaphore_mem>>) src(%dma_wait3A_290 : memref<640x128xf32, #tpu.memory_space<hbm>>) dst(%dma_wait3A_288 : memref<640x128xf32, #tpu.memory_space<vmem_shared>>)
      tpu.yield
    }) : () -> ()
    %barrier3A = arith.constant 0 : index
    tpu.barrier barrier_id(%barrier3A)
    %add3A_8 = arith.constant 0 : i32
    %add3A_9 = arith.addi %add3A, %add3A_8 : i32
    %dma_start3A = tpu.memref_slice %arg2[%add3A_9] : memref<323584xi32, #tpu.memory_space<hbm>> -> memref<128xi32, #tpu.memory_space<hbm>>
    %dma_start3A_10 = tpu.memref_slice %arg2[%add3A_9] : memref<323584xi32, #tpu.memory_space<hbm>> -> memref<128xi32, #tpu.memory_space<hbm>>
    tpu.enqueue_dma source(%dma_start3A_10 : memref<128xi32, #tpu.memory_space<hbm>>) target(%arg6 : memref<128xi32, #tpu.memory_space<vmem>>) target_semaphore(%arg15 : memref<!tpu.dma_semaphore, #tpu.memory_space<semaphore_mem>>)
    %add3A_11 = arith.constant 0 : i32
    %add3A_12 = arith.addi %add3A, %add3A_11 : i32
    %dma_start3A_13 = tpu.memref_slice %arg3[%add3A_12] : memref<323584xi32, #tpu.memory_space<hbm>> -> memref<128xi32, #tpu.memory_space<hbm>>
    %dma_start3A_14 = tpu.memref_slice %arg3[%add3A_12] : memref<323584xi32, #tpu.memory_space<hbm>> -> memref<128xi32, #tpu.memory_space<hbm>>
    tpu.enqueue_dma source(%dma_start3A_14 : memref<128xi32, #tpu.memory_space<hbm>>) target(%arg8 : memref<128xi32, #tpu.memory_space<vmem>>) target_semaphore(%arg17 : memref<!tpu.dma_semaphore, #tpu.memory_space<semaphore_mem>>)
    %dma_wait3A = arith.constant 0 : i32
    %dma_wait3A_15 = tpu.memref_slice %arg2[%dma_wait3A] : memref<323584xi32, #tpu.memory_space<hbm>> -> memref<128xi32, #tpu.memory_space<hbm>>
    %dma_wait3A_16 = arith.constant 0 : i32
    %dma_wait3A_17 = tpu.memref_slice %arg2[%dma_wait3A_16] : memref<323584xi32, #tpu.memory_space<hbm>> -> memref<128xi32, #tpu.memory_space<hbm>>
    tpu.wait_dma2 semaphore(%arg15 : memref<!tpu.dma_semaphore, #tpu.memory_space<semaphore_mem>>) src(%dma_wait3A_17 : memref<128xi32, #tpu.memory_space<hbm>>) dst(%arg6 : memref<128xi32, #tpu.memory_space<vmem>>)
    %dma_start3A_18 = arith.constant 0 : i32
    %dma_start3A_19 = arith.constant 0 : i32
    %dma_start3A_20 = tpu.memref_slice %arg4[%dma_start3A_18, %dma_start3A_19] : memref<10240x128xf32, #tpu.memory_space<hbm>> -> memref<10240x128xf32, #tpu.memory_space<hbm>>
    tpu.enqueue_indirect_dma source(%dma_start3A_20 : memref<10240x128xf32, #tpu.memory_space<hbm>>) target(%arg11 : memref<128x128xf32, #tpu.memory_space<vmem>>) offsets(%arg6 : memref<128xi32, #tpu.memory_space<vmem>>) semaphore(%arg14 : memref<!tpu.dma_semaphore, #tpu.memory_space<semaphore_mem>>)
    %add3A_21 = arith.constant 128 : i32
    %add3A_22 = arith.addi %add3A, %add3A_21 : i32
    %dma_start3A_23 = tpu.memref_slice %arg2[%add3A_22] : memref<323584xi32, #tpu.memory_space<hbm>> -> memref<128xi32, #tpu.memory_space<hbm>>
    %dma_start3A_24 = tpu.memref_slice %arg2[%add3A_22] : memref<323584xi32, #tpu.memory_space<hbm>> -> memref<128xi32, #tpu.memory_space<hbm>>
    tpu.enqueue_dma source(%dma_start3A_24 : memref<128xi32, #tpu.memory_space<hbm>>) target(%arg7 : memref<128xi32, #tpu.memory_space<vmem>>) target_semaphore(%arg16 : memref<!tpu.dma_semaphore, #tpu.memory_space<semaphore_mem>>)
    %add3A_25 = arith.constant 128 : i32
    %add3A_26 = arith.addi %add3A, %add3A_25 : i32
    %dma_start3A_27 = tpu.memref_slice %arg3[%add3A_26] : memref<323584xi32, #tpu.memory_space<hbm>> -> memref<128xi32, #tpu.memory_space<hbm>>
    %dma_start3A_28 = tpu.memref_slice %arg3[%add3A_26] : memref<323584xi32, #tpu.memory_space<hbm>> -> memref<128xi32, #tpu.memory_space<hbm>>
    tpu.enqueue_dma source(%dma_start3A_28 : memref<128xi32, #tpu.memory_space<hbm>>) target(%arg9 : memref<128xi32, #tpu.memory_space<vmem>>) target_semaphore(%arg18 : memref<!tpu.dma_semaphore, #tpu.memory_space<semaphore_mem>>)
    %dma_wait3A_29 = arith.constant 0 : i32
    %dma_wait3A_30 = arith.constant 0 : i32
    %dma_wait3A_31 = tpu.memref_slice %arg4[%dma_wait3A_29, %dma_wait3A_30] : memref<10240x128xf32, #tpu.memory_space<hbm>> -> memref<10240x128xf32, #tpu.memory_space<hbm>>
    tpu.wait_indirect_dma semaphore(%arg14 : memref<!tpu.dma_semaphore, #tpu.memory_space<semaphore_mem>>) src(%dma_wait3A_31 : memref<10240x128xf32, #tpu.memory_space<hbm>>) dst(%arg11 : memref<128x128xf32, #tpu.memory_space<vmem>>)
    %dma_wait3A_32 = arith.constant 0 : i32
    %dma_wait3A_33 = tpu.memref_slice %arg2[%dma_wait3A_32] : memref<323584xi32, #tpu.memory_space<hbm>> -> memref<128xi32, #tpu.memory_space<hbm>>
    %dma_wait3A_34 = arith.constant 0 : i32
    %dma_wait3A_35 = tpu.memref_slice %arg2[%dma_wait3A_34] : memref<323584xi32, #tpu.memory_space<hbm>> -> memref<128xi32, #tpu.memory_space<hbm>>
    tpu.wait_dma2 semaphore(%arg16 : memref<!tpu.dma_semaphore, #tpu.memory_space<semaphore_mem>>) src(%dma_wait3A_35 : memref<128xi32, #tpu.memory_space<hbm>>) dst(%arg7 : memref<128xi32, #tpu.memory_space<vmem>>)
    %dma_start3A_36 = arith.constant 0 : i32
    %dma_start3A_37 = arith.constant 0 : i32
    %dma_start3A_38 = tpu.memref_slice %arg4[%dma_start3A_36, %dma_start3A_37] : memref<10240x128xf32, #tpu.memory_space<hbm>> -> memref<10240x128xf32, #tpu.memory_space<hbm>>
    tpu.enqueue_indirect_dma source(%dma_start3A_38 : memref<10240x128xf32, #tpu.memory_space<hbm>>) target(%arg12 : memref<128x128xf32, #tpu.memory_space<vmem>>) offsets(%arg7 : memref<128xi32, #tpu.memory_space<vmem>>) semaphore(%arg14 : memref<!tpu.dma_semaphore, #tpu.memory_space<semaphore_mem>>)
    %dma_wait3A_39 = arith.constant 0 : i32
    %dma_wait3A_40 = tpu.memref_slice %arg3[%dma_wait3A_39] : memref<323584xi32, #tpu.memory_space<hbm>> -> memref<128xi32, #tpu.memory_space<hbm>>
    %dma_wait3A_41 = arith.constant 0 : i32
    %dma_wait3A_42 = tpu.memref_slice %arg3[%dma_wait3A_41] : memref<323584xi32, #tpu.memory_space<hbm>> -> memref<128xi32, #tpu.memory_space<hbm>>
    tpu.wait_dma2 semaphore(%arg17 : memref<!tpu.dma_semaphore, #tpu.memory_space<semaphore_mem>>) src(%dma_wait3A_42 : memref<128xi32, #tpu.memory_space<hbm>>) dst(%arg8 : memref<128xi32, #tpu.memory_space<vmem>>)
    %get3A = arith.constant 0 : index
    %get3A_43 = tpu.vector_load %arg8[%get3A] {strides = array<i32>} : memref<128xi32, #tpu.memory_space<vmem>>, vector<16xi32>,
    %get3A_44 = vector.shape_cast %get3A_43 : vector<16xi32> to vector<16xi32>
    %swap3A = arith.constant 0 : index
    %swap3A_45 = tpu.vector_load %arg10[%swap3A] {strides = array<i32>} : memref<128xi32, #tpu.memory_space<vmem>>, vector<16xi32>,
    %swap3A_46 = vector.shape_cast %swap3A_45 : vector<16xi32> to vector<16xi32>
    %swap3A_47 = vector.shape_cast %get3A_44 : vector<16xi32> to vector<16xi32>
    tpu.vector_store %arg10[%swap3A], %swap3A_47 {strides = array<i32>} : memref<128xi32, #tpu.memory_space<vmem>>, vector<16xi32>,
    %get3A_48 = arith.constant 16 : index
    %get3A_49 = tpu.vector_load %arg8[%get3A_48] {strides = array<i32>} : memref<128xi32, #tpu.memory_space<vmem>>, vector<16xi32>,
    %get3A_50 = vector.shape_cast %get3A_49 : vector<16xi32> to vector<16xi32>
    %swap3A_51 = arith.constant 16 : index
    %swap3A_52 = tpu.vector_load %arg10[%swap3A_51] {strides = array<i32>} : memref<128xi32, #tpu.memory_space<vmem>>, vector<16xi32>,
    %swap3A_53 = vector.shape_cast %swap3A_52 : vector<16xi32> to vector<16xi32>
    %swap3A_54 = vector.shape_cast %get3A_50 : vector<16xi32> to vector<16xi32>
    tpu.vector_store %arg10[%swap3A_51], %swap3A_54 {strides = array<i32>} : memref<128xi32, #tpu.memory_space<vmem>>, vector<16xi32>,
    %get3A_55 = arith.constant 32 : index
    %get3A_56 = tpu.vector_load %arg8[%get3A_55] {strides = array<i32>} : memref<128xi32, #tpu.memory_space<vmem>>, vector<16xi32>,
    %get3A_57 = vector.shape_cast %get3A_56 : vector<16xi32> to vector<16xi32>
    %swap3A_58 = arith.constant 32 : index
    %swap3A_59 = tpu.vector_load %arg10[%swap3A_58] {strides = array<i32>} : memref<128xi32, #tpu.memory_space<vmem>>, vector<16xi32>,
    %swap3A_60 = vector.shape_cast %swap3A_59 : vector<16xi32> to vector<16xi32>
    %swap3A_61 = vector.shape_cast %get3A_57 : vector<16xi32> to vector<16xi32>
    tpu.vector_store %arg10[%swap3A_58], %swap3A_61 {strides = array<i32>} : memref<128xi32, #tpu.memory_space<vmem>>, vector<16xi32>,
    %get3A_62 = arith.constant 48 : index
    %get3A_63 = tpu.vector_load %arg8[%get3A_62] {strides = array<i32>} : memref<128xi32, #tpu.memory_space<vmem>>, vector<16xi32>,
    %get3A_64 = vector.shape_cast %get3A_63 : vector<16xi32> to vector<16xi32>
    %swap3A_65 = arith.constant 48 : index
    %swap3A_66 = tpu.vector_load %arg10[%swap3A_65] {strides = array<i32>} : memref<128xi32, #tpu.memory_space<vmem>>, vector<16xi32>,
    %swap3A_67 = vector.shape_cast %swap3A_66 : vector<16xi32> to vector<16xi32>
    %swap3A_68 = vector.shape_cast %get3A_64 : vector<16xi32> to vector<16xi32>
    tpu.vector_store %arg10[%swap3A_65], %swap3A_68 {strides = array<i32>} : memref<128xi32, #tpu.memory_space<vmem>>, vector<16xi32>,
    %get3A_69 = arith.constant 64 : index
    %get3A_70 = tpu.vector_load %arg8[%get3A_69] {strides = array<i32>} : memref<128xi32, #tpu.memory_space<vmem>>, vector<16xi32>,
    %get3A_71 = vector.shape_cast %get3A_70 : vector<16xi32> to vector<16xi32>
    %swap3A_72 = arith.constant 64 : index
    %swap3A_73 = tpu.vector_load %arg10[%swap3A_72] {strides = array<i32>} : memref<128xi32, #tpu.memory_space<vmem>>, vector<16xi32>,
    %swap3A_74 = vector.shape_cast %swap3A_73 : vector<16xi32> to vector<16xi32>
    %swap3A_75 = vector.shape_cast %get3A_71 : vector<16xi32> to vector<16xi32>
    tpu.vector_store %arg10[%swap3A_72], %swap3A_75 {strides = array<i32>} : memref<128xi32, #tpu.memory_space<vmem>>, vector<16xi32>,
    %get3A_76 = arith.constant 80 : index
    %get3A_77 = tpu.vector_load %arg8[%get3A_76] {strides = array<i32>} : memref<128xi32, #tpu.memory_space<vmem>>, vector<16xi32>,
    %get3A_78 = vector.shape_cast %get3A_77 : vector<16xi32> to vector<16xi32>
    %swap3A_79 = arith.constant 80 : index
    %swap3A_80 = tpu.vector_load %arg10[%swap3A_79] {strides = array<i32>} : memref<128xi32, #tpu.memory_space<vmem>>, vector<16xi32>,
    %swap3A_81 = vector.shape_cast %swap3A_80 : vector<16xi32> to vector<16xi32>
    %swap3A_82 = vector.shape_cast %get3A_78 : vector<16xi32> to vector<16xi32>
    tpu.vector_store %arg10[%swap3A_79], %swap3A_82 {strides = array<i32>} : memref<128xi32, #tpu.memory_space<vmem>>, vector<16xi32>,
    %get3A_83 = arith.constant 96 : index
    %get3A_84 = tpu.vector_load %arg8[%get3A_83] {strides = array<i32>} : memref<128xi32, #tpu.memory_space<vmem>>, vector<16xi32>,
    %get3A_85 = vector.shape_cast %get3A_84 : vector<16xi32> to vector<16xi32>
    %swap3A_86 = arith.constant 96 : index
    %swap3A_87 = tpu.vector_load %arg10[%swap3A_86] {strides = array<i32>} : memref<128xi32, #tpu.memory_space<vmem>>, vector<16xi32>,
    %swap3A_88 = vector.shape_cast %swap3A_87 : vector<16xi32> to vector<16xi32>
    %swap3A_89 = vector.shape_cast %get3A_85 : vector<16xi32> to vector<16xi32>
    tpu.vector_store %arg10[%swap3A_86], %swap3A_89 {strides = array<i32>} : memref<128xi32, #tpu.memory_space<vmem>>, vector<16xi32>,
    %get3A_90 = arith.constant 112 : index
    %get3A_91 = tpu.vector_load %arg8[%get3A_90] {strides = array<i32>} : memref<128xi32, #tpu.memory_space<vmem>>, vector<16xi32>,
    %get3A_92 = vector.shape_cast %get3A_91 : vector<16xi32> to vector<16xi32>
    %swap3A_93 = arith.constant 112 : index
    %swap3A_94 = tpu.vector_load %arg10[%swap3A_93] {strides = array<i32>} : memref<128xi32, #tpu.memory_space<vmem>>, vector<16xi32>,
    %swap3A_95 = vector.shape_cast %swap3A_94 : vector<16xi32> to vector<16xi32>
    %swap3A_96 = vector.shape_cast %get3A_92 : vector<16xi32> to vector<16xi32>
    tpu.vector_store %arg10[%swap3A_93], %swap3A_96 {strides = array<i32>} : memref<128xi32, #tpu.memory_space<vmem>>, vector<16xi32>,
    %dma_start3A_97 = arith.constant 0 : i32
    %dma_start3A_98 = arith.constant 0 : i32
    %dma_start3A_99 = tpu.memref_slice %arg13[%dma_start3A_97, %dma_start3A_98] : memref<10240x128xf32, #tpu.memory_space<vmem_shared>> -> memref<10240x128xf32, #tpu.memory_space<vmem_shared>>
    tpu.enqueue_indirect_dma source(%arg11 : memref<128x128xf32, #tpu.memory_space<vmem>>) target(%dma_start3A_99 : memref<10240x128xf32, #tpu.memory_space<vmem_shared>>) offsets(%arg10 : memref<128xi32, #tpu.memory_space<vmem>>) semaphore(%arg19 : memref<!tpu.dma_semaphore, #tpu.memory_space<semaphore_mem>>) {add = true}
    %gt3A = arith.constant 2 : i32
    %gt3A_100 = arith.cmpi sgt, %select_n3A, %gt3A : i32
    %convert_element_type3A = arith.extui %gt3A_100 : i1 to i32
    %cond3A = arith.constant 0 : i32
    %cond3A_101 = arith.cmpi ne, %convert_element_type3A, %cond3A : i32
    scf.if %cond3A_101 {
      %add3A_283 = arith.constant 256 : i32
      %add3A_284 = arith.addi %add3A, %add3A_283 : i32
      %dma_start3A_285 = tpu.memref_slice %arg2[%add3A_284] : memref<323584xi32, #tpu.memory_space<hbm>> -> memref<128xi32, #tpu.memory_space<hbm>>
      %dma_start3A_286 = tpu.memref_slice %arg2[%add3A_284] : memref<323584xi32, #tpu.memory_space<hbm>> -> memref<128xi32, #tpu.memory_space<hbm>>
      tpu.enqueue_dma source(%dma_start3A_286 : memref<128xi32, #tpu.memory_space<hbm>>) target(%arg6 : memref<128xi32, #tpu.memory_space<vmem>>) target_semaphore(%arg15 : memref<!tpu.dma_semaphore, #tpu.memory_space<semaphore_mem>>)
      %add3A_287 = arith.constant 256 : i32
      %add3A_288 = arith.addi %add3A, %add3A_287 : i32
      %dma_start3A_289 = tpu.memref_slice %arg3[%add3A_288] : memref<323584xi32, #tpu.memory_space<hbm>> -> memref<128xi32, #tpu.memory_space<hbm>>
      %dma_start3A_290 = tpu.memref_slice %arg3[%add3A_288] : memref<323584xi32, #tpu.memory_space<hbm>> -> memref<128xi32, #tpu.memory_space<hbm>>
      tpu.enqueue_dma source(%dma_start3A_290 : memref<128xi32, #tpu.memory_space<hbm>>) target(%arg8 : memref<128xi32, #tpu.memory_space<vmem>>) target_semaphore(%arg17 : memref<!tpu.dma_semaphore, #tpu.memory_space<semaphore_mem>>)
    } else {
    }
    %dma_wait3A_102 = arith.constant 0 : i32
    %dma_wait3A_103 = arith.constant 0 : i32
    %dma_wait3A_104 = tpu.memref_slice %arg4[%dma_wait3A_102, %dma_wait3A_103] : memref<10240x128xf32, #tpu.memory_space<hbm>> -> memref<10240x128xf32, #tpu.memory_space<hbm>>
    tpu.wait_indirect_dma semaphore(%arg14 : memref<!tpu.dma_semaphore, #tpu.memory_space<semaphore_mem>>) src(%dma_wait3A_104 : memref<10240x128xf32, #tpu.memory_space<hbm>>) dst(%arg12 : memref<128x128xf32, #tpu.memory_space<vmem>>)
    %dma_wait3A_105 = arith.constant 0 : i32
    %dma_wait3A_106 = tpu.memref_slice %arg2[%dma_wait3A_105] : memref<323584xi32, #tpu.memory_space<hbm>> -> memref<128xi32, #tpu.memory_space<hbm>>
    %dma_wait3A_107 = arith.constant 0 : i32
    %dma_wait3A_108 = tpu.memref_slice %arg2[%dma_wait3A_107] : memref<323584xi32, #tpu.memory_space<hbm>> -> memref<128xi32, #tpu.memory_space<hbm>>
    tpu.wait_dma2 semaphore(%arg15 : memref<!tpu.dma_semaphore, #tpu.memory_space<semaphore_mem>>) src(%dma_wait3A_108 : memref<128xi32, #tpu.memory_space<hbm>>) dst(%arg6 : memref<128xi32, #tpu.memory_space<vmem>>)
    %dma_wait3A_109 = arith.constant 0 : i32
    %dma_wait3A_110 = arith.constant 0 : i32
    %dma_wait3A_111 = tpu.memref_slice %arg13[%dma_wait3A_109, %dma_wait3A_110] : memref<10240x128xf32, #tpu.memory_space<vmem_shared>> -> memref<10240x128xf32, #tpu.memory_space<vmem_shared>>
    tpu.wait_indirect_dma semaphore(%arg19 : memref<!tpu.dma_semaphore, #tpu.memory_space<semaphore_mem>>) src(%arg11 : memref<128x128xf32, #tpu.memory_space<vmem>>) dst(%dma_wait3A_111 : memref<10240x128xf32, #tpu.memory_space<vmem_shared>>)
    %dma_start3A_112 = arith.constant 0 : i32
    %dma_start3A_113 = arith.constant 0 : i32
    %dma_start3A_114 = tpu.memref_slice %arg4[%dma_start3A_112, %dma_start3A_113] : memref<10240x128xf32, #tpu.memory_space<hbm>> -> memref<10240x128xf32, #tpu.memory_space<hbm>>
    tpu.enqueue_indirect_dma source(%dma_start3A_114 : memref<10240x128xf32, #tpu.memory_space<hbm>>) target(%arg11 : memref<128x128xf32, #tpu.memory_space<vmem>>) offsets(%arg6 : memref<128xi32, #tpu.memory_space<vmem>>) semaphore(%arg14 : memref<!tpu.dma_semaphore, #tpu.memory_space<semaphore_mem>>)
    %dma_wait3A_115 = arith.constant 0 : i32
    %dma_wait3A_116 = tpu.memref_slice %arg3[%dma_wait3A_115] : memref<323584xi32, #tpu.memory_space<hbm>> -> memref<128xi32, #tpu.memory_space<hbm>>
    %dma_wait3A_117 = arith.constant 0 : i32
    %dma_wait3A_118 = tpu.memref_slice %arg3[%dma_wait3A_117] : memref<323584xi32, #tpu.memory_space<hbm>> -> memref<128xi32, #tpu.memory_space<hbm>>
    tpu.wait_dma2 semaphore(%arg18 : memref<!tpu.dma_semaphore, #tpu.memory_space<semaphore_mem>>) src(%dma_wait3A_118 : memref<128xi32, #tpu.memory_space<hbm>>) dst(%arg9 : memref<128xi32, #tpu.memory_space<vmem>>)
    %get3A_119 = arith.constant 0 : index
    %get3A_120 = tpu.vector_load %arg9[%get3A_119] {strides = array<i32>} : memref<128xi32, #tpu.memory_space<vmem>>, vector<16xi32>,
    %get3A_121 = vector.shape_cast %get3A_120 : vector<16xi32> to vector<16xi32>
    %swap3A_122 = arith.constant 0 : index
    %swap3A_123 = tpu.vector_load %arg10[%swap3A_122] {strides = array<i32>} : memref<128xi32, #tpu.memory_space<vmem>>, vector<16xi32>,
    %swap3A_124 = vector.shape_cast %swap3A_123 : vector<16xi32> to vector<16xi32>
    %swap3A_125 = vector.shape_cast %get3A_121 : vector<16xi32> to vector<16xi32>
    tpu.vector_store %arg10[%swap3A_122], %swap3A_125 {strides = array<i32>} : memref<128xi32, #tpu.memory_space<vmem>>, vector<16xi32>,
    %get3A_126 = arith.constant 16 : index
    %get3A_127 = tpu.vector_load %arg9[%get3A_126] {strides = array<i32>} : memref<128xi32, #tpu.memory_space<vmem>>, vector<16xi32>,
    %get3A_128 = vector.shape_cast %get3A_127 : vector<16xi32> to vector<16xi32>
    %swap3A_129 = arith.constant 16 : index
    %swap3A_130 = tpu.vector_load %arg10[%swap3A_129] {strides = array<i32>} : memref<128xi32, #tpu.memory_space<vmem>>, vector<16xi32>,
    %swap3A_131 = vector.shape_cast %swap3A_130 : vector<16xi32> to vector<16xi32>
    %swap3A_132 = vector.shape_cast %get3A_128 : vector<16xi32> to vector<16xi32>
    tpu.vector_store %arg10[%swap3A_129], %swap3A_132 {strides = array<i32>} : memref<128xi32, #tpu.memory_space<vmem>>, vector<16xi32>,
    %get3A_133 = arith.constant 32 : index
    %get3A_134 = tpu.vector_load %arg9[%get3A_133] {strides = array<i32>} : memref<128xi32, #tpu.memory_space<vmem>>, vector<16xi32>,
    %get3A_135 = vector.shape_cast %get3A_134 : vector<16xi32> to vector<16xi32>
    %swap3A_136 = arith.constant 32 : index
    %swap3A_137 = tpu.vector_load %arg10[%swap3A_136] {strides = array<i32>} : memref<128xi32, #tpu.memory_space<vmem>>, vector<16xi32>,
    %swap3A_138 = vector.shape_cast %swap3A_137 : vector<16xi32> to vector<16xi32>
    %swap3A_139 = vector.shape_cast %get3A_135 : vector<16xi32> to vector<16xi32>
    tpu.vector_store %arg10[%swap3A_136], %swap3A_139 {strides = array<i32>} : memref<128xi32, #tpu.memory_space<vmem>>, vector<16xi32>,
    %get3A_140 = arith.constant 48 : index
    %get3A_141 = tpu.vector_load %arg9[%get3A_140] {strides = array<i32>} : memref<128xi32, #tpu.memory_space<vmem>>, vector<16xi32>,
    %get3A_142 = vector.shape_cast %get3A_141 : vector<16xi32> to vector<16xi32>
    %swap3A_143 = arith.constant 48 : index
    %swap3A_144 = tpu.vector_load %arg10[%swap3A_143] {strides = array<i32>} : memref<128xi32, #tpu.memory_space<vmem>>, vector<16xi32>,
    %swap3A_145 = vector.shape_cast %swap3A_144 : vector<16xi32> to vector<16xi32>
    %swap3A_146 = vector.shape_cast %get3A_142 : vector<16xi32> to vector<16xi32>
    tpu.vector_store %arg10[%swap3A_143], %swap3A_146 {strides = array<i32>} : memref<128xi32, #tpu.memory_space<vmem>>, vector<16xi32>,
    %get3A_147 = arith.constant 64 : index
    %get3A_148 = tpu.vector_load %arg9[%get3A_147] {strides = array<i32>} : memref<128xi32, #tpu.memory_space<vmem>>, vector<16xi32>,
    %get3A_149 = vector.shape_cast %get3A_148 : vector<16xi32> to vector<16xi32>
    %swap3A_150 = arith.constant 64 : index
    %swap3A_151 = tpu.vector_load %arg10[%swap3A_150] {strides = array<i32>} : memref<128xi32, #tpu.memory_space<vmem>>, vector<16xi32>,
    %swap3A_152 = vector.shape_cast %swap3A_151 : vector<16xi32> to vector<16xi32>
    %swap3A_153 = vector.shape_cast %get3A_149 : vector<16xi32> to vector<16xi32>
    tpu.vector_store %arg10[%swap3A_150], %swap3A_153 {strides = array<i32>} : memref<128xi32, #tpu.memory_space<vmem>>, vector<16xi32>,
    %get3A_154 = arith.constant 80 : index
    %get3A_155 = tpu.vector_load %arg9[%get3A_154] {strides = array<i32>} : memref<128xi32, #tpu.memory_space<vmem>>, vector<16xi32>,
    %get3A_156 = vector.shape_cast %get3A_155 : vector<16xi32> to vector<16xi32>
    %swap3A_157 = arith.constant 80 : index
    %swap3A_158 = tpu.vector_load %arg10[%swap3A_157] {strides = array<i32>} : memref<128xi32, #tpu.memory_space<vmem>>, vector<16xi32>,
    %swap3A_159 = vector.shape_cast %swap3A_158 : vector<16xi32> to vector<16xi32>
    %swap3A_160 = vector.shape_cast %get3A_156 : vector<16xi32> to vector<16xi32>
    tpu.vector_store %arg10[%swap3A_157], %swap3A_160 {strides = array<i32>} : memref<128xi32, #tpu.memory_space<vmem>>, vector<16xi32>,
    %get3A_161 = arith.constant 96 : index
    %get3A_162 = tpu.vector_load %arg9[%get3A_161] {strides = array<i32>} : memref<128xi32, #tpu.memory_space<vmem>>, vector<16xi32>,
    %get3A_163 = vector.shape_cast %get3A_162 : vector<16xi32> to vector<16xi32>
    %swap3A_164 = arith.constant 96 : index
    %swap3A_165 = tpu.vector_load %arg10[%swap3A_164] {strides = array<i32>} : memref<128xi32, #tpu.memory_space<vmem>>, vector<16xi32>,
    %swap3A_166 = vector.shape_cast %swap3A_165 : vector<16xi32> to vector<16xi32>
    %swap3A_167 = vector.shape_cast %get3A_163 : vector<16xi32> to vector<16xi32>
    tpu.vector_store %arg10[%swap3A_164], %swap3A_167 {strides = array<i32>} : memref<128xi32, #tpu.memory_space<vmem>>, vector<16xi32>,
    %get3A_168 = arith.constant 112 : index
    %get3A_169 = tpu.vector_load %arg9[%get3A_168] {strides = array<i32>} : memref<128xi32, #tpu.memory_space<vmem>>, vector<16xi32>,
    %get3A_170 = vector.shape_cast %get3A_169 : vector<16xi32> to vector<16xi32>
    %swap3A_171 = arith.constant 112 : index
    %swap3A_172 = tpu.vector_load %arg10[%swap3A_171] {strides = array<i32>} : memref<128xi32, #tpu.memory_space<vmem>>, vector<16xi32>,
    %swap3A_173 = vector.shape_cast %swap3A_172 : vector<16xi32> to vector<16xi32>
    %swap3A_174 = vector.shape_cast %get3A_170 : vector<16xi32> to vector<16xi32>
    tpu.vector_store %arg10[%swap3A_171], %swap3A_174 {strides = array<i32>} : memref<128xi32, #tpu.memory_space<vmem>>, vector<16xi32>,
    %dma_start3A_175 = arith.constant 0 : i32
    %dma_start3A_176 = arith.constant 0 : i32
    %dma_start3A_177 = tpu.memref_slice %arg13[%dma_start3A_175, %dma_start3A_176] : memref<10240x128xf32, #tpu.memory_space<vmem_shared>> -> memref<10240x128xf32, #tpu.memory_space<vmem_shared>>
    tpu.enqueue_indirect_dma source(%arg12 : memref<128x128xf32, #tpu.memory_space<vmem>>) target(%dma_start3A_177 : memref<10240x128xf32, #tpu.memory_space<vmem_shared>>) offsets(%arg10 : memref<128xi32, #tpu.memory_space<vmem>>) semaphore(%arg19 : memref<!tpu.dma_semaphore, #tpu.memory_space<semaphore_mem>>) {add = true}
    %gt3A_178 = arith.constant 3 : i32
    %gt3A_179 = arith.cmpi sgt, %select_n3A, %gt3A_178 : i32
    %convert_element_type3A_180 = arith.extui %gt3A_179 : i1 to i32
    %cond3A_181 = arith.constant 0 : i32
    %cond3A_182 = arith.cmpi ne, %convert_element_type3A_180, %cond3A_181 : i32
    scf.if %cond3A_182 {
      %add3A_283 = arith.constant 384 : i32
      %add3A_284 = arith.addi %add3A, %add3A_283 : i32
      %dma_start3A_285 = tpu.memref_slice %arg2[%add3A_284] : memref<323584xi32, #tpu.memory_space<hbm>> -> memref<128xi32, #tpu.memory_space<hbm>>
      %dma_start3A_286 = tpu.memref_slice %arg2[%add3A_284] : memref<323584xi32, #tpu.memory_space<hbm>> -> memref<128xi32, #tpu.memory_space<hbm>>
      tpu.enqueue_dma source(%dma_start3A_286 : memref<128xi32, #tpu.memory_space<hbm>>) target(%arg7 : memref<128xi32, #tpu.memory_space<vmem>>) target_semaphore(%arg16 : memref<!tpu.dma_semaphore, #tpu.memory_space<semaphore_mem>>)
      %add3A_287 = arith.constant 384 : i32
      %add3A_288 = arith.addi %add3A, %add3A_287 : i32
      %dma_start3A_289 = tpu.memref_slice %arg3[%add3A_288] : memref<323584xi32, #tpu.memory_space<hbm>> -> memref<128xi32, #tpu.memory_space<hbm>>
      %dma_start3A_290 = tpu.memref_slice %arg3[%add3A_288] : memref<323584xi32, #tpu.memory_space<hbm>> -> memref<128xi32, #tpu.memory_space<hbm>>
      tpu.enqueue_dma source(%dma_start3A_290 : memref<128xi32, #tpu.memory_space<hbm>>) target(%arg9 : memref<128xi32, #tpu.memory_space<vmem>>) target_semaphore(%arg18 : memref<!tpu.dma_semaphore, #tpu.memory_space<semaphore_mem>>)
    } else {
    }
    %jit3A_183 = arith.constant 2 : i32
    %div3A = arith.divsi %select_n3A, %jit3A_183 : i32
    %sign3A = arith.constant 0 : i32
    %sign3A_184 = arith.cmpi sgt, %select_n3A, %sign3A : i32
    %sign3A_185 = arith.extui %sign3A_184 : i1 to i32
    %sign3A_186 = arith.constant 0 : i32
    %sign3A_187 = arith.cmpi slt, %select_n3A, %sign3A_186 : i32
    %sign3A_188 = arith.extui %sign3A_187 : i1 to i32
    %sign3A_189 = arith.subi %sign3A_185, %sign3A_188 : i32
    %sign3A_190 = arith.constant 0 : i32
    %sign3A_191 = arith.cmpi sgt, %jit3A_183, %sign3A_190 : i32
    %sign3A_192 = arith.extui %sign3A_191 : i1 to i32
    %sign3A_193 = arith.constant 0 : i32
    %sign3A_194 = arith.cmpi slt, %jit3A_183, %sign3A_193 : i32
    %sign3A_195 = arith.extui %sign3A_194 : i1 to i32
    %sign3A_196 = arith.subi %sign3A_192, %sign3A_195 : i32
    %ne3A = arith.cmpi ne, %sign3A_189, %sign3A_196 : i32
    %rem3A = arith.remsi %select_n3A, %jit3A_183 : i32
    %ne3A_197 = arith.constant 0 : i32
    %ne3A_198 = arith.cmpi ne, %rem3A, %ne3A_197 : i32
    %and3A = arith.andi %ne3A, %ne3A_198 : i1
    %sub3A = arith.constant 1 : i32
    %sub3A_199 = arith.subi %div3A, %sub3A : i32
    %select_n3A_200 = arith.select %and3A, %sub3A_199, %div3A : i32
    %while3A = arith.constant 0 : i32
    %while3A_201 = arith.constant 1 : i32
    %while3A_202 = arith.subi %select_n3A_200, %while3A_201 : i32
    %while3A_203 = arith.addi %while3A_201, %while3A_202 : i32
    %while3A_204 = arith.constant 1 : i32
    %while3A_205 = arith.divsi %while3A_202, %while3A_204 : i32
    %while3A_206 = arith.muli %while3A_205, %while3A_204 : i32
    %while3A_207 = arith.addi %while3A_201, %while3A_206 : i32
    %while3A_208 = arith.constant 1 : i32
    scf.for %while3A_283 = %while3A_201 to %while3A_207 step %while3A_208  : i32 {
      %mul3A_284 = arith.constant 2 : i32
      %mul3A_285 = arith.muli %mul3A_284, %while3A_283 : i32
      %dma_wait3A_286 = arith.constant 0 : i32
      %dma_wait3A_287 = arith.constant 0 : i32
      %dma_wait3A_288 = tpu.memref_slice %arg4[%dma_wait3A_286, %dma_wait3A_287] : memref<10240x128xf32, #tpu.memory_space<hbm>> -> memref<10240x128xf32, #tpu.memory_space<hbm>>
      tpu.wait_indirect_dma semaphore(%arg14 : memref<!tpu.dma_semaphore, #tpu.memory_space<semaphore_mem>>) src(%dma_wait3A_288 : memref<10240x128xf32, #tpu.memory_space<hbm>>) dst(%arg11 : memref<128x128xf32, #tpu.memory_space<vmem>>)
      %dma_wait3A_289 = arith.constant 0 : i32
      %dma_wait3A_290 = tpu.memref_slice %arg2[%dma_wait3A_289] : memref<323584xi32, #tpu.memory_space<hbm>> -> memref<128xi32, #tpu.memory_space<hbm>>
      %dma_wait3A_291 = arith.constant 0 : i32
      %dma_wait3A_292 = tpu.memref_slice %arg2[%dma_wait3A_291] : memref<323584xi32, #tpu.memory_space<hbm>> -> memref<128xi32, #tpu.memory_space<hbm>>
      tpu.wait_dma2 semaphore(%arg16 : memref<!tpu.dma_semaphore, #tpu.memory_space<semaphore_mem>>) src(%dma_wait3A_292 : memref<128xi32, #tpu.memory_space<hbm>>) dst(%arg7 : memref<128xi32, #tpu.memory_space<vmem>>)
      %dma_wait3A_293 = arith.constant 0 : i32
      %dma_wait3A_294 = arith.constant 0 : i32
      %dma_wait3A_295 = tpu.memref_slice %arg13[%dma_wait3A_293, %dma_wait3A_294] : memref<10240x128xf32, #tpu.memory_space<vmem_shared>> -> memref<10240x128xf32, #tpu.memory_space<vmem_shared>>
      tpu.wait_indirect_dma semaphore(%arg19 : memref<!tpu.dma_semaphore, #tpu.memory_space<semaphore_mem>>) src(%arg12 : memref<128x128xf32, #tpu.memory_space<vmem>>) dst(%dma_wait3A_295 : memref<10240x128xf32, #tpu.memory_space<vmem_shared>>)
      %dma_start3A_296 = arith.constant 0 : i32
      %dma_start3A_297 = arith.constant 0 : i32
      %dma_start3A_298 = tpu.memref_slice %arg4[%dma_start3A_296, %dma_start3A_297] : memref<10240x128xf32, #tpu.memory_space<hbm>> -> memref<10240x128xf32, #tpu.memory_space<hbm>>
      tpu.enqueue_indirect_dma source(%dma_start3A_298 : memref<10240x128xf32, #tpu.memory_space<hbm>>) target(%arg12 : memref<128x128xf32, #tpu.memory_space<vmem>>) offsets(%arg7 : memref<128xi32, #tpu.memory_space<vmem>>) semaphore(%arg14 : memref<!tpu.dma_semaphore, #tpu.memory_space<semaphore_mem>>)
      %dma_wait3A_299 = arith.constant 0 : i32
      %dma_wait3A_300 = tpu.memref_slice %arg3[%dma_wait3A_299] : memref<323584xi32, #tpu.memory_space<hbm>> -> memref<128xi32, #tpu.memory_space<hbm>>
      %dma_wait3A_301 = arith.constant 0 : i32
      %dma_wait3A_302 = tpu.memref_slice %arg3[%dma_wait3A_301] : memref<323584xi32, #tpu.memory_space<hbm>> -> memref<128xi32, #tpu.memory_space<hbm>>
      tpu.wait_dma2 semaphore(%arg17 : memref<!tpu.dma_semaphore, #tpu.memory_space<semaphore_mem>>) src(%dma_wait3A_302 : memref<128xi32, #tpu.memory_space<hbm>>) dst(%arg8 : memref<128xi32, #tpu.memory_space<vmem>>)
      %get3A_303 = arith.constant 0 : index
      %get3A_304 = tpu.vector_load %arg8[%get3A_303] {strides = array<i32>} : memref<128xi32, #tpu.memory_space<vmem>>, vector<16xi32>,
      %get3A_305 = vector.shape_cast %get3A_304 : vector<16xi32> to vector<16xi32>
      %swap3A_306 = arith.constant 0 : index
      %swap3A_307 = tpu.vector_load %arg10[%swap3A_306] {strides = array<i32>} : memref<128xi32, #tpu.memory_space<vmem>>, vector<16xi32>,
      %swap3A_308 = vector.shape_cast %swap3A_307 : vector<16xi32> to vector<16xi32>
      %swap3A_309 = vector.shape_cast %get3A_305 : vector<16xi32> to vector<16xi32>
      tpu.vector_store %arg10[%swap3A_306], %swap3A_309 {strides = array<i32>} : memref<128xi32, #tpu.memory_space<vmem>>, vector<16xi32>,
      %get3A_310 = arith.constant 16 : index
      %get3A_311 = tpu.vector_load %arg8[%get3A_310] {strides = array<i32>} : memref<128xi32, #tpu.memory_space<vmem>>, vector<16xi32>,
      %get3A_312 = vector.shape_cast %get3A_311 : vector<16xi32> to vector<16xi32>
      %swap3A_313 = arith.constant 16 : index
      %swap3A_314 = tpu.vector_load %arg10[%swap3A_313] {strides = array<i32>} : memref<128xi32, #tpu.memory_space<vmem>>, vector<16xi32>,
      %swap3A_315 = vector.shape_cast %swap3A_314 : vector<16xi32> to vector<16xi32>
      %swap3A_316 = vector.shape_cast %get3A_312 : vector<16xi32> to vector<16xi32>
      tpu.vector_store %arg10[%swap3A_313], %swap3A_316 {strides = array<i32>} : memref<128xi32, #tpu.memory_space<vmem>>, vector<16xi32>,
      %get3A_317 = arith.constant 32 : index
      %get3A_318 = tpu.vector_load %arg8[%get3A_317] {strides = array<i32>} : memref<128xi32, #tpu.memory_space<vmem>>, vector<16xi32>,
      %get3A_319 = vector.shape_cast %get3A_318 : vector<16xi32> to vector<16xi32>
      %swap3A_320 = arith.constant 32 : index
      %swap3A_321 = tpu.vector_load %arg10[%swap3A_320] {strides = array<i32>} : memref<128xi32, #tpu.memory_space<vmem>>, vector<16xi32>,
      %swap3A_322 = vector.shape_cast %swap3A_321 : vector<16xi32> to vector<16xi32>
      %swap3A_323 = vector.shape_cast %get3A_319 : vector<16xi32> to vector<16xi32>
      tpu.vector_store %arg10[%swap3A_320], %swap3A_323 {strides = array<i32>} : memref<128xi32, #tpu.memory_space<vmem>>, vector<16xi32>,
      %get3A_324 = arith.constant 48 : index
      %get3A_325 = tpu.vector_load %arg8[%get3A_324] {strides = array<i32>} : memref<128xi32, #tpu.memory_space<vmem>>, vector<16xi32>,
      %get3A_326 = vector.shape_cast %get3A_325 : vector<16xi32> to vector<16xi32>
      %swap3A_327 = arith.constant 48 : index
      %swap3A_328 = tpu.vector_load %arg10[%swap3A_327] {strides = array<i32>} : memref<128xi32, #tpu.memory_space<vmem>>, vector<16xi32>,
      %swap3A_329 = vector.shape_cast %swap3A_328 : vector<16xi32> to vector<16xi32>
      %swap3A_330 = vector.shape_cast %get3A_326 : vector<16xi32> to vector<16xi32>
      tpu.vector_store %arg10[%swap3A_327], %swap3A_330 {strides = array<i32>} : memref<128xi32, #tpu.memory_space<vmem>>, vector<16xi32>,
      %get3A_331 = arith.constant 64 : index
      %get3A_332 = tpu.vector_load %arg8[%get3A_331] {strides = array<i32>} : memref<128xi32, #tpu.memory_space<vmem>>, vector<16xi32>,
      %get3A_333 = vector.shape_cast %get3A_332 : vector<16xi32> to vector<16xi32>
      %swap3A_334 = arith.constant 64 : index
      %swap3A_335 = tpu.vector_load %arg10[%swap3A_334] {strides = array<i32>} : memref<128xi32, #tpu.memory_space<vmem>>, vector<16xi32>,
      %swap3A_336 = vector.shape_cast %swap3A_335 : vector<16xi32> to vector<16xi32>
      %swap3A_337 = vector.shape_cast %get3A_333 : vector<16xi32> to vector<16xi32>
      tpu.vector_store %arg10[%swap3A_334], %swap3A_337 {strides = array<i32>} : memref<128xi32, #tpu.memory_space<vmem>>, vector<16xi32>,
      %get3A_338 = arith.constant 80 : index
      %get3A_339 = tpu.vector_load %arg8[%get3A_338] {strides = array<i32>} : memref<128xi32, #tpu.memory_space<vmem>>, vector<16xi32>,
      %get3A_340 = vector.shape_cast %get3A_339 : vector<16xi32> to vector<16xi32>
      %swap3A_341 = arith.constant 80 : index
      %swap3A_342 = tpu.vector_load %arg10[%swap3A_341] {strides = array<i32>} : memref<128xi32, #tpu.memory_space<vmem>>, vector<16xi32>,
      %swap3A_343 = vector.shape_cast %swap3A_342 : vector<16xi32> to vector<16xi32>
      %swap3A_344 = vector.shape_cast %get3A_340 : vector<16xi32> to vector<16xi32>
      tpu.vector_store %arg10[%swap3A_341], %swap3A_344 {strides = array<i32>} : memref<128xi32, #tpu.memory_space<vmem>>, vector<16xi32>,
      %get3A_345 = arith.constant 96 : index
      %get3A_346 = tpu.vector_load %arg8[%get3A_345] {strides = array<i32>} : memref<128xi32, #tpu.memory_space<vmem>>, vector<16xi32>,
      %get3A_347 = vector.shape_cast %get3A_346 : vector<16xi32> to vector<16xi32>
      %swap3A_348 = arith.constant 96 : index
      %swap3A_349 = tpu.vector_load %arg10[%swap3A_348] {strides = array<i32>} : memref<128xi32, #tpu.memory_space<vmem>>, vector<16xi32>,
      %swap3A_350 = vector.shape_cast %swap3A_349 : vector<16xi32> to vector<16xi32>
      %swap3A_351 = vector.shape_cast %get3A_347 : vector<16xi32> to vector<16xi32>
      tpu.vector_store %arg10[%swap3A_348], %swap3A_351 {strides = array<i32>} : memref<128xi32, #tpu.memory_space<vmem>>, vector<16xi32>,
      %get3A_352 = arith.constant 112 : index
      %get3A_353 = tpu.vector_load %arg8[%get3A_352] {strides = array<i32>} : memref<128xi32, #tpu.memory_space<vmem>>, vector<16xi32>,
      %get3A_354 = vector.shape_cast %get3A_353 : vector<16xi32> to vector<16xi32>
      %swap3A_355 = arith.constant 112 : index
      %swap3A_356 = tpu.vector_load %arg10[%swap3A_355] {strides = array<i32>} : memref<128xi32, #tpu.memory_space<vmem>>, vector<16xi32>,
      %swap3A_357 = vector.shape_cast %swap3A_356 : vector<16xi32> to vector<16xi32>
      %swap3A_358 = vector.shape_cast %get3A_354 : vector<16xi32> to vector<16xi32>
      tpu.vector_store %arg10[%swap3A_355], %swap3A_358 {strides = array<i32>} : memref<128xi32, #tpu.memory_space<vmem>>, vector<16xi32>,
      %dma_start3A_359 = arith.constant 0 : i32
      %dma_start3A_360 = arith.constant 0 : i32
      %dma_start3A_361 = tpu.memref_slice %arg13[%dma_start3A_359, %dma_start3A_360] : memref<10240x128xf32, #tpu.memory_space<vmem_shared>> -> memref<10240x128xf32, #tpu.memory_space<vmem_shared>>
      tpu.enqueue_indirect_dma source(%arg11 : memref<128x128xf32, #tpu.memory_space<vmem>>) target(%dma_start3A_361 : memref<10240x128xf32, #tpu.memory_space<vmem_shared>>) offsets(%arg10 : memref<128xi32, #tpu.memory_space<vmem>>) semaphore(%arg19 : memref<!tpu.dma_semaphore, #tpu.memory_space<semaphore_mem>>) {add = true}
      %add3A_362 = arith.constant 2 : i32
      %add3A_363 = arith.addi %mul3A_285, %add3A_362 : i32
      %lt3A = arith.cmpi slt, %add3A_363, %select_n3A : i32
      %convert_element_type3A_364 = arith.extui %lt3A : i1 to i32
      %cond3A_365 = arith.constant 0 : i32
      %cond3A_366 = arith.cmpi ne, %convert_element_type3A_364, %cond3A_365 : i32
      scf.if %cond3A_366 {
        %add3A_451 = arith.constant 2 : i32
        %add3A_452 = arith.addi %mul3A_285, %add3A_451 : i32
        %mul3A_453 = arith.constant 128 : i32
        %mul3A_454 = arith.muli %add3A_452, %mul3A_453 : i32
        %add3A_455 = arith.addi %add3A, %mul3A_454 : i32
        %dma_start3A_456 = tpu.memref_slice %arg2[%add3A_455] : memref<323584xi32, #tpu.memory_space<hbm>> -> memref<128xi32, #tpu.memory_space<hbm>>
        %dma_start3A_457 = tpu.memref_slice %arg2[%add3A_455] : memref<323584xi32, #tpu.memory_space<hbm>> -> memref<128xi32, #tpu.memory_space<hbm>>
        tpu.enqueue_dma source(%dma_start3A_457 : memref<128xi32, #tpu.memory_space<hbm>>) target(%arg6 : memref<128xi32, #tpu.memory_space<vmem>>) target_semaphore(%arg15 : memref<!tpu.dma_semaphore, #tpu.memory_space<semaphore_mem>>)
        %mul3A_458 = arith.constant 128 : i32
        %mul3A_459 = arith.muli %add3A_452, %mul3A_458 : i32
        %add3A_460 = arith.addi %add3A, %mul3A_459 : i32
        %dma_start3A_461 = tpu.memref_slice %arg3[%add3A_460] : memref<323584xi32, #tpu.memory_space<hbm>> -> memref<128xi32, #tpu.memory_space<hbm>>
        %dma_start3A_462 = tpu.memref_slice %arg3[%add3A_460] : memref<323584xi32, #tpu.memory_space<hbm>> -> memref<128xi32, #tpu.memory_space<hbm>>
        tpu.enqueue_dma source(%dma_start3A_462 : memref<128xi32, #tpu.memory_space<hbm>>) target(%arg8 : memref<128xi32, #tpu.memory_space<vmem>>) target_semaphore(%arg17 : memref<!tpu.dma_semaphore, #tpu.memory_space<semaphore_mem>>)
      } else {
      }
      %add3A_367 = arith.constant 1 : i32
      %add3A_368 = arith.addi %mul3A_285, %add3A_367 : i32
      %dma_wait3A_369 = arith.constant 0 : i32
      %dma_wait3A_370 = arith.constant 0 : i32
      %dma_wait3A_371 = tpu.memref_slice %arg4[%dma_wait3A_369, %dma_wait3A_370] : memref<10240x128xf32, #tpu.memory_space<hbm>> -> memref<10240x128xf32, #tpu.memory_space<hbm>>
      tpu.wait_indirect_dma semaphore(%arg14 : memref<!tpu.dma_semaphore, #tpu.memory_space<semaphore_mem>>) src(%dma_wait3A_371 : memref<10240x128xf32, #tpu.memory_space<hbm>>) dst(%arg12 : memref<128x128xf32, #tpu.memory_space<vmem>>)
      %dma_wait3A_372 = arith.constant 0 : i32
      %dma_wait3A_373 = tpu.memref_slice %arg2[%dma_wait3A_372] : memref<323584xi32, #tpu.memory_space<hbm>> -> memref<128xi32, #tpu.memory_space<hbm>>
      %dma_wait3A_374 = arith.constant 0 : i32
      %dma_wait3A_375 = tpu.memref_slice %arg2[%dma_wait3A_374] : memref<323584xi32, #tpu.memory_space<hbm>> -> memref<128xi32, #tpu.memory_space<hbm>>
      tpu.wait_dma2 semaphore(%arg15 : memref<!tpu.dma_semaphore, #tpu.memory_space<semaphore_mem>>) src(%dma_wait3A_375 : memref<128xi32, #tpu.memory_space<hbm>>) dst(%arg6 : memref<128xi32, #tpu.memory_space<vmem>>)
      %dma_wait3A_376 = arith.constant 0 : i32
      %dma_wait3A_377 = arith.constant 0 : i32
      %dma_wait3A_378 = tpu.memref_slice %arg13[%dma_wait3A_376, %dma_wait3A_377] : memref<10240x128xf32, #tpu.memory_space<vmem_shared>> -> memref<10240x128xf32, #tpu.memory_space<vmem_shared>>
      tpu.wait_indirect_dma semaphore(%arg19 : memref<!tpu.dma_semaphore, #tpu.memory_space<semaphore_mem>>) src(%arg11 : memref<128x128xf32, #tpu.memory_space<vmem>>) dst(%dma_wait3A_378 : memref<10240x128xf32, #tpu.memory_space<vmem_shared>>)
      %dma_start3A_379 = arith.constant 0 : i32
      %dma_start3A_380 = arith.constant 0 : i32
      %dma_start3A_381 = tpu.memref_slice %arg4[%dma_start3A_379, %dma_start3A_380] : memref<10240x128xf32, #tpu.memory_space<hbm>> -> memref<10240x128xf32, #tpu.memory_space<hbm>>
      tpu.enqueue_indirect_dma source(%dma_start3A_381 : memref<10240x128xf32, #tpu.memory_space<hbm>>) target(%arg11 : memref<128x128xf32, #tpu.memory_space<vmem>>) offsets(%arg6 : memref<128xi32, #tpu.memory_space<vmem>>) semaphore(%arg14 : memref<!tpu.dma_semaphore, #tpu.memory_space<semaphore_mem>>)
      %dma_wait3A_382 = arith.constant 0 : i32
      %dma_wait3A_383 = tpu.memref_slice %arg3[%dma_wait3A_382] : memref<323584xi32, #tpu.memory_space<hbm>> -> memref<128xi32, #tpu.memory_space<hbm>>
      %dma_wait3A_384 = arith.constant 0 : i32
      %dma_wait3A_385 = tpu.memref_slice %arg3[%dma_wait3A_384] : memref<323584xi32, #tpu.memory_space<hbm>> -> memref<128xi32, #tpu.memory_space<hbm>>
      tpu.wait_dma2 semaphore(%arg18 : memref<!tpu.dma_semaphore, #tpu.memory_space<semaphore_mem>>) src(%dma_wait3A_385 : memref<128xi32, #tpu.memory_space<hbm>>) dst(%arg9 : memref<128xi32, #tpu.memory_space<vmem>>)
      %get3A_386 = arith.constant 0 : index
      %get3A_387 = tpu.vector_load %arg9[%get3A_386] {strides = array<i32>} : memref<128xi32, #tpu.memory_space<vmem>>, vector<16xi32>,
      %get3A_388 = vector.shape_cast %get3A_387 : vector<16xi32> to vector<16xi32>
      %swap3A_389 = arith.constant 0 : index
      %swap3A_390 = tpu.vector_load %arg10[%swap3A_389] {strides = array<i32>} : memref<128xi32, #tpu.memory_space<vmem>>, vector<16xi32>,
      %swap3A_391 = vector.shape_cast %swap3A_390 : vector<16xi32> to vector<16xi32>
      %swap3A_392 = vector.shape_cast %get3A_388 : vector<16xi32> to vector<16xi32>
      tpu.vector_store %arg10[%swap3A_389], %swap3A_392 {strides = array<i32>} : memref<128xi32, #tpu.memory_space<vmem>>, vector<16xi32>,
      %get3A_393 = arith.constant 16 : index
      %get3A_394 = tpu.vector_load %arg9[%get3A_393] {strides = array<i32>} : memref<128xi32, #tpu.memory_space<vmem>>, vector<16xi32>,
      %get3A_395 = vector.shape_cast %get3A_394 : vector<16xi32> to vector<16xi32>
      %swap3A_396 = arith.constant 16 : index
      %swap3A_397 = tpu.vector_load %arg10[%swap3A_396] {strides = array<i32>} : memref<128xi32, #tpu.memory_space<vmem>>, vector<16xi32>,
      %swap3A_398 = vector.shape_cast %swap3A_397 : vector<16xi32> to vector<16xi32>
      %swap3A_399 = vector.shape_cast %get3A_395 : vector<16xi32> to vector<16xi32>
      tpu.vector_store %arg10[%swap3A_396], %swap3A_399 {strides = array<i32>} : memref<128xi32, #tpu.memory_space<vmem>>, vector<16xi32>,
      %get3A_400 = arith.constant 32 : index
      %get3A_401 = tpu.vector_load %arg9[%get3A_400] {strides = array<i32>} : memref<128xi32, #tpu.memory_space<vmem>>, vector<16xi32>,
      %get3A_402 = vector.shape_cast %get3A_401 : vector<16xi32> to vector<16xi32>
      %swap3A_403 = arith.constant 32 : index
      %swap3A_404 = tpu.vector_load %arg10[%swap3A_403] {strides = array<i32>} : memref<128xi32, #tpu.memory_space<vmem>>, vector<16xi32>,
      %swap3A_405 = vector.shape_cast %swap3A_404 : vector<16xi32> to vector<16xi32>
      %swap3A_406 = vector.shape_cast %get3A_402 : vector<16xi32> to vector<16xi32>
      tpu.vector_store %arg10[%swap3A_403], %swap3A_406 {strides = array<i32>} : memref<128xi32, #tpu.memory_space<vmem>>, vector<16xi32>,
      %get3A_407 = arith.constant 48 : index
      %get3A_408 = tpu.vector_load %arg9[%get3A_407] {strides = array<i32>} : memref<128xi32, #tpu.memory_space<vmem>>, vector<16xi32>,
      %get3A_409 = vector.shape_cast %get3A_408 : vector<16xi32> to vector<16xi32>
      %swap3A_410 = arith.constant 48 : index
      %swap3A_411 = tpu.vector_load %arg10[%swap3A_410] {strides = array<i32>} : memref<128xi32, #tpu.memory_space<vmem>>, vector<16xi32>,
      %swap3A_412 = vector.shape_cast %swap3A_411 : vector<16xi32> to vector<16xi32>
      %swap3A_413 = vector.shape_cast %get3A_409 : vector<16xi32> to vector<16xi32>
      tpu.vector_store %arg10[%swap3A_410], %swap3A_413 {strides = array<i32>} : memref<128xi32, #tpu.memory_space<vmem>>, vector<16xi32>,
      %get3A_414 = arith.constant 64 : index
      %get3A_415 = tpu.vector_load %arg9[%get3A_414] {strides = array<i32>} : memref<128xi32, #tpu.memory_space<vmem>>, vector<16xi32>,
      %get3A_416 = vector.shape_cast %get3A_415 : vector<16xi32> to vector<16xi32>
      %swap3A_417 = arith.constant 64 : index
      %swap3A_418 = tpu.vector_load %arg10[%swap3A_417] {strides = array<i32>} : memref<128xi32, #tpu.memory_space<vmem>>, vector<16xi32>,
      %swap3A_419 = vector.shape_cast %swap3A_418 : vector<16xi32> to vector<16xi32>
      %swap3A_420 = vector.shape_cast %get3A_416 : vector<16xi32> to vector<16xi32>
      tpu.vector_store %arg10[%swap3A_417], %swap3A_420 {strides = array<i32>} : memref<128xi32, #tpu.memory_space<vmem>>, vector<16xi32>,
      %get3A_421 = arith.constant 80 : index
      %get3A_422 = tpu.vector_load %arg9[%get3A_421] {strides = array<i32>} : memref<128xi32, #tpu.memory_space<vmem>>, vector<16xi32>,
      %get3A_423 = vector.shape_cast %get3A_422 : vector<16xi32> to vector<16xi32>
      %swap3A_424 = arith.constant 80 : index
      %swap3A_425 = tpu.vector_load %arg10[%swap3A_424] {strides = array<i32>} : memref<128xi32, #tpu.memory_space<vmem>>, vector<16xi32>,
      %swap3A_426 = vector.shape_cast %swap3A_425 : vector<16xi32> to vector<16xi32>
      %swap3A_427 = vector.shape_cast %get3A_423 : vector<16xi32> to vector<16xi32>
      tpu.vector_store %arg10[%swap3A_424], %swap3A_427 {strides = array<i32>} : memref<128xi32, #tpu.memory_space<vmem>>, vector<16xi32>,
      %get3A_428 = arith.constant 96 : index
      %get3A_429 = tpu.vector_load %arg9[%get3A_428] {strides = array<i32>} : memref<128xi32, #tpu.memory_space<vmem>>, vector<16xi32>,
      %get3A_430 = vector.shape_cast %get3A_429 : vector<16xi32> to vector<16xi32>
      %swap3A_431 = arith.constant 96 : index
      %swap3A_432 = tpu.vector_load %arg10[%swap3A_431] {strides = array<i32>} : memref<128xi32, #tpu.memory_space<vmem>>, vector<16xi32>,
      %swap3A_433 = vector.shape_cast %swap3A_432 : vector<16xi32> to vector<16xi32>
      %swap3A_434 = vector.shape_cast %get3A_430 : vector<16xi32> to vector<16xi32>
      tpu.vector_store %arg10[%swap3A_431], %swap3A_434 {strides = array<i32>} : memref<128xi32, #tpu.memory_space<vmem>>, vector<16xi32>,
      %get3A_435 = arith.constant 112 : index
      %get3A_436 = tpu.vector_load %arg9[%get3A_435] {strides = array<i32>} : memref<128xi32, #tpu.memory_space<vmem>>, vector<16xi32>,
      %get3A_437 = vector.shape_cast %get3A_436 : vector<16xi32> to vector<16xi32>
      %swap3A_438 = arith.constant 112 : index
      %swap3A_439 = tpu.vector_load %arg10[%swap3A_438] {strides = array<i32>} : memref<128xi32, #tpu.memory_space<vmem>>, vector<16xi32>,
      %swap3A_440 = vector.shape_cast %swap3A_439 : vector<16xi32> to vector<16xi32>
      %swap3A_441 = vector.shape_cast %get3A_437 : vector<16xi32> to vector<16xi32>
      tpu.vector_store %arg10[%swap3A_438], %swap3A_441 {strides = array<i32>} : memref<128xi32, #tpu.memory_space<vmem>>, vector<16xi32>,
      %dma_start3A_442 = arith.constant 0 : i32
      %dma_start3A_443 = arith.constant 0 : i32
      %dma_start3A_444 = tpu.memref_slice %arg13[%dma_start3A_442, %dma_start3A_443] : memref<10240x128xf32, #tpu.memory_space<vmem_shared>> -> memref<10240x128xf32, #tpu.memory_space<vmem_shared>>
      tpu.enqueue_indirect_dma source(%arg12 : memref<128x128xf32, #tpu.memory_space<vmem>>) target(%dma_start3A_444 : memref<10240x128xf32, #tpu.memory_space<vmem_shared>>) offsets(%arg10 : memref<128xi32, #tpu.memory_space<vmem>>) semaphore(%arg19 : memref<!tpu.dma_semaphore, #tpu.memory_space<semaphore_mem>>) {add = true}
      %add3A_445 = arith.constant 2 : i32
      %add3A_446 = arith.addi %add3A_368, %add3A_445 : i32
      %lt3A_447 = arith.cmpi slt, %add3A_446, %select_n3A : i32
      %convert_element_type3A_448 = arith.extui %lt3A_447 : i1 to i32
      %cond3A_449 = arith.constant 0 : i32
      %cond3A_450 = arith.cmpi ne, %convert_element_type3A_448, %cond3A_449 : i32
      scf.if %cond3A_450 {
        %add3A_451 = arith.constant 2 : i32
        %add3A_452 = arith.addi %add3A_368, %add3A_451 : i32
        %mul3A_453 = arith.constant 128 : i32
        %mul3A_454 = arith.muli %add3A_452, %mul3A_453 : i32
        %add3A_455 = arith.addi %add3A, %mul3A_454 : i32
        %dma_start3A_456 = tpu.memref_slice %arg2[%add3A_455] : memref<323584xi32, #tpu.memory_space<hbm>> -> memref<128xi32, #tpu.memory_space<hbm>>
        %dma_start3A_457 = tpu.memref_slice %arg2[%add3A_455] : memref<323584xi32, #tpu.memory_space<hbm>> -> memref<128xi32, #tpu.memory_space<hbm>>
        tpu.enqueue_dma source(%dma_start3A_457 : memref<128xi32, #tpu.memory_space<hbm>>) target(%arg7 : memref<128xi32, #tpu.memory_space<vmem>>) target_semaphore(%arg16 : memref<!tpu.dma_semaphore, #tpu.memory_space<semaphore_mem>>)
        %mul3A_458 = arith.constant 128 : i32
        %mul3A_459 = arith.muli %add3A_452, %mul3A_458 : i32
        %add3A_460 = arith.addi %add3A, %mul3A_459 : i32
        %dma_start3A_461 = tpu.memref_slice %arg3[%add3A_460] : memref<323584xi32, #tpu.memory_space<hbm>> -> memref<128xi32, #tpu.memory_space<hbm>>
        %dma_start3A_462 = tpu.memref_slice %arg3[%add3A_460] : memref<323584xi32, #tpu.memory_space<hbm>> -> memref<128xi32, #tpu.memory_space<hbm>>
        tpu.enqueue_dma source(%dma_start3A_462 : memref<128xi32, #tpu.memory_space<hbm>>) target(%arg9 : memref<128xi32, #tpu.memory_space<vmem>>) target_semaphore(%arg18 : memref<!tpu.dma_semaphore, #tpu.memory_space<semaphore_mem>>)
      } else {
      }
    }
    %while3A_209 = arith.constant 1 : i32
    scf.for %while3A_283 = %while3A_207 to %while3A_203 step %while3A_209  : i32 {
      %mul3A_284 = arith.constant 2 : i32
      %mul3A_285 = arith.muli %mul3A_284, %while3A_283 : i32
      %dma_wait3A_286 = arith.constant 0 : i32
      %dma_wait3A_287 = arith.constant 0 : i32
      %dma_wait3A_288 = tpu.memref_slice %arg4[%dma_wait3A_286, %dma_wait3A_287] : memref<10240x128xf32, #tpu.memory_space<hbm>> -> memref<10240x128xf32, #tpu.memory_space<hbm>>
      tpu.wait_indirect_dma semaphore(%arg14 : memref<!tpu.dma_semaphore, #tpu.memory_space<semaphore_mem>>) src(%dma_wait3A_288 : memref<10240x128xf32, #tpu.memory_space<hbm>>) dst(%arg11 : memref<128x128xf32, #tpu.memory_space<vmem>>)
      %dma_wait3A_289 = arith.constant 0 : i32
      %dma_wait3A_290 = tpu.memref_slice %arg2[%dma_wait3A_289] : memref<323584xi32, #tpu.memory_space<hbm>> -> memref<128xi32, #tpu.memory_space<hbm>>
      %dma_wait3A_291 = arith.constant 0 : i32
      %dma_wait3A_292 = tpu.memref_slice %arg2[%dma_wait3A_291] : memref<323584xi32, #tpu.memory_space<hbm>> -> memref<128xi32, #tpu.memory_space<hbm>>
      tpu.wait_dma2 semaphore(%arg16 : memref<!tpu.dma_semaphore, #tpu.memory_space<semaphore_mem>>) src(%dma_wait3A_292 : memref<128xi32, #tpu.memory_space<hbm>>) dst(%arg7 : memref<128xi32, #tpu.memory_space<vmem>>)
      %dma_wait3A_293 = arith.constant 0 : i32
      %dma_wait3A_294 = arith.constant 0 : i32
      %dma_wait3A_295 = tpu.memref_slice %arg13[%dma_wait3A_293, %dma_wait3A_294] : memref<10240x128xf32, #tpu.memory_space<vmem_shared>> -> memref<10240x128xf32, #tpu.memory_space<vmem_shared>>
      tpu.wait_indirect_dma semaphore(%arg19 : memref<!tpu.dma_semaphore, #tpu.memory_space<semaphore_mem>>) src(%arg12 : memref<128x128xf32, #tpu.memory_space<vmem>>) dst(%dma_wait3A_295 : memref<10240x128xf32, #tpu.memory_space<vmem_shared>>)
      %dma_start3A_296 = arith.constant 0 : i32
      %dma_start3A_297 = arith.constant 0 : i32
      %dma_start3A_298 = tpu.memref_slice %arg4[%dma_start3A_296, %dma_start3A_297] : memref<10240x128xf32, #tpu.memory_space<hbm>> -> memref<10240x128xf32, #tpu.memory_space<hbm>>
      tpu.enqueue_indirect_dma source(%dma_start3A_298 : memref<10240x128xf32, #tpu.memory_space<hbm>>) target(%arg12 : memref<128x128xf32, #tpu.memory_space<vmem>>) offsets(%arg7 : memref<128xi32, #tpu.memory_space<vmem>>) semaphore(%arg14 : memref<!tpu.dma_semaphore, #tpu.memory_space<semaphore_mem>>)
      %dma_wait3A_299 = arith.constant 0 : i32
      %dma_wait3A_300 = tpu.memref_slice %arg3[%dma_wait3A_299] : memref<323584xi32, #tpu.memory_space<hbm>> -> memref<128xi32, #tpu.memory_space<hbm>>
      %dma_wait3A_301 = arith.constant 0 : i32
      %dma_wait3A_302 = tpu.memref_slice %arg3[%dma_wait3A_301] : memref<323584xi32, #tpu.memory_space<hbm>> -> memref<128xi32, #tpu.memory_space<hbm>>
      tpu.wait_dma2 semaphore(%arg17 : memref<!tpu.dma_semaphore, #tpu.memory_space<semaphore_mem>>) src(%dma_wait3A_302 : memref<128xi32, #tpu.memory_space<hbm>>) dst(%arg8 : memref<128xi32, #tpu.memory_space<vmem>>)
      %get3A_303 = arith.constant 0 : index
      %get3A_304 = tpu.vector_load %arg8[%get3A_303] {strides = array<i32>} : memref<128xi32, #tpu.memory_space<vmem>>, vector<16xi32>,
      %get3A_305 = vector.shape_cast %get3A_304 : vector<16xi32> to vector<16xi32>
      %swap3A_306 = arith.constant 0 : index
      %swap3A_307 = tpu.vector_load %arg10[%swap3A_306] {strides = array<i32>} : memref<128xi32, #tpu.memory_space<vmem>>, vector<16xi32>,
      %swap3A_308 = vector.shape_cast %swap3A_307 : vector<16xi32> to vector<16xi32>
      %swap3A_309 = vector.shape_cast %get3A_305 : vector<16xi32> to vector<16xi32>
      tpu.vector_store %arg10[%swap3A_306], %swap3A_309 {strides = array<i32>} : memref<128xi32, #tpu.memory_space<vmem>>, vector<16xi32>,
      %get3A_310 = arith.constant 16 : index
      %get3A_311 = tpu.vector_load %arg8[%get3A_310] {strides = array<i32>} : memref<128xi32, #tpu.memory_space<vmem>>, vector<16xi32>,
      %get3A_312 = vector.shape_cast %get3A_311 : vector<16xi32> to vector<16xi32>
      %swap3A_313 = arith.constant 16 : index
      %swap3A_314 = tpu.vector_load %arg10[%swap3A_313] {strides = array<i32>} : memref<128xi32, #tpu.memory_space<vmem>>, vector<16xi32>,
      %swap3A_315 = vector.shape_cast %swap3A_314 : vector<16xi32> to vector<16xi32>
      %swap3A_316 = vector.shape_cast %get3A_312 : vector<16xi32> to vector<16xi32>
      tpu.vector_store %arg10[%swap3A_313], %swap3A_316 {strides = array<i32>} : memref<128xi32, #tpu.memory_space<vmem>>, vector<16xi32>,
      %get3A_317 = arith.constant 32 : index
      %get3A_318 = tpu.vector_load %arg8[%get3A_317] {strides = array<i32>} : memref<128xi32, #tpu.memory_space<vmem>>, vector<16xi32>,
      %get3A_319 = vector.shape_cast %get3A_318 : vector<16xi32> to vector<16xi32>
      %swap3A_320 = arith.constant 32 : index
      %swap3A_321 = tpu.vector_load %arg10[%swap3A_320] {strides = array<i32>} : memref<128xi32, #tpu.memory_space<vmem>>, vector<16xi32>,
      %swap3A_322 = vector.shape_cast %swap3A_321 : vector<16xi32> to vector<16xi32>
      %swap3A_323 = vector.shape_cast %get3A_319 : vector<16xi32> to vector<16xi32>
      tpu.vector_store %arg10[%swap3A_320], %swap3A_323 {strides = array<i32>} : memref<128xi32, #tpu.memory_space<vmem>>, vector<16xi32>,
      %get3A_324 = arith.constant 48 : index
      %get3A_325 = tpu.vector_load %arg8[%get3A_324] {strides = array<i32>} : memref<128xi32, #tpu.memory_space<vmem>>, vector<16xi32>,
      %get3A_326 = vector.shape_cast %get3A_325 : vector<16xi32> to vector<16xi32>
      %swap3A_327 = arith.constant 48 : index
      %swap3A_328 = tpu.vector_load %arg10[%swap3A_327] {strides = array<i32>} : memref<128xi32, #tpu.memory_space<vmem>>, vector<16xi32>,
      %swap3A_329 = vector.shape_cast %swap3A_328 : vector<16xi32> to vector<16xi32>
      %swap3A_330 = vector.shape_cast %get3A_326 : vector<16xi32> to vector<16xi32>
      tpu.vector_store %arg10[%swap3A_327], %swap3A_330 {strides = array<i32>} : memref<128xi32, #tpu.memory_space<vmem>>, vector<16xi32>,
      %get3A_331 = arith.constant 64 : index
      %get3A_332 = tpu.vector_load %arg8[%get3A_331] {strides = array<i32>} : memref<128xi32, #tpu.memory_space<vmem>>, vector<16xi32>,
      %get3A_333 = vector.shape_cast %get3A_332 : vector<16xi32> to vector<16xi32>
      %swap3A_334 = arith.constant 64 : index
      %swap3A_335 = tpu.vector_load %arg10[%swap3A_334] {strides = array<i32>} : memref<128xi32, #tpu.memory_space<vmem>>, vector<16xi32>,
      %swap3A_336 = vector.shape_cast %swap3A_335 : vector<16xi32> to vector<16xi32>
      %swap3A_337 = vector.shape_cast %get3A_333 : vector<16xi32> to vector<16xi32>
      tpu.vector_store %arg10[%swap3A_334], %swap3A_337 {strides = array<i32>} : memref<128xi32, #tpu.memory_space<vmem>>, vector<16xi32>,
      %get3A_338 = arith.constant 80 : index
      %get3A_339 = tpu.vector_load %arg8[%get3A_338] {strides = array<i32>} : memref<128xi32, #tpu.memory_space<vmem>>, vector<16xi32>,
      %get3A_340 = vector.shape_cast %get3A_339 : vector<16xi32> to vector<16xi32>
      %swap3A_341 = arith.constant 80 : index
      %swap3A_342 = tpu.vector_load %arg10[%swap3A_341] {strides = array<i32>} : memref<128xi32, #tpu.memory_space<vmem>>, vector<16xi32>,
      %swap3A_343 = vector.shape_cast %swap3A_342 : vector<16xi32> to vector<16xi32>
      %swap3A_344 = vector.shape_cast %get3A_340 : vector<16xi32> to vector<16xi32>
      tpu.vector_store %arg10[%swap3A_341], %swap3A_344 {strides = array<i32>} : memref<128xi32, #tpu.memory_space<vmem>>, vector<16xi32>,
      %get3A_345 = arith.constant 96 : index
      %get3A_346 = tpu.vector_load %arg8[%get3A_345] {strides = array<i32>} : memref<128xi32, #tpu.memory_space<vmem>>, vector<16xi32>,
      %get3A_347 = vector.shape_cast %get3A_346 : vector<16xi32> to vector<16xi32>
      %swap3A_348 = arith.constant 96 : index
      %swap3A_349 = tpu.vector_load %arg10[%swap3A_348] {strides = array<i32>} : memref<128xi32, #tpu.memory_space<vmem>>, vector<16xi32>,
      %swap3A_350 = vector.shape_cast %swap3A_349 : vector<16xi32> to vector<16xi32>
      %swap3A_351 = vector.shape_cast %get3A_347 : vector<16xi32> to vector<16xi32>
      tpu.vector_store %arg10[%swap3A_348], %swap3A_351 {strides = array<i32>} : memref<128xi32, #tpu.memory_space<vmem>>, vector<16xi32>,
      %get3A_352 = arith.constant 112 : index
      %get3A_353 = tpu.vector_load %arg8[%get3A_352] {strides = array<i32>} : memref<128xi32, #tpu.memory_space<vmem>>, vector<16xi32>,
      %get3A_354 = vector.shape_cast %get3A_353 : vector<16xi32> to vector<16xi32>
      %swap3A_355 = arith.constant 112 : index
      %swap3A_356 = tpu.vector_load %arg10[%swap3A_355] {strides = array<i32>} : memref<128xi32, #tpu.memory_space<vmem>>, vector<16xi32>,
      %swap3A_357 = vector.shape_cast %swap3A_356 : vector<16xi32> to vector<16xi32>
      %swap3A_358 = vector.shape_cast %get3A_354 : vector<16xi32> to vector<16xi32>
      tpu.vector_store %arg10[%swap3A_355], %swap3A_358 {strides = array<i32>} : memref<128xi32, #tpu.memory_space<vmem>>, vector<16xi32>,
      %dma_start3A_359 = arith.constant 0 : i32
      %dma_start3A_360 = arith.constant 0 : i32
      %dma_start3A_361 = tpu.memref_slice %arg13[%dma_start3A_359, %dma_start3A_360] : memref<10240x128xf32, #tpu.memory_space<vmem_shared>> -> memref<10240x128xf32, #tpu.memory_space<vmem_shared>>
      tpu.enqueue_indirect_dma source(%arg11 : memref<128x128xf32, #tpu.memory_space<vmem>>) target(%dma_start3A_361 : memref<10240x128xf32, #tpu.memory_space<vmem_shared>>) offsets(%arg10 : memref<128xi32, #tpu.memory_space<vmem>>) semaphore(%arg19 : memref<!tpu.dma_semaphore, #tpu.memory_space<semaphore_mem>>) {add = true}
      %add3A_362 = arith.constant 2 : i32
      %add3A_363 = arith.addi %mul3A_285, %add3A_362 : i32
      %lt3A = arith.cmpi slt, %add3A_363, %select_n3A : i32
      %convert_element_type3A_364 = arith.extui %lt3A : i1 to i32
      %cond3A_365 = arith.constant 0 : i32
      %cond3A_366 = arith.cmpi ne, %convert_element_type3A_364, %cond3A_365 : i32
      scf.if %cond3A_366 {
        %add3A_451 = arith.constant 2 : i32
        %add3A_452 = arith.addi %mul3A_285, %add3A_451 : i32
        %mul3A_453 = arith.constant 128 : i32
        %mul3A_454 = arith.muli %add3A_452, %mul3A_453 : i32
        %add3A_455 = arith.addi %add3A, %mul3A_454 : i32
        %dma_start3A_456 = tpu.memref_slice %arg2[%add3A_455] : memref<323584xi32, #tpu.memory_space<hbm>> -> memref<128xi32, #tpu.memory_space<hbm>>
        %dma_start3A_457 = tpu.memref_slice %arg2[%add3A_455] : memref<323584xi32, #tpu.memory_space<hbm>> -> memref<128xi32, #tpu.memory_space<hbm>>
        tpu.enqueue_dma source(%dma_start3A_457 : memref<128xi32, #tpu.memory_space<hbm>>) target(%arg6 : memref<128xi32, #tpu.memory_space<vmem>>) target_semaphore(%arg15 : memref<!tpu.dma_semaphore, #tpu.memory_space<semaphore_mem>>)
        %mul3A_458 = arith.constant 128 : i32
        %mul3A_459 = arith.muli %add3A_452, %mul3A_458 : i32
        %add3A_460 = arith.addi %add3A, %mul3A_459 : i32
        %dma_start3A_461 = tpu.memref_slice %arg3[%add3A_460] : memref<323584xi32, #tpu.memory_space<hbm>> -> memref<128xi32, #tpu.memory_space<hbm>>
        %dma_start3A_462 = tpu.memref_slice %arg3[%add3A_460] : memref<323584xi32, #tpu.memory_space<hbm>> -> memref<128xi32, #tpu.memory_space<hbm>>
        tpu.enqueue_dma source(%dma_start3A_462 : memref<128xi32, #tpu.memory_space<hbm>>) target(%arg8 : memref<128xi32, #tpu.memory_space<vmem>>) target_semaphore(%arg17 : memref<!tpu.dma_semaphore, #tpu.memory_space<semaphore_mem>>)
      } else {
      }
      %add3A_367 = arith.constant 1 : i32
      %add3A_368 = arith.addi %mul3A_285, %add3A_367 : i32
      %dma_wait3A_369 = arith.constant 0 : i32
      %dma_wait3A_370 = arith.constant 0 : i32
      %dma_wait3A_371 = tpu.memref_slice %arg4[%dma_wait3A_369, %dma_wait3A_370] : memref<10240x128xf32, #tpu.memory_space<hbm>> -> memref<10240x128xf32, #tpu.memory_space<hbm>>
      tpu.wait_indirect_dma semaphore(%arg14 : memref<!tpu.dma_semaphore, #tpu.memory_space<semaphore_mem>>) src(%dma_wait3A_371 : memref<10240x128xf32, #tpu.memory_space<hbm>>) dst(%arg12 : memref<128x128xf32, #tpu.memory_space<vmem>>)
      %dma_wait3A_372 = arith.constant 0 : i32
      %dma_wait3A_373 = tpu.memref_slice %arg2[%dma_wait3A_372] : memref<323584xi32, #tpu.memory_space<hbm>> -> memref<128xi32, #tpu.memory_space<hbm>>
      %dma_wait3A_374 = arith.constant 0 : i32
      %dma_wait3A_375 = tpu.memref_slice %arg2[%dma_wait3A_374] : memref<323584xi32, #tpu.memory_space<hbm>> -> memref<128xi32, #tpu.memory_space<hbm>>
      tpu.wait_dma2 semaphore(%arg15 : memref<!tpu.dma_semaphore, #tpu.memory_space<semaphore_mem>>) src(%dma_wait3A_375 : memref<128xi32, #tpu.memory_space<hbm>>) dst(%arg6 : memref<128xi32, #tpu.memory_space<vmem>>)
      %dma_wait3A_376 = arith.constant 0 : i32
      %dma_wait3A_377 = arith.constant 0 : i32
      %dma_wait3A_378 = tpu.memref_slice %arg13[%dma_wait3A_376, %dma_wait3A_377] : memref<10240x128xf32, #tpu.memory_space<vmem_shared>> -> memref<10240x128xf32, #tpu.memory_space<vmem_shared>>
      tpu.wait_indirect_dma semaphore(%arg19 : memref<!tpu.dma_semaphore, #tpu.memory_space<semaphore_mem>>) src(%arg11 : memref<128x128xf32, #tpu.memory_space<vmem>>) dst(%dma_wait3A_378 : memref<10240x128xf32, #tpu.memory_space<vmem_shared>>)
      %dma_start3A_379 = arith.constant 0 : i32
      %dma_start3A_380 = arith.constant 0 : i32
      %dma_start3A_381 = tpu.memref_slice %arg4[%dma_start3A_379, %dma_start3A_380] : memref<10240x128xf32, #tpu.memory_space<hbm>> -> memref<10240x128xf32, #tpu.memory_space<hbm>>
      tpu.enqueue_indirect_dma source(%dma_start3A_381 : memref<10240x128xf32, #tpu.memory_space<hbm>>) target(%arg11 : memref<128x128xf32, #tpu.memory_space<vmem>>) offsets(%arg6 : memref<128xi32, #tpu.memory_space<vmem>>) semaphore(%arg14 : memref<!tpu.dma_semaphore, #tpu.memory_space<semaphore_mem>>)
      %dma_wait3A_382 = arith.constant 0 : i32
      %dma_wait3A_383 = tpu.memref_slice %arg3[%dma_wait3A_382] : memref<323584xi32, #tpu.memory_space<hbm>> -> memref<128xi32, #tpu.memory_space<hbm>>
      %dma_wait3A_384 = arith.constant 0 : i32
      %dma_wait3A_385 = tpu.memref_slice %arg3[%dma_wait3A_384] : memref<323584xi32, #tpu.memory_space<hbm>> -> memref<128xi32, #tpu.memory_space<hbm>>
      tpu.wait_dma2 semaphore(%arg18 : memref<!tpu.dma_semaphore, #tpu.memory_space<semaphore_mem>>) src(%dma_wait3A_385 : memref<128xi32, #tpu.memory_space<hbm>>) dst(%arg9 : memref<128xi32, #tpu.memory_space<vmem>>)
      %get3A_386 = arith.constant 0 : index
      %get3A_387 = tpu.vector_load %arg9[%get3A_386] {strides = array<i32>} : memref<128xi32, #tpu.memory_space<vmem>>, vector<16xi32>,
      %get3A_388 = vector.shape_cast %get3A_387 : vector<16xi32> to vector<16xi32>
      %swap3A_389 = arith.constant 0 : index
      %swap3A_390 = tpu.vector_load %arg10[%swap3A_389] {strides = array<i32>} : memref<128xi32, #tpu.memory_space<vmem>>, vector<16xi32>,
      %swap3A_391 = vector.shape_cast %swap3A_390 : vector<16xi32> to vector<16xi32>
      %swap3A_392 = vector.shape_cast %get3A_388 : vector<16xi32> to vector<16xi32>
      tpu.vector_store %arg10[%swap3A_389], %swap3A_392 {strides = array<i32>} : memref<128xi32, #tpu.memory_space<vmem>>, vector<16xi32>,
      %get3A_393 = arith.constant 16 : index
      %get3A_394 = tpu.vector_load %arg9[%get3A_393] {strides = array<i32>} : memref<128xi32, #tpu.memory_space<vmem>>, vector<16xi32>,
      %get3A_395 = vector.shape_cast %get3A_394 : vector<16xi32> to vector<16xi32>
      %swap3A_396 = arith.constant 16 : index
      %swap3A_397 = tpu.vector_load %arg10[%swap3A_396] {strides = array<i32>} : memref<128xi32, #tpu.memory_space<vmem>>, vector<16xi32>,
      %swap3A_398 = vector.shape_cast %swap3A_397 : vector<16xi32> to vector<16xi32>
      %swap3A_399 = vector.shape_cast %get3A_395 : vector<16xi32> to vector<16xi32>
      tpu.vector_store %arg10[%swap3A_396], %swap3A_399 {strides = array<i32>} : memref<128xi32, #tpu.memory_space<vmem>>, vector<16xi32>,
      %get3A_400 = arith.constant 32 : index
      %get3A_401 = tpu.vector_load %arg9[%get3A_400] {strides = array<i32>} : memref<128xi32, #tpu.memory_space<vmem>>, vector<16xi32>,
      %get3A_402 = vector.shape_cast %get3A_401 : vector<16xi32> to vector<16xi32>
      %swap3A_403 = arith.constant 32 : index
      %swap3A_404 = tpu.vector_load %arg10[%swap3A_403] {strides = array<i32>} : memref<128xi32, #tpu.memory_space<vmem>>, vector<16xi32>,
      %swap3A_405 = vector.shape_cast %swap3A_404 : vector<16xi32> to vector<16xi32>
      %swap3A_406 = vector.shape_cast %get3A_402 : vector<16xi32> to vector<16xi32>
      tpu.vector_store %arg10[%swap3A_403], %swap3A_406 {strides = array<i32>} : memref<128xi32, #tpu.memory_space<vmem>>, vector<16xi32>,
      %get3A_407 = arith.constant 48 : index
      %get3A_408 = tpu.vector_load %arg9[%get3A_407] {strides = array<i32>} : memref<128xi32, #tpu.memory_space<vmem>>, vector<16xi32>,
      %get3A_409 = vector.shape_cast %get3A_408 : vector<16xi32> to vector<16xi32>
      %swap3A_410 = arith.constant 48 : index
      %swap3A_411 = tpu.vector_load %arg10[%swap3A_410] {strides = array<i32>} : memref<128xi32, #tpu.memory_space<vmem>>, vector<16xi32>,
      %swap3A_412 = vector.shape_cast %swap3A_411 : vector<16xi32> to vector<16xi32>
      %swap3A_413 = vector.shape_cast %get3A_409 : vector<16xi32> to vector<16xi32>
      tpu.vector_store %arg10[%swap3A_410], %swap3A_413 {strides = array<i32>} : memref<128xi32, #tpu.memory_space<vmem>>, vector<16xi32>,
      %get3A_414 = arith.constant 64 : index
      %get3A_415 = tpu.vector_load %arg9[%get3A_414] {strides = array<i32>} : memref<128xi32, #tpu.memory_space<vmem>>, vector<16xi32>,
      %get3A_416 = vector.shape_cast %get3A_415 : vector<16xi32> to vector<16xi32>
      %swap3A_417 = arith.constant 64 : index
      %swap3A_418 = tpu.vector_load %arg10[%swap3A_417] {strides = array<i32>} : memref<128xi32, #tpu.memory_space<vmem>>, vector<16xi32>,
      %swap3A_419 = vector.shape_cast %swap3A_418 : vector<16xi32> to vector<16xi32>
      %swap3A_420 = vector.shape_cast %get3A_416 : vector<16xi32> to vector<16xi32>
      tpu.vector_store %arg10[%swap3A_417], %swap3A_420 {strides = array<i32>} : memref<128xi32, #tpu.memory_space<vmem>>, vector<16xi32>,
      %get3A_421 = arith.constant 80 : index
      %get3A_422 = tpu.vector_load %arg9[%get3A_421] {strides = array<i32>} : memref<128xi32, #tpu.memory_space<vmem>>, vector<16xi32>,
      %get3A_423 = vector.shape_cast %get3A_422 : vector<16xi32> to vector<16xi32>
      %swap3A_424 = arith.constant 80 : index
      %swap3A_425 = tpu.vector_load %arg10[%swap3A_424] {strides = array<i32>} : memref<128xi32, #tpu.memory_space<vmem>>, vector<16xi32>,
      %swap3A_426 = vector.shape_cast %swap3A_425 : vector<16xi32> to vector<16xi32>
      %swap3A_427 = vector.shape_cast %get3A_423 : vector<16xi32> to vector<16xi32>
      tpu.vector_store %arg10[%swap3A_424], %swap3A_427 {strides = array<i32>} : memref<128xi32, #tpu.memory_space<vmem>>, vector<16xi32>,
      %get3A_428 = arith.constant 96 : index
      %get3A_429 = tpu.vector_load %arg9[%get3A_428] {strides = array<i32>} : memref<128xi32, #tpu.memory_space<vmem>>, vector<16xi32>,
      %get3A_430 = vector.shape_cast %get3A_429 : vector<16xi32> to vector<16xi32>
      %swap3A_431 = arith.constant 96 : index
      %swap3A_432 = tpu.vector_load %arg10[%swap3A_431] {strides = array<i32>} : memref<128xi32, #tpu.memory_space<vmem>>, vector<16xi32>,
      %swap3A_433 = vector.shape_cast %swap3A_432 : vector<16xi32> to vector<16xi32>
      %swap3A_434 = vector.shape_cast %get3A_430 : vector<16xi32> to vector<16xi32>
      tpu.vector_store %arg10[%swap3A_431], %swap3A_434 {strides = array<i32>} : memref<128xi32, #tpu.memory_space<vmem>>, vector<16xi32>,
      %get3A_435 = arith.constant 112 : index
      %get3A_436 = tpu.vector_load %arg9[%get3A_435] {strides = array<i32>} : memref<128xi32, #tpu.memory_space<vmem>>, vector<16xi32>,
      %get3A_437 = vector.shape_cast %get3A_436 : vector<16xi32> to vector<16xi32>
      %swap3A_438 = arith.constant 112 : index
      %swap3A_439 = tpu.vector_load %arg10[%swap3A_438] {strides = array<i32>} : memref<128xi32, #tpu.memory_space<vmem>>, vector<16xi32>,
      %swap3A_440 = vector.shape_cast %swap3A_439 : vector<16xi32> to vector<16xi32>
      %swap3A_441 = vector.shape_cast %get3A_437 : vector<16xi32> to vector<16xi32>
      tpu.vector_store %arg10[%swap3A_438], %swap3A_441 {strides = array<i32>} : memref<128xi32, #tpu.memory_space<vmem>>, vector<16xi32>,
      %dma_start3A_442 = arith.constant 0 : i32
      %dma_start3A_443 = arith.constant 0 : i32
      %dma_start3A_444 = tpu.memref_slice %arg13[%dma_start3A_442, %dma_start3A_443] : memref<10240x128xf32, #tpu.memory_space<vmem_shared>> -> memref<10240x128xf32, #tpu.memory_space<vmem_shared>>
      tpu.enqueue_indirect_dma source(%arg12 : memref<128x128xf32, #tpu.memory_space<vmem>>) target(%dma_start3A_444 : memref<10240x128xf32, #tpu.memory_space<vmem_shared>>) offsets(%arg10 : memref<128xi32, #tpu.memory_space<vmem>>) semaphore(%arg19 : memref<!tpu.dma_semaphore, #tpu.memory_space<semaphore_mem>>) {add = true}
      %add3A_445 = arith.constant 2 : i32
      %add3A_446 = arith.addi %add3A_368, %add3A_445 : i32
      %lt3A_447 = arith.cmpi slt, %add3A_446, %select_n3A : i32
      %convert_element_type3A_448 = arith.extui %lt3A_447 : i1 to i32
      %cond3A_449 = arith.constant 0 : i32
      %cond3A_450 = arith.cmpi ne, %convert_element_type3A_448, %cond3A_449 : i32
      scf.if %cond3A_450 {
        %add3A_451 = arith.constant 2 : i32
        %add3A_452 = arith.addi %add3A_368, %add3A_451 : i32
        %mul3A_453 = arith.constant 128 : i32
        %mul3A_454 = arith.muli %add3A_452, %mul3A_453 : i32
        %add3A_455 = arith.addi %add3A, %mul3A_454 : i32
        %dma_start3A_456 = tpu.memref_slice %arg2[%add3A_455] : memref<323584xi32, #tpu.memory_space<hbm>> -> memref<128xi32, #tpu.memory_space<hbm>>
        %dma_start3A_457 = tpu.memref_slice %arg2[%add3A_455] : memref<323584xi32, #tpu.memory_space<hbm>> -> memref<128xi32, #tpu.memory_space<hbm>>
        tpu.enqueue_dma source(%dma_start3A_457 : memref<128xi32, #tpu.memory_space<hbm>>) target(%arg7 : memref<128xi32, #tpu.memory_space<vmem>>) target_semaphore(%arg16 : memref<!tpu.dma_semaphore, #tpu.memory_space<semaphore_mem>>)
        %mul3A_458 = arith.constant 128 : i32
        %mul3A_459 = arith.muli %add3A_452, %mul3A_458 : i32
        %add3A_460 = arith.addi %add3A, %mul3A_459 : i32
        %dma_start3A_461 = tpu.memref_slice %arg3[%add3A_460] : memref<323584xi32, #tpu.memory_space<hbm>> -> memref<128xi32, #tpu.memory_space<hbm>>
        %dma_start3A_462 = tpu.memref_slice %arg3[%add3A_460] : memref<323584xi32, #tpu.memory_space<hbm>> -> memref<128xi32, #tpu.memory_space<hbm>>
        tpu.enqueue_dma source(%dma_start3A_462 : memref<128xi32, #tpu.memory_space<hbm>>) target(%arg9 : memref<128xi32, #tpu.memory_space<vmem>>) target_semaphore(%arg18 : memref<!tpu.dma_semaphore, #tpu.memory_space<semaphore_mem>>)
      } else {
      }
    }
    %dma_wait3A_210 = arith.constant 0 : i32
    %dma_wait3A_211 = arith.constant 0 : i32
    %dma_wait3A_212 = tpu.memref_slice %arg4[%dma_wait3A_210, %dma_wait3A_211] : memref<10240x128xf32, #tpu.memory_space<hbm>> -> memref<10240x128xf32, #tpu.memory_space<hbm>>
    tpu.wait_indirect_dma semaphore(%arg14 : memref<!tpu.dma_semaphore, #tpu.memory_space<semaphore_mem>>) src(%dma_wait3A_212 : memref<10240x128xf32, #tpu.memory_space<hbm>>) dst(%arg11 : memref<128x128xf32, #tpu.memory_space<vmem>>)
    %dma_wait3A_213 = arith.constant 0 : i32
    %dma_wait3A_214 = arith.constant 0 : i32
    %dma_wait3A_215 = tpu.memref_slice %arg13[%dma_wait3A_213, %dma_wait3A_214] : memref<10240x128xf32, #tpu.memory_space<vmem_shared>> -> memref<10240x128xf32, #tpu.memory_space<vmem_shared>>
    tpu.wait_indirect_dma semaphore(%arg19 : memref<!tpu.dma_semaphore, #tpu.memory_space<semaphore_mem>>) src(%arg12 : memref<128x128xf32, #tpu.memory_space<vmem>>) dst(%dma_wait3A_215 : memref<10240x128xf32, #tpu.memory_space<vmem_shared>>)
    %dma_wait3A_216 = arith.constant 0 : i32
    %dma_wait3A_217 = tpu.memref_slice %arg3[%dma_wait3A_216] : memref<323584xi32, #tpu.memory_space<hbm>> -> memref<128xi32, #tpu.memory_space<hbm>>
    %dma_wait3A_218 = arith.constant 0 : i32
    %dma_wait3A_219 = tpu.memref_slice %arg3[%dma_wait3A_218] : memref<323584xi32, #tpu.memory_space<hbm>> -> memref<128xi32, #tpu.memory_space<hbm>>
    tpu.wait_dma2 semaphore(%arg17 : memref<!tpu.dma_semaphore, #tpu.memory_space<semaphore_mem>>) src(%dma_wait3A_219 : memref<128xi32, #tpu.memory_space<hbm>>) dst(%arg8 : memref<128xi32, #tpu.memory_space<vmem>>)
    %get3A_220 = arith.constant 0 : index
    %get3A_221 = tpu.vector_load %arg8[%get3A_220] {strides = array<i32>} : memref<128xi32, #tpu.memory_space<vmem>>, vector<16xi32>,
    %get3A_222 = vector.shape_cast %get3A_221 : vector<16xi32> to vector<16xi32>
    %swap3A_223 = arith.constant 0 : index
    %swap3A_224 = tpu.vector_load %arg10[%swap3A_223] {strides = array<i32>} : memref<128xi32, #tpu.memory_space<vmem>>, vector<16xi32>,
    %swap3A_225 = vector.shape_cast %swap3A_224 : vector<16xi32> to vector<16xi32>
    %swap3A_226 = vector.shape_cast %get3A_222 : vector<16xi32> to vector<16xi32>
    tpu.vector_store %arg10[%swap3A_223], %swap3A_226 {strides = array<i32>} : memref<128xi32, #tpu.memory_space<vmem>>, vector<16xi32>,
    %get3A_227 = arith.constant 16 : index
    %get3A_228 = tpu.vector_load %arg8[%get3A_227] {strides = array<i32>} : memref<128xi32, #tpu.memory_space<vmem>>, vector<16xi32>,
    %get3A_229 = vector.shape_cast %get3A_228 : vector<16xi32> to vector<16xi32>
    %swap3A_230 = arith.constant 16 : index
    %swap3A_231 = tpu.vector_load %arg10[%swap3A_230] {strides = array<i32>} : memref<128xi32, #tpu.memory_space<vmem>>, vector<16xi32>,
    %swap3A_232 = vector.shape_cast %swap3A_231 : vector<16xi32> to vector<16xi32>
    %swap3A_233 = vector.shape_cast %get3A_229 : vector<16xi32> to vector<16xi32>
    tpu.vector_store %arg10[%swap3A_230], %swap3A_233 {strides = array<i32>} : memref<128xi32, #tpu.memory_space<vmem>>, vector<16xi32>,
    %get3A_234 = arith.constant 32 : index
    %get3A_235 = tpu.vector_load %arg8[%get3A_234] {strides = array<i32>} : memref<128xi32, #tpu.memory_space<vmem>>, vector<16xi32>,
    %get3A_236 = vector.shape_cast %get3A_235 : vector<16xi32> to vector<16xi32>
    %swap3A_237 = arith.constant 32 : index
    %swap3A_238 = tpu.vector_load %arg10[%swap3A_237] {strides = array<i32>} : memref<128xi32, #tpu.memory_space<vmem>>, vector<16xi32>,
    %swap3A_239 = vector.shape_cast %swap3A_238 : vector<16xi32> to vector<16xi32>
    %swap3A_240 = vector.shape_cast %get3A_236 : vector<16xi32> to vector<16xi32>
    tpu.vector_store %arg10[%swap3A_237], %swap3A_240 {strides = array<i32>} : memref<128xi32, #tpu.memory_space<vmem>>, vector<16xi32>,
    %get3A_241 = arith.constant 48 : index
    %get3A_242 = tpu.vector_load %arg8[%get3A_241] {strides = array<i32>} : memref<128xi32, #tpu.memory_space<vmem>>, vector<16xi32>,
    %get3A_243 = vector.shape_cast %get3A_242 : vector<16xi32> to vector<16xi32>
    %swap3A_244 = arith.constant 48 : index
    %swap3A_245 = tpu.vector_load %arg10[%swap3A_244] {strides = array<i32>} : memref<128xi32, #tpu.memory_space<vmem>>, vector<16xi32>,
    %swap3A_246 = vector.shape_cast %swap3A_245 : vector<16xi32> to vector<16xi32>
    %swap3A_247 = vector.shape_cast %get3A_243 : vector<16xi32> to vector<16xi32>
    tpu.vector_store %arg10[%swap3A_244], %swap3A_247 {strides = array<i32>} : memref<128xi32, #tpu.memory_space<vmem>>, vector<16xi32>,
    %get3A_248 = arith.constant 64 : index
    %get3A_249 = tpu.vector_load %arg8[%get3A_248] {strides = array<i32>} : memref<128xi32, #tpu.memory_space<vmem>>, vector<16xi32>,
    %get3A_250 = vector.shape_cast %get3A_249 : vector<16xi32> to vector<16xi32>
    %swap3A_251 = arith.constant 64 : index
    %swap3A_252 = tpu.vector_load %arg10[%swap3A_251] {strides = array<i32>} : memref<128xi32, #tpu.memory_space<vmem>>, vector<16xi32>,
    %swap3A_253 = vector.shape_cast %swap3A_252 : vector<16xi32> to vector<16xi32>
    %swap3A_254 = vector.shape_cast %get3A_250 : vector<16xi32> to vector<16xi32>
    tpu.vector_store %arg10[%swap3A_251], %swap3A_254 {strides = array<i32>} : memref<128xi32, #tpu.memory_space<vmem>>, vector<16xi32>,
    %get3A_255 = arith.constant 80 : index
    %get3A_256 = tpu.vector_load %arg8[%get3A_255] {strides = array<i32>} : memref<128xi32, #tpu.memory_space<vmem>>, vector<16xi32>,
    %get3A_257 = vector.shape_cast %get3A_256 : vector<16xi32> to vector<16xi32>
    %swap3A_258 = arith.constant 80 : index
    %swap3A_259 = tpu.vector_load %arg10[%swap3A_258] {strides = array<i32>} : memref<128xi32, #tpu.memory_space<vmem>>, vector<16xi32>,
    %swap3A_260 = vector.shape_cast %swap3A_259 : vector<16xi32> to vector<16xi32>
    %swap3A_261 = vector.shape_cast %get3A_257 : vector<16xi32> to vector<16xi32>
    tpu.vector_store %arg10[%swap3A_258], %swap3A_261 {strides = array<i32>} : memref<128xi32, #tpu.memory_space<vmem>>, vector<16xi32>,
    %get3A_262 = arith.constant 96 : index
    %get3A_263 = tpu.vector_load %arg8[%get3A_262] {strides = array<i32>} : memref<128xi32, #tpu.memory_space<vmem>>, vector<16xi32>,
    %get3A_264 = vector.shape_cast %get3A_263 : vector<16xi32> to vector<16xi32>
    %swap3A_265 = arith.constant 96 : index
    %swap3A_266 = tpu.vector_load %arg10[%swap3A_265] {strides = array<i32>} : memref<128xi32, #tpu.memory_space<vmem>>, vector<16xi32>,
    %swap3A_267 = vector.shape_cast %swap3A_266 : vector<16xi32> to vector<16xi32>
    %swap3A_268 = vector.shape_cast %get3A_264 : vector<16xi32> to vector<16xi32>
    tpu.vector_store %arg10[%swap3A_265], %swap3A_268 {strides = array<i32>} : memref<128xi32, #tpu.memory_space<vmem>>, vector<16xi32>,
    %get3A_269 = arith.constant 112 : index
    %get3A_270 = tpu.vector_load %arg8[%get3A_269] {strides = array<i32>} : memref<128xi32, #tpu.memory_space<vmem>>, vector<16xi32>,
    %get3A_271 = vector.shape_cast %get3A_270 : vector<16xi32> to vector<16xi32>
    %swap3A_272 = arith.constant 112 : index
    %swap3A_273 = tpu.vector_load %arg10[%swap3A_272] {strides = array<i32>} : memref<128xi32, #tpu.memory_space<vmem>>, vector<16xi32>,
    %swap3A_274 = vector.shape_cast %swap3A_273 : vector<16xi32> to vector<16xi32>
    %swap3A_275 = vector.shape_cast %get3A_271 : vector<16xi32> to vector<16xi32>
    tpu.vector_store %arg10[%swap3A_272], %swap3A_275 {strides = array<i32>} : memref<128xi32, #tpu.memory_space<vmem>>, vector<16xi32>,
    %dma_start3A_276 = arith.constant 0 : i32
    %dma_start3A_277 = arith.constant 0 : i32
    %dma_start3A_278 = tpu.memref_slice %arg13[%dma_start3A_276, %dma_start3A_277] : memref<10240x128xf32, #tpu.memory_space<vmem_shared>> -> memref<10240x128xf32, #tpu.memory_space<vmem_shared>>
    tpu.enqueue_indirect_dma source(%arg11 : memref<128x128xf32, #tpu.memory_space<vmem>>) target(%dma_start3A_278 : memref<10240x128xf32, #tpu.memory_space<vmem_shared>>) offsets(%arg10 : memref<128xi32, #tpu.memory_space<vmem>>) semaphore(%arg19 : memref<!tpu.dma_semaphore, #tpu.memory_space<semaphore_mem>>) {add = true}
    %dma_wait3A_279 = arith.constant 0 : i32
    %dma_wait3A_280 = arith.constant 0 : i32
    %dma_wait3A_281 = tpu.memref_slice %arg13[%dma_wait3A_279, %dma_wait3A_280] : memref<10240x128xf32, #tpu.memory_space<vmem_shared>> -> memref<10240x128xf32, #tpu.memory_space<vmem_shared>>
    tpu.wait_indirect_dma semaphore(%arg19 : memref<!tpu.dma_semaphore, #tpu.memory_space<semaphore_mem>>) src(%arg11 : memref<128x128xf32, #tpu.memory_space<vmem>>) dst(%dma_wait3A_281 : memref<10240x128xf32, #tpu.memory_space<vmem_shared>>)
    %barrier3A_282 = arith.constant 0 : index
    tpu.barrier barrier_id(%barrier3A_282)
    "tpu.region"() ({
      %run_scoped3A = tpu.sem_alloc : memref<!tpu.dma_semaphore, #tpu.memory_space<semaphore_mem>>
      %dma_start3A_283 = arith.constant 0 : i32
      %dma_start3A_284 = tpu.memref_slice %arg5[%arg0, %mul3A_0, %dma_start3A_283] : memref<2x10240x128xf32, #tpu.memory_space<hbm>> -> memref<1x640x128xf32, #tpu.memory_space<hbm>>
      %dma_start3A_285 = tpu.memref_squeeze %dma_start3A_284 : memref<1x640x128xf32, #tpu.memory_space<hbm>> -> memref<640x128xf32, #tpu.memory_space<hbm>>
      %dma_start3A_286 = arith.constant 0 : i32
      %dma_start3A_287 = tpu.memref_slice %arg13[%mul3A_0, %dma_start3A_286] : memref<10240x128xf32, #tpu.memory_space<vmem_shared>> -> memref<640x128xf32, #tpu.memory_space<vmem_shared>>
      tpu.enqueue_dma source(%dma_start3A_287 : memref<640x128xf32, #tpu.memory_space<vmem_shared>>) target(%dma_start3A_285 : memref<640x128xf32, #tpu.memory_space<hbm>>) target_semaphore(%run_scoped3A : memref<!tpu.dma_semaphore, #tpu.memory_space<semaphore_mem>>)
      %dma_wait3A_288 = arith.constant 0 : i32
      %dma_wait3A_289 = tpu.memref_slice %arg5[%arg0, %mul3A_0, %dma_wait3A_288] : memref<2x10240x128xf32, #tpu.memory_space<hbm>> -> memref<1x640x128xf32, #tpu.memory_space<hbm>>
      %dma_wait3A_290 = tpu.memref_squeeze %dma_wait3A_289 : memref<1x640x128xf32, #tpu.memory_space<hbm>> -> memref<640x128xf32, #tpu.memory_space<hbm>>
      %dma_wait3A_291 = arith.constant 0 : i32
      %dma_wait3A_292 = tpu.memref_slice %arg13[%mul3A_0, %dma_wait3A_291] : memref<10240x128xf32, #tpu.memory_space<vmem_shared>> -> memref<640x128xf32, #tpu.memory_space<vmem_shared>>
      tpu.wait_dma2 semaphore(%run_scoped3A : memref<!tpu.dma_semaphore, #tpu.memory_space<semaphore_mem>>) src(%dma_wait3A_292 : memref<640x128xf32, #tpu.memory_space<vmem_shared>>) dst(%dma_wait3A_290 : memref<640x128xf32, #tpu.memory_space<hbm>>)
      tpu.yield
    }) : () -> ()
    return
  }
}

#map = affine_map<(d0, d1) -> (0)>
module attributes {stable_mosaic.version = 14 : i64} {
  func.func @deg_k(%arg0: i32, %arg1: i32, %arg2: memref<323584xi32, #tpu.memory_space<hbm>>, %arg3: memref<20480xf32, #tpu.memory_space<hbm>>, %arg4: memref<10112xi32, #tpu.memory_space<vmem>>, %arg5: memref<10240xf32, #tpu.memory_space<vmem>>, %arg6: memref<16x1024xf32, #tpu.memory_space<vmem>>, %arg7: memref<1024xf32, #tpu.memory_space<vmem>>, %arg8: memref<16x10240xf32, #tpu.memory_space<vmem_shared>>) attributes {dimension_semantics = [#tpu.dimension_semantics<core_parallel>, #tpu.dimension_semantics<subcore_parallel>], iteration_bounds = array<i64: 2, 16>, scalar_prefetch = 0 : i64, scratch_operands = 5 : i64, tpu.core_type = #tpu.core_type<sc_vector_subcore>, window_params = [{transform_indices = #map}, {transform_indices = #map}]} {
    %mul3A = arith.constant 16 : i32
    %mul3A_0 = arith.muli %arg0, %mul3A : i32
    %add3A = arith.addi %mul3A_0, %arg1 : i32
    %scan3A = arith.constant 0 : i32
    %scan3A_1 = arith.constant 0 : i32
    %scan3A_2 = arith.constant 640 : i32
    %scan3A_3 = arith.addi %scan3A_1, %scan3A_2 : i32
    %scan3A_4 = arith.constant 1 : i32
    scf.for %scan3A_17 = %scan3A_1 to %scan3A_3 step %scan3A_4  : i32 {
      %broadcast_in_dim3A_18 = arith.constant 0.000000e+00 : f32
      %broadcast_in_dim3A_19 = vector.broadcast %broadcast_in_dim3A_18 : f32 to vector<16xf32>
      %mul3A_20 = arith.constant 16 : i32
      %mul3A_21 = arith.muli %scan3A_17, %mul3A_20 : i32
      %swap3A = arith.index_cast %mul3A_21 : i32 to index
      %swap3A_22 = tpu.vector_load %arg5[%swap3A] {strides = array<i32>} : memref<10240xf32, #tpu.memory_space<vmem>>, vector<16xf32>,
      tpu.vector_store %arg5[%swap3A], %broadcast_in_dim3A_19 {strides = array<i32>} : memref<10240xf32, #tpu.memory_space<vmem>>, vector<16xf32>,
    }
    %scan3A_5 = arith.constant 640 : i32
    %mul3A_6 = arith.constant 10112 : i32
    %mul3A_7 = arith.muli %add3A, %mul3A_6 : i32
    "tpu.region"() ({
      %run_scoped3A = tpu.sem_alloc : memref<!tpu.dma_semaphore, #tpu.memory_space<semaphore_mem>>
      %dma_start3A = tpu.memref_slice %arg2[%mul3A_7] : memref<323584xi32, #tpu.memory_space<hbm>> -> memref<10112xi32, #tpu.memory_space<hbm>>
      %dma_start3A_17 = tpu.memref_slice %arg2[%mul3A_7] : memref<323584xi32, #tpu.memory_space<hbm>> -> memref<10112xi32, #tpu.memory_space<hbm>>
      tpu.enqueue_dma source(%dma_start3A_17 : memref<10112xi32, #tpu.memory_space<hbm>>) target(%arg4 : memref<10112xi32, #tpu.memory_space<vmem>>) target_semaphore(%run_scoped3A : memref<!tpu.dma_semaphore, #tpu.memory_space<semaphore_mem>>)
      %dma_wait3A = tpu.memref_slice %arg2[%mul3A_7] : memref<323584xi32, #tpu.memory_space<hbm>> -> memref<10112xi32, #tpu.memory_space<hbm>>
      %dma_wait3A_18 = tpu.memref_slice %arg2[%mul3A_7] : memref<323584xi32, #tpu.memory_space<hbm>> -> memref<10112xi32, #tpu.memory_space<hbm>>
      tpu.wait_dma2 semaphore(%run_scoped3A : memref<!tpu.dma_semaphore, #tpu.memory_space<semaphore_mem>>) src(%dma_wait3A_18 : memref<10112xi32, #tpu.memory_space<hbm>>) dst(%arg4 : memref<10112xi32, #tpu.memory_space<vmem>>)
      tpu.yield
    }) : () -> ()
    %broadcast_in_dim3A = arith.constant 1.000000e+00 : f32
    %broadcast_in_dim3A_8 = vector.broadcast %broadcast_in_dim3A : f32 to vector<16xf32>
    %scan3A_9 = arith.constant 0 : i32
    %scan3A_10 = arith.constant 0 : i32
    %scan3A_11 = arith.constant 79 : i32
    %scan3A_12 = arith.addi %scan3A_10, %scan3A_11 : i32
    %scan3A_13 = arith.constant 1 : i32
    scf.for %scan3A_17 = %scan3A_10 to %scan3A_12 step %scan3A_13  : i32 {
      %mul3A_18 = arith.constant 128 : i32
      %mul3A_19 = arith.muli %scan3A_17, %mul3A_18 : i32
      %add3A_20 = arith.constant 0 : i32
      %add3A_21 = arith.addi %mul3A_19, %add3A_20 : i32
      %get3A = arith.index_cast %add3A_21 : i32 to index
      %get3A_22 = tpu.vector_load %arg4[%get3A] {strides = array<i32>} : memref<10112xi32, #tpu.memory_space<vmem>>, vector<16xi32>,
      tpu.vector_store_idx %arg5[%get3A_22], %broadcast_in_dim3A_8 {add = true} : memref<10240xf32, #tpu.memory_space<vmem>>[vector<16xi32>], vector<16xf32>,
      %mul3A_23 = arith.constant 128 : i32
      %mul3A_24 = arith.muli %scan3A_17, %mul3A_23 : i32
      %add3A_25 = arith.constant 16 : i32
      %add3A_26 = arith.addi %mul3A_24, %add3A_25 : i32
      %get3A_27 = arith.index_cast %add3A_26 : i32 to index
      %get3A_28 = tpu.vector_load %arg4[%get3A_27] {strides = array<i32>} : memref<10112xi32, #tpu.memory_space<vmem>>, vector<16xi32>,
      tpu.vector_store_idx %arg5[%get3A_28], %broadcast_in_dim3A_8 {add = true} : memref<10240xf32, #tpu.memory_space<vmem>>[vector<16xi32>], vector<16xf32>,
      %mul3A_29 = arith.constant 128 : i32
      %mul3A_30 = arith.muli %scan3A_17, %mul3A_29 : i32
      %add3A_31 = arith.constant 32 : i32
      %add3A_32 = arith.addi %mul3A_30, %add3A_31 : i32
      %get3A_33 = arith.index_cast %add3A_32 : i32 to index
      %get3A_34 = tpu.vector_load %arg4[%get3A_33] {strides = array<i32>} : memref<10112xi32, #tpu.memory_space<vmem>>, vector<16xi32>,
      tpu.vector_store_idx %arg5[%get3A_34], %broadcast_in_dim3A_8 {add = true} : memref<10240xf32, #tpu.memory_space<vmem>>[vector<16xi32>], vector<16xf32>,
      %mul3A_35 = arith.constant 128 : i32
      %mul3A_36 = arith.muli %scan3A_17, %mul3A_35 : i32
      %add3A_37 = arith.constant 48 : i32
      %add3A_38 = arith.addi %mul3A_36, %add3A_37 : i32
      %get3A_39 = arith.index_cast %add3A_38 : i32 to index
      %get3A_40 = tpu.vector_load %arg4[%get3A_39] {strides = array<i32>} : memref<10112xi32, #tpu.memory_space<vmem>>, vector<16xi32>,
      tpu.vector_store_idx %arg5[%get3A_40], %broadcast_in_dim3A_8 {add = true} : memref<10240xf32, #tpu.memory_space<vmem>>[vector<16xi32>], vector<16xf32>,
      %mul3A_41 = arith.constant 128 : i32
      %mul3A_42 = arith.muli %scan3A_17, %mul3A_41 : i32
      %add3A_43 = arith.constant 64 : i32
      %add3A_44 = arith.addi %mul3A_42, %add3A_43 : i32
      %get3A_45 = arith.index_cast %add3A_44 : i32 to index
      %get3A_46 = tpu.vector_load %arg4[%get3A_45] {strides = array<i32>} : memref<10112xi32, #tpu.memory_space<vmem>>, vector<16xi32>,
      tpu.vector_store_idx %arg5[%get3A_46], %broadcast_in_dim3A_8 {add = true} : memref<10240xf32, #tpu.memory_space<vmem>>[vector<16xi32>], vector<16xf32>,
      %mul3A_47 = arith.constant 128 : i32
      %mul3A_48 = arith.muli %scan3A_17, %mul3A_47 : i32
      %add3A_49 = arith.constant 80 : i32
      %add3A_50 = arith.addi %mul3A_48, %add3A_49 : i32
      %get3A_51 = arith.index_cast %add3A_50 : i32 to index
      %get3A_52 = tpu.vector_load %arg4[%get3A_51] {strides = array<i32>} : memref<10112xi32, #tpu.memory_space<vmem>>, vector<16xi32>,
      tpu.vector_store_idx %arg5[%get3A_52], %broadcast_in_dim3A_8 {add = true} : memref<10240xf32, #tpu.memory_space<vmem>>[vector<16xi32>], vector<16xf32>,
      %mul3A_53 = arith.constant 128 : i32
      %mul3A_54 = arith.muli %scan3A_17, %mul3A_53 : i32
      %add3A_55 = arith.constant 96 : i32
      %add3A_56 = arith.addi %mul3A_54, %add3A_55 : i32
      %get3A_57 = arith.index_cast %add3A_56 : i32 to index
      %get3A_58 = tpu.vector_load %arg4[%get3A_57] {strides = array<i32>} : memref<10112xi32, #tpu.memory_space<vmem>>, vector<16xi32>,
      tpu.vector_store_idx %arg5[%get3A_58], %broadcast_in_dim3A_8 {add = true} : memref<10240xf32, #tpu.memory_space<vmem>>[vector<16xi32>], vector<16xf32>,
      %mul3A_59 = arith.constant 128 : i32
      %mul3A_60 = arith.muli %scan3A_17, %mul3A_59 : i32
      %add3A_61 = arith.constant 112 : i32
      %add3A_62 = arith.addi %mul3A_60, %add3A_61 : i32
      %get3A_63 = arith.index_cast %add3A_62 : i32 to index
      %get3A_64 = tpu.vector_load %arg4[%get3A_63] {strides = array<i32>} : memref<10112xi32, #tpu.memory_space<vmem>>, vector<16xi32>,
      tpu.vector_store_idx %arg5[%get3A_64], %broadcast_in_dim3A_8 {add = true} : memref<10240xf32, #tpu.memory_space<vmem>>[vector<16xi32>], vector<16xf32>,
    }
    %scan3A_14 = arith.constant 79 : i32
    "tpu.region"() ({
      %run_scoped3A = tpu.sem_alloc : memref<!tpu.dma_semaphore, #tpu.memory_space<semaphore_mem>>
      %dma_start3A = arith.constant 0 : i32
      %dma_start3A_17 = tpu.memref_slice %arg8[%arg1, %dma_start3A] : memref<16x10240xf32, #tpu.memory_space<vmem_shared>> -> memref<1x10240xf32, #tpu.memory_space<vmem_shared>>
      %dma_start3A_18 = tpu.memref_squeeze %dma_start3A_17 : memref<1x10240xf32, #tpu.memory_space<vmem_shared>> -> memref<10240xf32, #tpu.memory_space<vmem_shared>>
      %dma_start3A_19 = arith.constant 0 : i32
      %dma_start3A_20 = tpu.memref_slice %arg8[%arg1, %dma_start3A_19] : memref<16x10240xf32, #tpu.memory_space<vmem_shared>> -> memref<1x10240xf32, #tpu.memory_space<vmem_shared>>
      %dma_start3A_21 = tpu.memref_squeeze %dma_start3A_20 : memref<1x10240xf32, #tpu.memory_space<vmem_shared>> -> memref<10240xf32, #tpu.memory_space<vmem_shared>>
      tpu.enqueue_dma source(%arg5 : memref<10240xf32, #tpu.memory_space<vmem>>) target(%dma_start3A_21 : memref<10240xf32, #tpu.memory_space<vmem_shared>>) target_semaphore(%run_scoped3A : memref<!tpu.dma_semaphore, #tpu.memory_space<semaphore_mem>>)
      %dma_wait3A = arith.constant 0 : i32
      %dma_wait3A_22 = tpu.memref_slice %arg8[%arg1, %dma_wait3A] : memref<16x10240xf32, #tpu.memory_space<vmem_shared>> -> memref<1x10240xf32, #tpu.memory_space<vmem_shared>>
      %dma_wait3A_23 = tpu.memref_squeeze %dma_wait3A_22 : memref<1x10240xf32, #tpu.memory_space<vmem_shared>> -> memref<10240xf32, #tpu.memory_space<vmem_shared>>
      %dma_wait3A_24 = arith.constant 0 : i32
      %dma_wait3A_25 = tpu.memref_slice %arg8[%arg1, %dma_wait3A_24] : memref<16x10240xf32, #tpu.memory_space<vmem_shared>> -> memref<1x10240xf32, #tpu.memory_space<vmem_shared>>
      %dma_wait3A_26 = tpu.memref_squeeze %dma_wait3A_25 : memref<1x10240xf32, #tpu.memory_space<vmem_shared>> -> memref<10240xf32, #tpu.memory_space<vmem_shared>>
      tpu.wait_dma2 semaphore(%run_scoped3A : memref<!tpu.dma_semaphore, #tpu.memory_space<semaphore_mem>>) src(%arg5 : memref<10240xf32, #tpu.memory_space<vmem>>) dst(%dma_wait3A_26 : memref<10240xf32, #tpu.memory_space<vmem_shared>>)
      tpu.yield
    }) : () -> ()
    %barrier3A = arith.constant 0 : index
    tpu.barrier barrier_id(%barrier3A)
    %lt3A = arith.constant 10 : i32
    %lt3A_15 = arith.cmpi slt, %arg1, %lt3A : i32
    %convert_element_type3A = arith.extui %lt3A_15 : i1 to i32
    %cond3A = arith.constant 0 : i32
    %cond3A_16 = arith.cmpi ne, %convert_element_type3A, %cond3A : i32
    scf.if %cond3A_16 {
      %mul3A_17 = arith.constant 1024 : i32
      %mul3A_18 = arith.muli %arg1, %mul3A_17 : i32
      "tpu.region"() ({
        %run_scoped3A = tpu.sem_alloc : memref<!tpu.dma_semaphore, #tpu.memory_space<semaphore_mem>>
        %dma_start3A = arith.constant 0 : i32
        %dma_start3A_30 = tpu.memref_slice %arg8[%dma_start3A, %mul3A_18] : memref<16x10240xf32, #tpu.memory_space<vmem_shared>> -> memref<16x1024xf32, #tpu.memory_space<vmem_shared>>
        %dma_start3A_31 = arith.constant 0 : i32
        %dma_start3A_32 = tpu.memref_slice %arg8[%dma_start3A_31, %mul3A_18] : memref<16x10240xf32, #tpu.memory_space<vmem_shared>> -> memref<16x1024xf32, #tpu.memory_space<vmem_shared>>
        tpu.enqueue_dma source(%dma_start3A_32 : memref<16x1024xf32, #tpu.memory_space<vmem_shared>>) target(%arg6 : memref<16x1024xf32, #tpu.memory_space<vmem>>) target_semaphore(%run_scoped3A : memref<!tpu.dma_semaphore, #tpu.memory_space<semaphore_mem>>)
        %dma_wait3A = arith.constant 0 : i32
        %dma_wait3A_33 = tpu.memref_slice %arg8[%dma_wait3A, %mul3A_18] : memref<16x10240xf32, #tpu.memory_space<vmem_shared>> -> memref<16x1024xf32, #tpu.memory_space<vmem_shared>>
        %dma_wait3A_34 = arith.constant 0 : i32
        %dma_wait3A_35 = tpu.memref_slice %arg8[%dma_wait3A_34, %mul3A_18] : memref<16x10240xf32, #tpu.memory_space<vmem_shared>> -> memref<16x1024xf32, #tpu.memory_space<vmem_shared>>
        tpu.wait_dma2 semaphore(%run_scoped3A : memref<!tpu.dma_semaphore, #tpu.memory_space<semaphore_mem>>) src(%dma_wait3A_35 : memref<16x1024xf32, #tpu.memory_space<vmem_shared>>) dst(%arg6 : memref<16x1024xf32, #tpu.memory_space<vmem>>)
        tpu.yield
      }) : () -> ()
      %scan3A_19 = arith.constant 0 : i32
      %scan3A_20 = arith.constant 0 : i32
      %scan3A_21 = arith.constant 64 : i32
      %scan3A_22 = arith.addi %scan3A_20, %scan3A_21 : i32
      %scan3A_23 = arith.constant 1 : i32
      scf.for %scan3A_30 = %scan3A_20 to %scan3A_22 step %scan3A_23  : i32 {
        %mul3A_31 = arith.constant 16 : i32
        %mul3A_32 = arith.muli %scan3A_30, %mul3A_31 : i32
        %get3A = arith.constant 0 : i32
        %get3A_33 = arith.index_cast %get3A : i32 to index
        %get3A_34 = arith.index_cast %mul3A_32 : i32 to index
        %get3A_35 = tpu.vector_load %arg6[%get3A_33, %get3A_34] {strides = array<i32>} : memref<16x1024xf32, #tpu.memory_space<vmem>>, vector<16xf32>,
        %get3A_36 = arith.constant 1 : i32
        %get3A_37 = arith.index_cast %get3A_36 : i32 to index
        %get3A_38 = arith.index_cast %mul3A_32 : i32 to index
        %get3A_39 = tpu.vector_load %arg6[%get3A_37, %get3A_38] {strides = array<i32>} : memref<16x1024xf32, #tpu.memory_space<vmem>>, vector<16xf32>,
        %add3A_40 = arith.addf %get3A_35, %get3A_39 : vector<16xf32>
        %get3A_41 = arith.constant 2 : i32
        %get3A_42 = arith.index_cast %get3A_41 : i32 to index
        %get3A_43 = arith.index_cast %mul3A_32 : i32 to index
        %get3A_44 = tpu.vector_load %arg6[%get3A_42, %get3A_43] {strides = array<i32>} : memref<16x1024xf32, #tpu.memory_space<vmem>>, vector<16xf32>,
        %add3A_45 = arith.addf %add3A_40, %get3A_44 : vector<16xf32>
        %get3A_46 = arith.constant 3 : i32
        %get3A_47 = arith.index_cast %get3A_46 : i32 to index
        %get3A_48 = arith.index_cast %mul3A_32 : i32 to index
        %get3A_49 = tpu.vector_load %arg6[%get3A_47, %get3A_48] {strides = array<i32>} : memref<16x1024xf32, #tpu.memory_space<vmem>>, vector<16xf32>,
        %add3A_50 = arith.addf %add3A_45, %get3A_49 : vector<16xf32>
        %get3A_51 = arith.constant 4 : i32
        %get3A_52 = arith.index_cast %get3A_51 : i32 to index
        %get3A_53 = arith.index_cast %mul3A_32 : i32 to index
        %get3A_54 = tpu.vector_load %arg6[%get3A_52, %get3A_53] {strides = array<i32>} : memref<16x1024xf32, #tpu.memory_space<vmem>>, vector<16xf32>,
        %add3A_55 = arith.addf %add3A_50, %get3A_54 : vector<16xf32>
        %get3A_56 = arith.constant 5 : i32
        %get3A_57 = arith.index_cast %get3A_56 : i32 to index
        %get3A_58 = arith.index_cast %mul3A_32 : i32 to index
        %get3A_59 = tpu.vector_load %arg6[%get3A_57, %get3A_58] {strides = array<i32>} : memref<16x1024xf32, #tpu.memory_space<vmem>>, vector<16xf32>,
        %add3A_60 = arith.addf %add3A_55, %get3A_59 : vector<16xf32>
        %get3A_61 = arith.constant 6 : i32
        %get3A_62 = arith.index_cast %get3A_61 : i32 to index
        %get3A_63 = arith.index_cast %mul3A_32 : i32 to index
        %get3A_64 = tpu.vector_load %arg6[%get3A_62, %get3A_63] {strides = array<i32>} : memref<16x1024xf32, #tpu.memory_space<vmem>>, vector<16xf32>,
        %add3A_65 = arith.addf %add3A_60, %get3A_64 : vector<16xf32>
        %get3A_66 = arith.constant 7 : i32
        %get3A_67 = arith.index_cast %get3A_66 : i32 to index
        %get3A_68 = arith.index_cast %mul3A_32 : i32 to index
        %get3A_69 = tpu.vector_load %arg6[%get3A_67, %get3A_68] {strides = array<i32>} : memref<16x1024xf32, #tpu.memory_space<vmem>>, vector<16xf32>,
        %add3A_70 = arith.addf %add3A_65, %get3A_69 : vector<16xf32>
        %get3A_71 = arith.constant 8 : i32
        %get3A_72 = arith.index_cast %get3A_71 : i32 to index
        %get3A_73 = arith.index_cast %mul3A_32 : i32 to index
        %get3A_74 = tpu.vector_load %arg6[%get3A_72, %get3A_73] {strides = array<i32>} : memref<16x1024xf32, #tpu.memory_space<vmem>>, vector<16xf32>,
        %add3A_75 = arith.addf %add3A_70, %get3A_74 : vector<16xf32>
        %get3A_76 = arith.constant 9 : i32
        %get3A_77 = arith.index_cast %get3A_76 : i32 to index
        %get3A_78 = arith.index_cast %mul3A_32 : i32 to index
        %get3A_79 = tpu.vector_load %arg6[%get3A_77, %get3A_78] {strides = array<i32>} : memref<16x1024xf32, #tpu.memory_space<vmem>>, vector<16xf32>,
        %add3A_80 = arith.addf %add3A_75, %get3A_79 : vector<16xf32>
        %get3A_81 = arith.constant 10 : i32
        %get3A_82 = arith.index_cast %get3A_81 : i32 to index
        %get3A_83 = arith.index_cast %mul3A_32 : i32 to index
        %get3A_84 = tpu.vector_load %arg6[%get3A_82, %get3A_83] {strides = array<i32>} : memref<16x1024xf32, #tpu.memory_space<vmem>>, vector<16xf32>,
        %add3A_85 = arith.addf %add3A_80, %get3A_84 : vector<16xf32>
        %get3A_86 = arith.constant 11 : i32
        %get3A_87 = arith.index_cast %get3A_86 : i32 to index
        %get3A_88 = arith.index_cast %mul3A_32 : i32 to index
        %get3A_89 = tpu.vector_load %arg6[%get3A_87, %get3A_88] {strides = array<i32>} : memref<16x1024xf32, #tpu.memory_space<vmem>>, vector<16xf32>,
        %add3A_90 = arith.addf %add3A_85, %get3A_89 : vector<16xf32>
        %get3A_91 = arith.constant 12 : i32
        %get3A_92 = arith.index_cast %get3A_91 : i32 to index
        %get3A_93 = arith.index_cast %mul3A_32 : i32 to index
        %get3A_94 = tpu.vector_load %arg6[%get3A_92, %get3A_93] {strides = array<i32>} : memref<16x1024xf32, #tpu.memory_space<vmem>>, vector<16xf32>,
        %add3A_95 = arith.addf %add3A_90, %get3A_94 : vector<16xf32>
        %get3A_96 = arith.constant 13 : i32
        %get3A_97 = arith.index_cast %get3A_96 : i32 to index
        %get3A_98 = arith.index_cast %mul3A_32 : i32 to index
        %get3A_99 = tpu.vector_load %arg6[%get3A_97, %get3A_98] {strides = array<i32>} : memref<16x1024xf32, #tpu.memory_space<vmem>>, vector<16xf32>,
        %add3A_100 = arith.addf %add3A_95, %get3A_99 : vector<16xf32>
        %get3A_101 = arith.constant 14 : i32
        %get3A_102 = arith.index_cast %get3A_101 : i32 to index
        %get3A_103 = arith.index_cast %mul3A_32 : i32 to index
        %get3A_104 = tpu.vector_load %arg6[%get3A_102, %get3A_103] {strides = array<i32>} : memref<16x1024xf32, #tpu.memory_space<vmem>>, vector<16xf32>,
        %add3A_105 = arith.addf %add3A_100, %get3A_104 : vector<16xf32>
        %get3A_106 = arith.constant 15 : i32
        %get3A_107 = arith.index_cast %get3A_106 : i32 to index
        %get3A_108 = arith.index_cast %mul3A_32 : i32 to index
        %get3A_109 = tpu.vector_load %arg6[%get3A_107, %get3A_108] {strides = array<i32>} : memref<16x1024xf32, #tpu.memory_space<vmem>>, vector<16xf32>,
        %add3A_110 = arith.addf %add3A_105, %get3A_109 : vector<16xf32>
        %swap3A = arith.index_cast %mul3A_32 : i32 to index
        %swap3A_111 = tpu.vector_load %arg7[%swap3A] {strides = array<i32>} : memref<1024xf32, #tpu.memory_space<vmem>>, vector<16xf32>,
        tpu.vector_store %arg7[%swap3A], %add3A_110 {strides = array<i32>} : memref<1024xf32, #tpu.memory_space<vmem>>, vector<16xf32>,
      }
      %scan3A_24 = arith.constant 64 : i32
      %mul3A_25 = arith.constant 10240 : i32
      %mul3A_26 = arith.muli %arg0, %mul3A_25 : i32
      %mul3A_27 = arith.constant 1024 : i32
      %mul3A_28 = arith.muli %arg1, %mul3A_27 : i32
      %add3A_29 = arith.addi %mul3A_26, %mul3A_28 : i32
      "tpu.region"() ({
        %run_scoped3A = tpu.sem_alloc : memref<!tpu.dma_semaphore, #tpu.memory_space<semaphore_mem>>
        %dma_start3A = tpu.memref_slice %arg3[%add3A_29] : memref<20480xf32, #tpu.memory_space<hbm>> -> memref<1024xf32, #tpu.memory_space<hbm>>
        %dma_start3A_30 = tpu.memref_slice %arg3[%add3A_29] : memref<20480xf32, #tpu.memory_space<hbm>> -> memref<1024xf32, #tpu.memory_space<hbm>>
        tpu.enqueue_dma source(%arg7 : memref<1024xf32, #tpu.memory_space<vmem>>) target(%dma_start3A_30 : memref<1024xf32, #tpu.memory_space<hbm>>) target_semaphore(%run_scoped3A : memref<!tpu.dma_semaphore, #tpu.memory_space<semaphore_mem>>)
        %dma_wait3A = tpu.memref_slice %arg3[%add3A_29] : memref<20480xf32, #tpu.memory_space<hbm>> -> memref<1024xf32, #tpu.memory_space<hbm>>
        %dma_wait3A_31 = tpu.memref_slice %arg3[%add3A_29] : memref<20480xf32, #tpu.memory_space<hbm>> -> memref<1024xf32, #tpu.memory_space<hbm>>
        tpu.wait_dma2 semaphore(%run_scoped3A : memref<!tpu.dma_semaphore, #tpu.memory_space<semaphore_mem>>) src(%arg7 : memref<1024xf32, #tpu.memory_space<vmem>>) dst(%dma_wait3A_31 : memref<1024xf32, #tpu.memory_space<hbm>>)
        tpu.yield
      }) : () -> ()
    } else {
    }
    return
  }
}

module attributes {stable_mosaic.version = 14 : i64} {
  func.func @body(%arg0: i32, %arg1: memref<400x1xf32, #tpu.memory_space<vmem>>, %arg2: memref<400x128xf32, #tpu.memory_space<vmem>>, %arg3: memref<400x1xf32, #tpu.memory_space<vmem>>, %arg4: memref<400x128xf32, #tpu.memory_space<vmem>>) attributes {dimension_semantics = [#tpu.dimension_semantics<arbitrary>], iteration_bounds = array<i64: 25>, scalar_prefetch = 0 : i64, scratch_operands = 0 : i64, tpu.core_type = #tpu.core_type<tc>, window_params = [{transform_indices = @transform_0, window_bounds = array<i64: 400, 1>}, {transform_indices = @transform_1, window_bounds = array<i64: 400, 128>}, {transform_indices = @transform_2, window_bounds = array<i64: 400, 1>}, {transform_indices = @transform_3, window_bounds = array<i64: 400, 128>}]} {
    %get3A = arith.constant 0 : index
    %get3A_0 = arith.constant 0 : index
    %get3A_1 = vector.load %arg1[%get3A, %get3A_0] : memref<400x1xf32, #tpu.memory_space<vmem>>, vector<400x1xf32>
    %add3A = arith.constant 1.000000e+00 : f32
    %add3A_2 = vector.broadcast %add3A : f32 to vector<400x1xf32>
    %add3A_3 = arith.addf %get3A_1, %add3A_2 : vector<400x1xf32>
    %rsqrt3A = math.rsqrt %add3A_3 : vector<400x1xf32>
    %swap3A = arith.constant 0 : index
    %swap3A_4 = arith.constant 0 : index
    %swap3A_5 = vector.load %arg3[%swap3A, %swap3A_4] : memref<400x1xf32, #tpu.memory_space<vmem>>, vector<400x1xf32>
    tpu.vector_store %arg3[%swap3A, %swap3A_4], %rsqrt3A {strides = array<i32>} : memref<400x1xf32, #tpu.memory_space<vmem>>, vector<400x1xf32>,
    %get3A_6 = arith.constant 0 : index
    %get3A_7 = arith.constant 0 : index
    %get3A_8 = vector.load %arg2[%get3A_6, %get3A_7] : memref<400x128xf32, #tpu.memory_space<vmem>>, vector<400x128xf32>
    %mul3A = vector.broadcast %rsqrt3A : vector<400x1xf32> to vector<400x128xf32>
    %mul3A_9 = arith.mulf %get3A_8, %mul3A : vector<400x128xf32>
    %swap3A_10 = arith.constant 0 : index
    %swap3A_11 = arith.constant 0 : index
    %swap3A_12 = vector.load %arg4[%swap3A_10, %swap3A_11] : memref<400x128xf32, #tpu.memory_space<vmem>>, vector<400x128xf32>
    tpu.vector_store %arg4[%swap3A_10, %swap3A_11], %mul3A_9 {strides = array<i32>} : memref<400x128xf32, #tpu.memory_space<vmem>>, vector<400x128xf32>,
    return
  }
  func.func @transform_0(%arg0: i32) -> (i32, i32) {
    %c0_i32 = arith.constant 0 : i32
    %c0_i32_0 = arith.constant 0 : i32
    return %arg0, %c0_i32 : i32, i32
  }
  func.func @transform_1(%arg0: i32) -> (i32, i32) {
    %c0_i32 = arith.constant 0 : i32
    %c0_i32_0 = arith.constant 0 : i32
    return %arg0, %c0_i32 : i32, i32
  }
  func.func @transform_2(%arg0: i32) -> (i32, i32) {
    %c0_i32 = arith.constant 0 : i32
    %c0_i32_0 = arith.constant 0 : i32
    return %arg0, %c0_i32 : i32, i32
  }
  func.func @transform_3(%arg0: i32) -> (i32, i32) {
    %c0_i32 = arith.constant 0 : i32
    %c0_i32_0 = arith.constant 0 : i32
    return %arg0, %c0_i32 : i32, i32
  }
}

module attributes {stable_mosaic.version = 14 : i64} {
  func.func @body(%arg0: i32, %arg1: memref<2x400x128xf32, #tpu.memory_space<vmem>>, %arg2: memref<400x128xf32, #tpu.memory_space<vmem>>, %arg3: memref<400x1xf32, #tpu.memory_space<vmem>>, %arg4: memref<128x256xf32, #tpu.memory_space<vmem>>, %arg5: memref<1x256xf32, #tpu.memory_space<vmem>>, %arg6: memref<256x128xf32, #tpu.memory_space<vmem>>, %arg7: memref<400x128xf32, #tpu.memory_space<vmem>>) attributes {dimension_semantics = [#tpu.dimension_semantics<arbitrary>], iteration_bounds = array<i64: 25>, scalar_prefetch = 0 : i64, scratch_operands = 0 : i64, tpu.core_type = #tpu.core_type<tc>, window_params = [{transform_indices = @transform_0, window_bounds = array<i64: 2, 400, 128>}, {transform_indices = @transform_1, window_bounds = array<i64: 400, 128>}, {transform_indices = @transform_2, window_bounds = array<i64: 400, 1>}, {pipeline_mode = #tpu.pipeline_mode<synchronous>, transform_indices = @transform_3, window_bounds = array<i64: 128, 256>}, {pipeline_mode = #tpu.pipeline_mode<synchronous>, transform_indices = @transform_4, window_bounds = array<i64: 1, 256>}, {pipeline_mode = #tpu.pipeline_mode<synchronous>, transform_indices = @transform_5, window_bounds = array<i64: 256, 128>}, {transform_indices = @transform_6, window_bounds = array<i64: 400, 128>}]} {
    %get3A = arith.constant 0 : index
    %get3A_0 = arith.constant 0 : index
    %get3A_1 = vector.load %arg3[%get3A, %get3A_0] : memref<400x1xf32, #tpu.memory_space<vmem>>, vector<400x1xf32>
    %get3A_2 = arith.constant 0 : index
    %get3A_3 = arith.constant 0 : index
    %get3A_4 = arith.constant 0 : index
    %get3A_5 = vector.load %arg1[%get3A_2, %get3A_3, %get3A_4] : memref<2x400x128xf32, #tpu.memory_space<vmem>>, vector<1x400x128xf32>
    %get3A_6 = vector.shape_cast %get3A_5 : vector<1x400x128xf32> to vector<400x128xf32>
    %get3A_7 = arith.constant 1 : index
    %get3A_8 = arith.constant 0 : index
    %get3A_9 = arith.constant 0 : index
    %get3A_10 = vector.load %arg1[%get3A_7, %get3A_8, %get3A_9] : memref<2x400x128xf32, #tpu.memory_space<vmem>>, vector<1x400x128xf32>
    %get3A_11 = vector.shape_cast %get3A_10 : vector<1x400x128xf32> to vector<400x128xf32>
    %add3A = arith.addf %get3A_6, %get3A_11 : vector<400x128xf32>
    %get3A_12 = arith.constant 0 : index
    %get3A_13 = arith.constant 0 : index
    %get3A_14 = vector.load %arg2[%get3A_12, %get3A_13] : memref<400x128xf32, #tpu.memory_space<vmem>>, vector<400x128xf32>
    %sub3A = arith.subf %add3A, %get3A_14 : vector<400x128xf32>
    %mul3A = vector.broadcast %get3A_1 : vector<400x1xf32> to vector<400x128xf32>
    %mul3A_15 = arith.mulf %sub3A, %mul3A : vector<400x128xf32>
    %get3A_16 = arith.constant 0 : index
    %get3A_17 = arith.constant 0 : index
    %get3A_18 = vector.load %arg4[%get3A_16, %get3A_17] : memref<128x256xf32, #tpu.memory_space<vmem>>, vector<128x256xf32>
    %dot_general3A = arith.constant dense<0.000000e+00> : vector<400x256xf32>
    %dot_general3A_19 = tpu.matmul %mul3A_15, %get3A_18, %dot_general3A {dimension_numbers = #tpu.dot_dimension_numbers<[1], [0], [0], [1], [0, 0, 1, 1], [], []>, transpose_lhs_hint = false} : vector<400x128xf32>, vector<128x256xf32>, vector<400x256xf32> -> vector<400x256xf32>
    %get3A_20 = arith.constant 0 : index
    %get3A_21 = arith.constant 0 : index
    %get3A_22 = vector.load %arg5[%get3A_20, %get3A_21] : memref<1x256xf32, #tpu.memory_space<vmem>>, vector<1x256xf32>
    %add3A_23 = vector.broadcast %get3A_22 : vector<1x256xf32> to vector<400x256xf32>
    %add3A_24 = arith.addf %dot_general3A_19, %add3A_23 : vector<400x256xf32>
    %max3A = arith.constant 0.000000e+00 : f32
    %max3A_25 = vector.broadcast %max3A : f32 to vector<400x256xf32>
    %max3A_26 = arith.maximumf %add3A_24, %max3A_25 : vector<400x256xf32>
    %get3A_27 = arith.constant 0 : index
    %get3A_28 = arith.constant 0 : index
    %get3A_29 = vector.load %arg6[%get3A_27, %get3A_28] : memref<256x128xf32, #tpu.memory_space<vmem>>, vector<256x128xf32>
    %dot_general3A_30 = arith.constant dense<0.000000e+00> : vector<400x128xf32>
    %dot_general3A_31 = tpu.matmul %max3A_26, %get3A_29, %dot_general3A_30 {dimension_numbers = #tpu.dot_dimension_numbers<[1], [0], [0], [1], [0, 0, 1, 1], [], []>, transpose_lhs_hint = false} : vector<400x256xf32>, vector<256x128xf32>, vector<400x128xf32> -> vector<400x128xf32>
    %mul3A_32 = vector.broadcast %get3A_1 : vector<400x1xf32> to vector<400x128xf32>
    %mul3A_33 = arith.mulf %dot_general3A_31, %mul3A_32 : vector<400x128xf32>
    %swap3A = arith.constant 0 : index
    %swap3A_34 = arith.constant 0 : index
    %swap3A_35 = vector.load %arg7[%swap3A, %swap3A_34] : memref<400x128xf32, #tpu.memory_space<vmem>>, vector<400x128xf32>
    tpu.vector_store %arg7[%swap3A, %swap3A_34], %mul3A_33 {strides = array<i32>} : memref<400x128xf32, #tpu.memory_space<vmem>>, vector<400x128xf32>,
    return
  }
  func.func @transform_0(%arg0: i32) -> (i32, i32, i32) {
    %c0_i32 = arith.constant 0 : i32
    %c0_i32_0 = arith.constant 0 : i32
    %c0_i32_1 = arith.constant 0 : i32
    return %c0_i32, %arg0, %c0_i32_0 : i32, i32, i32
  }
  func.func @transform_1(%arg0: i32) -> (i32, i32) {
    %c0_i32 = arith.constant 0 : i32
    %c0_i32_0 = arith.constant 0 : i32
    return %arg0, %c0_i32 : i32, i32
  }
  func.func @transform_2(%arg0: i32) -> (i32, i32) {
    %c0_i32 = arith.constant 0 : i32
    %c0_i32_0 = arith.constant 0 : i32
    return %arg0, %c0_i32 : i32, i32
  }
  func.func @transform_3(%arg0: i32) -> (i32, i32) {
    %c0_i32 = arith.constant 0 : i32
    %c0_i32_0 = arith.constant 0 : i32
    %c0_i32_1 = arith.constant 0 : i32
    return %c0_i32, %c0_i32_0 : i32, i32
  }
  func.func @transform_4(%arg0: i32) -> (i32, i32) {
    %c0_i32 = arith.constant 0 : i32
    %c0_i32_0 = arith.constant 0 : i32
    %c0_i32_1 = arith.constant 0 : i32
    return %c0_i32, %c0_i32_0 : i32, i32
  }
  func.func @transform_5(%arg0: i32) -> (i32, i32) {
    %c0_i32 = arith.constant 0 : i32
    %c0_i32_0 = arith.constant 0 : i32
    %c0_i32_1 = arith.constant 0 : i32
    return %c0_i32, %c0_i32_0 : i32, i32
  }
  func.func @transform_6(%arg0: i32) -> (i32, i32) {
    %c0_i32 = arith.constant 0 : i32
    %c0_i32_0 = arith.constant 0 : i32
    return %arg0, %c0_i32 : i32, i32
  }
}

module attributes {stable_mosaic.version = 14 : i64} {
  func.func @body(%arg0: i32, %arg1: memref<2x400x128xf32, #tpu.memory_space<vmem>>, %arg2: memref<400x128xf32, #tpu.memory_space<vmem>>, %arg3: memref<400x1xf32, #tpu.memory_space<vmem>>, %arg4: memref<1x128xf32, #tpu.memory_space<vmem>>, %arg5: memref<400x128xf32, #tpu.memory_space<vmem>>) attributes {dimension_semantics = [#tpu.dimension_semantics<arbitrary>], iteration_bounds = array<i64: 25>, scalar_prefetch = 0 : i64, scratch_operands = 0 : i64, tpu.core_type = #tpu.core_type<tc>, window_params = [{transform_indices = @transform_0, window_bounds = array<i64: 2, 400, 128>}, {transform_indices = @transform_1, window_bounds = array<i64: 400, 128>}, {transform_indices = @transform_2, window_bounds = array<i64: 400, 1>}, {pipeline_mode = #tpu.pipeline_mode<synchronous>, transform_indices = @transform_3, window_bounds = array<i64: 1, 128>}, {transform_indices = @transform_4, window_bounds = array<i64: 400, 128>}]} {
    %get3A = arith.constant 0 : index
    %get3A_0 = arith.constant 0 : index
    %get3A_1 = arith.constant 0 : index
    %get3A_2 = vector.load %arg1[%get3A, %get3A_0, %get3A_1] : memref<2x400x128xf32, #tpu.memory_space<vmem>>, vector<1x400x128xf32>
    %get3A_3 = vector.shape_cast %get3A_2 : vector<1x400x128xf32> to vector<400x128xf32>
    %get3A_4 = arith.constant 1 : index
    %get3A_5 = arith.constant 0 : index
    %get3A_6 = arith.constant 0 : index
    %get3A_7 = vector.load %arg1[%get3A_4, %get3A_5, %get3A_6] : memref<2x400x128xf32, #tpu.memory_space<vmem>>, vector<1x400x128xf32>
    %get3A_8 = vector.shape_cast %get3A_7 : vector<1x400x128xf32> to vector<400x128xf32>
    %add3A = arith.addf %get3A_3, %get3A_8 : vector<400x128xf32>
    %get3A_9 = arith.constant 0 : index
    %get3A_10 = arith.constant 0 : index
    %get3A_11 = vector.load %arg2[%get3A_9, %get3A_10] : memref<400x128xf32, #tpu.memory_space<vmem>>, vector<400x128xf32>
    %sub3A = arith.subf %add3A, %get3A_11 : vector<400x128xf32>
    %get3A_12 = arith.constant 0 : index
    %get3A_13 = arith.constant 0 : index
    %get3A_14 = vector.load %arg3[%get3A_12, %get3A_13] : memref<400x1xf32, #tpu.memory_space<vmem>>, vector<400x1xf32>
    %mul3A = vector.broadcast %get3A_14 : vector<400x1xf32> to vector<400x128xf32>
    %mul3A_15 = arith.mulf %sub3A, %mul3A : vector<400x128xf32>
    %get3A_16 = arith.constant 0 : index
    %get3A_17 = arith.constant 0 : index
    %get3A_18 = vector.load %arg4[%get3A_16, %get3A_17] : memref<1x128xf32, #tpu.memory_space<vmem>>, vector<1x128xf32>
    %add3A_19 = vector.broadcast %get3A_18 : vector<1x128xf32> to vector<400x128xf32>
    %add3A_20 = arith.addf %mul3A_15, %add3A_19 : vector<400x128xf32>
    %max3A = arith.constant 0.000000e+00 : f32
    %max3A_21 = vector.broadcast %max3A : f32 to vector<400x128xf32>
    %max3A_22 = arith.maximumf %add3A_20, %max3A_21 : vector<400x128xf32>
    %swap3A = arith.constant 0 : index
    %swap3A_23 = arith.constant 0 : index
    %swap3A_24 = vector.load %arg5[%swap3A, %swap3A_23] : memref<400x128xf32, #tpu.memory_space<vmem>>, vector<400x128xf32>
    tpu.vector_store %arg5[%swap3A, %swap3A_23], %max3A_22 {strides = array<i32>} : memref<400x128xf32, #tpu.memory_space<vmem>>, vector<400x128xf32>,
    return
  }
  func.func @transform_0(%arg0: i32) -> (i32, i32, i32) {
    %c0_i32 = arith.constant 0 : i32
    %c0_i32_0 = arith.constant 0 : i32
    %c0_i32_1 = arith.constant 0 : i32
    return %c0_i32, %arg0, %c0_i32_0 : i32, i32, i32
  }
  func.func @transform_1(%arg0: i32) -> (i32, i32) {
    %c0_i32 = arith.constant 0 : i32
    %c0_i32_0 = arith.constant 0 : i32
    return %arg0, %c0_i32 : i32, i32
  }
  func.func @transform_2(%arg0: i32) -> (i32, i32) {
    %c0_i32 = arith.constant 0 : i32
    %c0_i32_0 = arith.constant 0 : i32
    return %arg0, %c0_i32 : i32, i32
  }
  func.func @transform_3(%arg0: i32) -> (i32, i32) {
    %c0_i32 = arith.constant 0 : i32
    %c0_i32_0 = arith.constant 0 : i32
    %c0_i32_1 = arith.constant 0 : i32
    return %c0_i32, %c0_i32_0 : i32, i32
  }
  func.func @transform_4(%arg0: i32) -> (i32, i32) {
    %c0_i32 = arith.constant 0 : i32
    %c0_i32_0 = arith.constant 0 : i32
    return %arg0, %c0_i32 : i32, i32
  }
}

</mosaic_0001>

<sc_bundles>
// kernel: kernel.11.cloned.1.call-start
scs
__scs_entry_jumppad:
0x0: {  	(pc) =	sbr.rel $0x88, $3  }
0x1: {  	(tag) =	ssettag $0x0;
	lr =	simm.s32 $0x1  }
0x2: {  	[smem:$0x3F9B] =	sst lr;
	_ =	strace $0xD0000000  }
0x3: {  	_ = 	snop  }
0x4: {  	_ = 	snop  }
0x5: {  	_ = 	snop  }
0x6: {  	_ = 	snop  }
0x7: {  	_ = 	snop  }
__scs_overlays_trampoline_lowered:
0x8: {  	[smem:$0x3FAA] =	sst s0  }
0x9: {  	[smem:$0x3FAB] =	sst s1  }
0xa: {  	[smem:$0x3FAC] =	sst s2  }
0xb: {  	[smem:$0x3FAD] =	sst s3  }
0xc: {  	[smem:$0x3FAE] =	sst s4  }
0xd: {  	[smem:$0x3FAF] =	sst s5  }
0xe: {  	[smem:$0x3FB0] =	sst s6  }
0xf: {  	[smem:$0x3FB1] =	sst s7  }
0x10: {  	[smem:$0x3FB2] =	sst s8  }
0x11: {  	[smem:$0x3FB3] =	sst s9;
	s0 =	simm.s32 @!p0 $0x0  }
0x12: {  	s1 =	sld [smem:$0x3F99];
	s0 =	simm.s32 @p0 $0x1  }
0x13: {  	[smem:$0x3FB4] =	sst s0;
	s0 =	simm.s32 @!p1 $0x0  }
0x14: {  	s2 =	sld [smem:$0x3F98];
	s0 =	simm.s32 @p1 $0x1  }
0x15: {  	[smem:$0x3FB5] =	sst s0;
	s0 =	simm.s32 @!p2 $0x0  }
0x16: {  	s3 =	sld [smem:$0x3FDB];
	s0 =	simm.s32 @p2 $0x1  }
0x17: {  	s4 =	simm.s32 $0x1BF5;
	[smem:$0x3FB7] =	sst s0  }
0x18: {  	s0 =	sld [smem:$0x3F9A];
	_ =	swait.ge [sflag:s4], $0x0  }
0x19: {  	s7 =	sld [smem:$0x3F9B]  }
0x1a: {  	s8 =	sadd.s32 $0xFFFFE003, lr  }
0x1b: {  	s9 =	sadd.s32 $0xFFFFFEF7, lr;
	s5 =	simm.s32 $0xFFFFFFFF;
	p2 =	slt.u32 s8, $0xFFFFF086  }
0x1c: {  	p1 =	slt.u32 s9, $0xF7A;
	s5 =	simm.s32 @!p2 $0x0  }
0x1d: {  	s5 =	simm.s32 @p1 $0x1;
	p0 =	seq.s32 s7, s2  }
0x1e: {  	s7 =	smul.u32 @!p0 $0xF7A, s2;
	p2 =	seq.s32 @!p0 s5, $0x0  }
0x1f: {  	s9 =	smul.u32 $0xF7A, s1;
	s8 =	simm.s32 @!p0 $0x1BF5;
	p2 =	por !p2, p0  }
0x20: {  	[sflag:s8] =	ssyncset.s32 @!p0 $0xFFFFF086;
	s6 =	sadd.s32 @!p0 s3, s7;
	s7 =	simm.s32 @!p0 $0x108  }
0x21: {  	s3 =	sadd.s32 s3, s9;
	s6 =	sadd.s32 @!p0 $0x88, s6;
	s7 =	simm.s32 @p2 $0x1082  }
0x22: {  	[simem:s7], [sflag:s8] =	dma.local @!p0 [hbm:s6], $0xF7A  }
0x23: {  	s9 =	sor.u32 $0xD0000000, s2;
	s6 =	simm.s32 $0x108;
	_ =	swait.ge @!p0 [sflag:s8], $0x0  }
0x24: {  	s3 =	sadd.s32 $0x88, s3;
	s6 =	simm.s32 @!p1 $0x1082;
	[sflag:s4] =	ssyncset.s32 $0xFFFFF086  }
0x25: {  	[simem:s6], [sflag:s4] =	dma.local [hbm:s3], $0xF7A  }
0x26: {  	[smem:$0x3F9B] =	sst s1;
	(tag) =	ssettag s2;
	_ =	strace s9  }
0x27: {  	s1 =	sld [smem:$0x3FAB]  }
0x28: {  	s2 =	sld [smem:$0x3FAC]  }
0x29: {  	s4 =	sld [smem:$0x3FAE]  }
0x2a: {  	p0 =	seq.s32 s5, $0x0;
	s5 =	sld [smem:$0x3FAF]  }
0x2b: {  	s6 =	sld [smem:$0x3FB0]  }
0x2c: {  	s7 =	sld [smem:$0x3FB1]  }
0x2d: {  	s3 =	simm.s32 $0x108;
	s8 =	sld [smem:$0x3FB2]  }
0x2e: {  	s3 =	simm.s32 @!p0 $0x1082;
	s9 =	sld [smem:$0x3FB3]  }
0x2f: {  	lr =	sadd.s32 s0, s3;
	s0 =	sld [smem:$0x3FAA]  }
0x30: {  	s3 =	sld [smem:$0x3FAD]  }
0x31: {  	[smem:$0x3FB6] =	sst s10  }
0x32: {  	s10 =	sld [smem:$0x3FB4];
	_ =	sdelay $0x3  }
0x33: {  	p0 =	seq.s32 s10, $0x1;
	s10 =	sld [smem:$0x3FB6];
	_ =	sdelay $0x3  }
0x34: {  	[smem:$0x3FB6] =	sst s10  }
0x35: {  	s10 =	sld [smem:$0x3FB5];
	_ =	sdelay $0x3  }
0x36: {  	p1 =	seq.s32 s10, $0x1;
	s10 =	sld [smem:$0x3FB6];
	_ =	sdelay $0x3  }
0x37: {  	[smem:$0x3FB6] =	sst s10  }
0x38: {  	s10 =	sld [smem:$0x3FB7]  }
0x39: {  	_ = 	snop;
	(pc) =	sbr.ind lr, $3  }
0x3a: {  	_ = 	snop  }
0x3b: {  	_ = 	snop  }
0x3c: {  	p2 =	seq.s32 s10, $0x1;
	s10 =	sld [smem:$0x3FB6]  }
0x3d: {  	_ =	shalt  }
0x3e: {  	_ =	shalt  }
0x3f: {  	_ =	shalt  }
0x40: {  	_ =	shalt  }
0x41: {  	_ =	shalt  }
0x42: {  	_ =	shalt  }
0x43: {  	_ =	shalt  }
0x44: {  	_ =	shalt  }
0x45: {  	_ =	shalt  }
0x46: {  	_ =	shalt  }
0x47: {  	_ =	shalt  }
0x48: {  	_ =	shalt  }
0x49: {  	_ =	shalt  }
0x4a: {  	_ =	shalt  }
0x4b: {  	_ =	shalt  }
0x4c: {  	_ =	shalt  }
0x4d: {  	_ =	shalt  }
0x4e: {  	_ =	shalt  }
0x4f: {  	_ =	shalt  }
0x50: {  	_ =	shalt  }
0x51: {  	_ =	shalt  }
0x52: {  	_ =	shalt  }
0x53: {  	_ =	shalt  }
0x54: {  	_ =	shalt  }
0x55: {  	_ =	shalt  }
0x56: {  	_ =	shalt  }
0x57: {  	_ =	shalt  }
0x58: {  	_ =	shalt  }
0x59: {  	_ =	shalt  }
0x5a: {  	_ =	shalt  }
0x5b: {  	_ =	shalt  }
0x5c: {  	_ =	shalt  }
0x5d: {  	_ =	shalt  }
0x5e: {  	_ =	shalt  }
0x5f: {  	_ =	shalt  }
0x60: {  	_ =	shalt  }
0x61: {  	_ =	shalt  }
0x62: {  	_ =	shalt  }
0x63: {  	_ =	shalt  }
0x64: {  	_ =	shalt  }
0x65: {  	_ =	shalt  }
0x66: {  	_ =	shalt  }
0x67: {  	_ =	shalt  }
0x68: {  	_ =	shalt  }
0x69: {  	_ =	shalt  }
0x6a: {  	_ =	shalt  }
0x6b: {  	_ =	shalt  }
0x6c: {  	_ =	shalt  }
0x6d: {  	_ =	shalt  }
0x6e: {  	_ =	shalt  }
0x6f: {  	_ =	shalt  }
0x70: {  	_ =	shalt  }
0x71: {  	_ =	shalt  }
0x72: {  	_ =	shalt  }
0x73: {  	_ =	shalt  }
0x74: {  	_ =	shalt  }
0x75: {  	_ =	shalt  }
0x76: {  	_ =	shalt  }
0x77: {  	_ =	shalt  }
0x78: {  	_ =	shalt  }
0x79: {  	_ =	shalt  }
0x7a: {  	_ =	shalt  }
0x7b: {  	_ =	shalt  }
0x7c: {  	_ =	shalt  }
0x7d: {  	_ =	shalt  }
0x7e: {  	_ =	shalt  }
0x7f: {  	_ =	shalt  }
0x80: {  	_ =	shalt  }
0x81: {  	_ =	shalt  }
0x82: {  	_ =	shalt  }
0x83: {  	_ =	shalt  }
0x84: {  	_ =	shalt  }
0x85: {  	_ =	shalt  }
0x86: {  	_ =	shalt  }
0x87: {  	_ =	shalt  }
.Lfunc_end0:
.L_simem_size_0:
called_computation.1_lowered:
.L_overlay_start_0:
0x88: {  	s2 =	sld [smem:$0x3FD9]  }
0x89: {  	s3 =	sld [smem:$0x3FFE];
	_ =	sdelay $0x1  }
0x8a: {  	s1 =	srdreg.scid  }
0x8b: {  	s0 =	sand.u32 $0x1, s1  }
0x8c: {  	s17 =	sshll.u32 s0, $0xA;
	s2 =	sadd.s32 s3, s2  }
0x8d: {  	s2 =	sadd.s32 s2, s17  }
0x8e: {  	[smem:$0x3FC2] =	sst s2  }
0x8f: {  	_ = 	snop  }
0x90: {  	s2 =	sld [smem:$0x3FD0];
	(tm) =	ssettm $0x1  }
0x91: {  	s18 =	sld [smem:$0x3FFB];
	_ =	sdelay $0x3  }
0x92: {  	_ =	strace s18  }
0x93: {  	s3 =	sld [smem:$0x3FFC];
	_ =	sdelay $0x3  }
0x94: {  	_ =	strace s3  }
0x95: {  	s3 =	sld [smem:$0x3FFD];
	_ =	sdelay $0x3  }
0x96: {  	_ =	strace s3  }
0x97: {  	_ =	strace $0x8FFFFFFF  }
0x98: {  	s19 =	sld [smem:$0x3FDB];
	_ =	sdelay $0x1  }
0x99: {  	s4 =	simm.s32 $_scs_section_size  }
0x9a: {  	s5 =	simm.s32 $_size__tile_overlayer_lowered;
	s6 =	simm.s32 $_tile_overlayer_lowered  }
0x9b: {  	s22 =	simm.s32 $0x1BFF;
	s21 =	sshll.u32 s6, $0x1;
	s3 =	sadd.s32 s4, s19  }
0x9c: {  	s7 =	simm.s32 $0x0;
	s20 =	sshll.u32 s5, $0x1;
	s5 =	sadd.s32 s21, s3  }
0x9d: {  	[timem:s7], [sflag:s22] =	dma.local [hbm:s5], s20  }
0x9e: {  	_ =	swait.ge [sflag:s22], s20  }
0x9f: {  	s4 =	ssub.s32 $0x0, s20;
	[sflag:s22] =	ssyncset.done $0x0  }
0xa0: {  	[sflag:s22] =	ssyncadd.s32 s4;
	_ =	sdelay $0x1  }
0xa1: {  	s23 =	simm.s32 $0x1B8B  }
0xa2: {  	_ =	swait.ge [sflag:s23], $0x1  }
0xa3: {  	[sflag:s23] =	ssyncset.done $0x0  }
0xa4: {  	s25 =	simm.s32 $0x1B8E;
	s24 =	sld [smem:$0x3FFE];
	[sflag:s23] =	ssyncadd.s32 $0xFFFFFFFF  }
0xa5: {  	s26 =	simm.s32 $execute0_lowered;
	[smem:$0x3FD2] =	sst s25  }
0xa6: {  	s5 =	sshll.u32 s26, $0x1;
	_ =	strace $0x80000049;
	[dreg:$0x1] =	wrdreg $0xFFFFFFFF  }
0xa7: {  	s28 =	simm.s32 $_size_execute0_lowered;
	s3 =	sadd.s32 s3, s5;
	[dreg:$0x0] =	wrdreg $0x0  }
0xa8: {  	s5 =	sshll.u32 s28, $0x1;
	[dreg:$0x2] =	wrdreg s3  }
0xa9: {  	[dreg:$0x3] =	wrdreg s5  }
0xaa: {  	[dreg:$0x4] =	wrdreg $0xC0  }
0xab: {  	_ =	task [dreg:s7], $0x5FFFF  }
0xac: {  	[dreg:$0x1] =	wrdreg $0xFFFFFFFF  }
0xad: {  	[dreg:$0x0] =	wrdreg $0x60  }
0xae: {  	[dreg:$0x2] =	wrdreg s2  }
0xaf: {  	[dreg:$0x3] =	wrdreg s24  }
0xb0: {  	[dreg:$0x4] =	wrdreg $0x82800  }
0xb1: {  	[dreg:$0x5] =	wrdreg $0x9  }
0xb2: {  	_ =	task.clear_ibuf [dreg:s7], $0x6FFFF;
	_ =	strace $0x90000049  }
0xb3: {  	s29 =	simm.s32 $0x9;
	_ =	strace $0x8000004B  }
0xb4: {  	_ =	swait.ge [sflag:s29], $0x1  }
0xb5: {  	[sflag:s29] =	ssyncadd.s32 $0xFFFFFFFF  }
0xb6: {  	_ =	strace $0x9000004B  }
0xb7: {  	_ =	sfence  }
0xb8: {  	s30 =	sld [smem:$0x0];
	_ =	sdelay $0x2  }
0xb9: {  	s31 =	sshll.u32 s1, $0xD;
	s1 =	sshrl.u32 s1, $0x2  }
0xba: {  	s3 =	sand.u32 $0x4000, s31;
	s1 =	sadd.s32 s1, s30  }
0xbb: {  	s0 =	sor.u32 s3, s0;
	s1 =	sshll.u32 s1, $0x11  }
0xbc: {  	s0 =	sor.u32 s1, s0  }
0xbd: {  	s0 =	sadd.s32 $0x8F2B, s0  }
0xbe: {  	[sflag:s0] =	ssyncadd.remote.s32 $0x1  }
0xbf: {  	_ =	sfence.sel $0xFFFF  }
0xc0: {  	[dreg:$0x0] =	wrdreg $0xFFFFFFFF;
	(pc) =	sbr.abs _section_cstart, $3  }
0xc1: {  	[dreg:$0x1] =	wrdreg $0xFFFFFFFF  }
0xc2: {  	_ =	task.clear_ibuf [dreg:s7], $0x2FFFF;
	_ =	strace $0x9FFFFFFF  }
0xc3: {  	(tm) =	ssettm $0x7FFFFFFF  }
tec
execute0_lowered:
.L_overlay_start_1:
0x0: {  	(tag) =	ssettag $0x1  }
0x1: {  	s11 =	rddreg [dreg:$0x0]  }
0x2: {  	s0 =	rddreg [dreg:$0x1]  }
0x3: {  	s3 =	rddreg [dreg:$0x2]  }
0x4: {  	s4 =	simm.s32 $0x0;
	s1 =	srdreg.scid;
	s12 =	stileid.u32  }
0x5: {  	s5 =	simm.s32 $0x7F;
	s28 =	simm.s32 $0x280;
	s30 =	simm.s32 $0x1  }
0x6: {  	s31 =	simm.s32 $0x3;
	[smem:$0x7FF] =	sst s4;
	s2 =	smul.u32 $0x14000, s12  }
0x7: {  	s1 =	sand.u32 $0x1, s1;
	s18 =	sadd.s32 $0x2600, s0;
	s9 =	smul.u32 $0x50000, s12  }
0x8: {  	s7 =	sadd.s32 $0xC400, s0;
	s6 =	smul.u32 $0x140000, s1;
	p0 =	seq.s32 s1, $0x0  }
0x9: {  	_ =	strace $0x8000004A;
	s29 =	ssub.s32 $0x2, s1;
	s1 =	smul.u32 $0x3F800, s1  }
0xa: {  	s5 =	simm.s32 @!p0 $0x1F;
	s10 =	sshrl.u32 s29, $0x1;
	s9 =	sshrl.u32 s9, $0x2  }
0xb: {  	s6 =	sadd.s32 s2, s6;
	s8 =	smul.u32 s5, s12;
	s2 =	sshrl.u32 s2, $0x3  }
0xc: {  	s12 =	sshll.u32 s12, $0x6;
	s24 =	sand.u32 $0x7E, s5;
	s6 =	sshrl.u32 s6, $0x3  }
0xd: {  	s2 =	sadd.s32 s7, s2;
	s0 =	sadd.s32 s6, s0;
	s8 =	sshll.u32 s8, $0x7  }
0xe: {  	s6 =	ssub.s32 s29, s10;
	s10 =	sadd.s32 s9, s3;
	[dreg:$0x6] =	wrdreg s2  }
0xf: {  	s9 =	simm.s32 $0x6;
	s1 =	sadd.s32 s1, s8;
	[dreg:$0x5] =	wrdreg s10  }
0x10: {  	s10 =	sor.u32 $0x1C07, s12;
	s0 =	sadd.s32 $0x34400, s0;
	s25 =	smax.u32 s6, $0x1  }
0x11: {  	s8 =	simm.s32 $0x200;
	s12 =	simm.s32 $0x0;
	[dreg:$0xf] =	wrdreg s0  }
0x12: {  	s13 =	sshrl.u32 s1, $0x3;
	[dreg:$0x10] =	wrdreg s25;
	s0 =	sadd.s32 $0xFFFFFFFE, s24  }
0x13: {  	s26 =	sadd.s32 $0x200, s1;
	s15 =	sadd.s32 s11, s13;
	[dreg:$0x4] =	wrdreg s0  }
0x14: {  	s14 =	sadd.s32 $0x10, s13;
	s16 =	sadd.s32 s18, s13;
	[dreg:$0x7] =	wrdreg s15  }
0x15: {  	s29 =	sadd.s32 $0x280, s1;
	[dreg:$0x8] =	wrdreg s16;
	s17 =	sadd.s32 s11, s14  }
0x16: {  	s19 =	sadd.s32 $0x20, s13;
	s2 =	sadd.s32 s18, s14;
	[dreg:$0x9] =	wrdreg s17  }
0x17: {  	s20 =	sadd.s32 $0x30, s13;
	s21 =	sadd.s32 s11, s19;
	[dreg:$0xa] =	wrdreg s2  }
0x18: {  	s25 =	simm.s32 $0x2;
	s22 =	sadd.s32 s11, s20;
	[dreg:$0xb] =	wrdreg s21  }
0x19: {  	s0 =	simm.s32 $0x4280;
	s23 =	sadd.s32 s18, s20;
	[dreg:$0xd] =	wrdreg s22  }
0x1a: {  	s11 =	simm.s32 $0x5;
	s2 =	sadd.s32 s18, s19;
	[dreg:$0xe] =	wrdreg s23  }
0x1b: {  	s21 =	sshrl.u32 s26, $0x3;
	s22 =	sshrl.u32 s29, $0x3;
	s23 =	simm.s32 $0x7  }
0x1c: {  	s26 =	simm.s32 $0x80;
	[dreg:$0xc] =	wrdreg s2;
	s2 =	simm.s32 $0x4  }
.LBB2_1:
0x1d: {  	s1 =	rddreg [dreg:$0x5]  }
0x1e: {  	s29 =	rddreg [dreg:$0x6];
	s13 =	sshrl.u32 s1, $0x3  }
0x1f: {  	[spmem:s13], [sflag:s10] =	dma.local [hbm:s29], $0x2800  }
0x20: {  	_ =	swait.ge [sflag:s23], $0x2800  }
0x21: {  	[sflag:s23] =	ssyncset.done $0x0  }
0x22: {  	[sflag:s23] =	ssyncadd.s32 $0xFFFFD800  }
0x23: {  	[bflag:$0x0] =	sbarrier.arrive $0xFFFF  }
0x24: {  	s6 =	rddreg [dreg:$0x7]  }
0x25: {  	[tilespmem:s4], [sflag:$0x2] =	stream.linear.gather [hbm4b:s6+s4], $0x80, $0x38;
	[tilespmem:$0x1C280] =	vst v63  }
0x26: {  	s14 =	rddreg [dreg:$0x8];
	s6 =	simm.s32 $0x100  }
0x27: {  	[tilespmem:s6], [sflag:$0x4] =	stream.linear.gather [hbm4b:s14+s4], $0x80, $0x38;
	[tilespmem:$0x1C280] =	vst v63  }
0x28: {  	_ =	swait.ge [sflag:s25], $0x80  }
0x29: {  	[sflag:s25] =	ssyncset.done $0x0  }
0x2a: {  	[sflag:s25] =	ssyncadd.s32 $0xFFFFFF80  }
0x2b: {  	[tilespmem:s28], [sflag:$0x1] =	stream.indirect.gather [hbm4b:s7+s26], $0x80, s4, s26, $0xb8;
	[tilespmem:$0x1C280] =	vst v63  }
0x2c: {  	s15 =	rddreg [dreg:$0x9]  }
0x2d: {  	[tilespmem:s26], [sflag:$0x3] =	stream.linear.gather [hbm4b:s15+s4], $0x80, $0x38;
	[tilespmem:$0x1C280] =	vst v63  }
0x2e: {  	s14 =	simm.s32 $0x180;
	s16 =	rddreg [dreg:$0xa]  }
0x2f: {  	[tilespmem:s14], [sflag:$0x5] =	stream.linear.gather [hbm4b:s16+s4], $0x80, $0x38;
	[tilespmem:$0x1C280] =	vst v63  }
0x30: {  	_ =	swait.ge [sflag:s30], $0x4000  }
0x31: {  	[sflag:s30] =	ssyncset.done $0x0  }
0x32: {  	[sflag:s30] =	ssyncadd.s32 $0xFFFFC000  }
0x33: {  	_ =	swait.ge [sflag:s31], $0x80  }
0x34: {  	[sflag:s31] =	ssyncset.done $0x0  }
0x35: {  	[sflag:s31] =	ssyncadd.s32 $0xFFFFFF80  }
0x36: {  	[tilespmem:s0], [sflag:$0x1] =	stream.indirect.gather [hbm4b:s7+s26], $0x80, s26, s26, $0xb8;
	[tilespmem:$0x1C280] =	vst v63  }
0x37: {  	_ =	swait.ge [sflag:s2], $0x80  }
0x38: {  	[sflag:s2] =	ssyncset.done $0x0  }
0x39: {  	[sflag:s2] =	ssyncadd.s32 $0xFFFFFF80  }
0x3a: {  	v0 =	vld [tilespmem:$0x100]  }
0x3b: {  	v1 =	vld [tilespmem:$0x110]  }
0x3c: {  	v2 =	vld [tilespmem:$0x120]  }
0x3d: {  	v3 =	vld [tilespmem:$0x130]  }
0x3e: {  	v4 =	vld [tilespmem:$0x140]  }
0x3f: {  	[tilespmem:$0x200] =	vst v0;
	v0 =	vld [tilespmem:$0x150]  }
0x40: {  	[tilespmem:$0x210] =	vst v1;
	v1 =	vld [tilespmem:$0x160]  }
0x41: {  	[tilespmem:$0x220] =	vst v2;
	v2 =	vld [tilespmem:$0x170]  }
0x42: {  	[tilespmem:$0x230] =	vst v3  }
0x43: {  	[tilespmem:$0x240] =	vst v4  }
0x44: {  	[tilespmem:$0x250] =	vst v0  }
0x45: {  	[tilespmem:$0x260] =	vst v1  }
0x46: {  	[tilespmem:$0x270] =	vst v2  }
0x47: {  	[spmem:s3] =	stream.indirect.scatter.add.f32 [tilespmem:s28], [sflag:$0x6], $0x80, s8, s26, $0xb8;
	[tilespmem:$0x1C280] =	vst v63  }
0x48: {  	s17 =	rddreg [dreg:$0xb]  }
0x49: {  	[tilespmem:s4], [sflag:$0x2] =	stream.linear.gather [hbm4b:s17+s4], $0x80, $0x38;
	[tilespmem:$0x1C280] =	vst v63  }
0x4a: {  	s19 =	rddreg [dreg:$0xc]  }
0x4b: {  	[tilespmem:s6], [sflag:$0x4] =	stream.linear.gather [hbm4b:s19+s4], $0x80, $0x38;
	[tilespmem:$0x1C280] =	vst v63  }
0x4c: {  	_ =	swait.ge [sflag:s30], $0x4000  }
0x4d: {  	[sflag:s30] =	ssyncset.done $0x0  }
0x4e: {  	[sflag:s30] =	ssyncadd.s32 $0xFFFFC000  }
0x4f: {  	_ =	swait.ge [sflag:s25], $0x80  }
0x50: {  	[sflag:s25] =	ssyncset.done $0x0  }
0x51: {  	[sflag:s25] =	ssyncadd.s32 $0xFFFFFF80  }
0x52: {  	_ =	swait.ge [sflag:s9], $0x4000  }
0x53: {  	[sflag:s9] =	ssyncset.done $0x0  }
0x54: {  	[sflag:s9] =	ssyncadd.s32 $0xFFFFC000  }
0x55: {  	[tilespmem:s28], [sflag:$0x1] =	stream.indirect.gather [hbm4b:s7+s26], $0x80, s4, s26, $0xb8;
	[tilespmem:$0x1C280] =	vst v63  }
0x56: {  	_ =	swait.ge [sflag:s11], $0x80  }
0x57: {  	[sflag:s11] =	ssyncset.done $0x0  }
0x58: {  	[sflag:s11] =	ssyncadd.s32 $0xFFFFFF80  }
0x59: {  	v0 =	vld [tilespmem:$0x180]  }
0x5a: {  	v1 =	vld [tilespmem:$0x190]  }
0x5b: {  	v2 =	vld [tilespmem:$0x1A0]  }
0x5c: {  	v3 =	vld [tilespmem:$0x1B0]  }
0x5d: {  	v62 =	vld [tilespmem:$0x1C0]  }
0x5e: {  	[tilespmem:$0x200] =	vst v0;
	v0 =	vld [tilespmem:$0x1D0]  }
0x5f: {  	[tilespmem:$0x210] =	vst v1;
	v1 =	vld [tilespmem:$0x1E0]  }
0x60: {  	[tilespmem:$0x220] =	vst v2;
	v2 =	vld [tilespmem:$0x1F0]  }
0x61: {  	[tilespmem:$0x230] =	vst v3  }
0x62: {  	[tilespmem:$0x240] =	vst v62  }
0x63: {  	[tilespmem:$0x250] =	vst v0  }
0x64: {  	[tilespmem:$0x260] =	vst v1  }
0x65: {  	[tilespmem:$0x270] =	vst v2  }
0x66: {  	[spmem:s3] =	stream.indirect.scatter.add.f32 [tilespmem:s0], [sflag:$0x6], $0x80, s8, s26, $0xb8;
	[tilespmem:$0x1C280] =	vst v63  }
0x67: {  	s20 =	rddreg [dreg:$0xd]  }
0x68: {  	[tilespmem:s26], [sflag:$0x3] =	stream.linear.gather [hbm4b:s20+s4], $0x80, $0x38;
	[tilespmem:$0x1C280] =	vst v63  }
0x69: {  	s24 =	rddreg [dreg:$0xe]  }
0x6a: {  	[tilespmem:s14], [sflag:$0x5] =	stream.linear.gather [hbm4b:s24+s4], $0x80, $0x38;
	[tilespmem:$0x1C280] =	vst v63  }
0x6b: {  	_ =	swait.ge [sflag:s30], $0x4000  }
0x6c: {  	[sflag:s30] =	ssyncset.done $0x0  }
0x6d: {  	[sflag:s30] =	ssyncadd.s32 $0xFFFFC000  }
0x6e: {  	_ =	swait.ge [sflag:s31], $0x80  }
0x6f: {  	[sflag:s31] =	ssyncset.done $0x0  }
0x70: {  	[sflag:s31] =	ssyncadd.s32 $0xFFFFFF80  }
0x71: {  	_ =	swait.ge [sflag:s9], $0x4000  }
0x72: {  	[sflag:s9] =	ssyncset.done $0x0  }
0x73: {  	[sflag:s9] =	ssyncadd.s32 $0xFFFFC000  }
0x74: {  	[tilespmem:s0], [sflag:$0x1] =	stream.indirect.gather [hbm4b:s7+s26], $0x80, s26, s26, $0xb8;
	[tilespmem:$0x1C280] =	vst v63  }
0x75: {  	_ =	swait.ge [sflag:s2], $0x80  }
0x76: {  	[sflag:s2] =	ssyncset.done $0x0  }
0x77: {  	[sflag:s2] =	ssyncadd.s32 $0xFFFFFF80  }
0x78: {  	v0 =	vld [tilespmem:$0x170]  }
0x79: {  	v1 =	vld [tilespmem:$0x150]  }
0x7a: {  	v2 =	vld [tilespmem:$0x160]  }
0x7b: {  	v3 =	vld [tilespmem:$0x130]  }
0x7c: {  	v63 =	vld [tilespmem:$0x140]  }
0x7d: {  	v5 =	vld [tilespmem:$0x100];
	[tilespmem:$0x270] =	vst v0  }
0x7e: {  	v0 =	vld [tilespmem:$0x120];
	[tilespmem:$0x250] =	vst v1  }
0x7f: {  	v1 =	vld [tilespmem:$0x110];
	[tilespmem:$0x260] =	vst v2  }
0x80: {  	[tilespmem:$0x230] =	vst v3  }
0x81: {  	[tilespmem:$0x240] =	vst v63  }
0x82: {  	[tilespmem:$0x200] =	vst v5  }
0x83: {  	[tilespmem:$0x220] =	vst v0  }
0x84: {  	p0 =	sle.u32 s5, $0x4;
	s19 =	rddreg [dreg:$0x0];
	[tilespmem:$0x210] =	vst v1  }
0x85: {  	[spmem:s3] =	stream.indirect.scatter.add.f32 [tilespmem:s28], [sflag:$0x6], $0x80, s8, s26, $0xb8;
	[tilespmem:$0x1C280] =	vst v63  }
0x86: {  	s6 =	simm.s32 @!p0 $0x0;
	s1 =	sadd.s32 @!p0 s19, s21  }
0x87: {  	[tilespmem:s6], [sflag:$0x2] =	stream.linear.gather @!p0 [hbm4b:s1+s6], $0x80, $0x38;
	[tilespmem:$0x1C280] =	vst v63  }
0x88: {  	s14 =	simm.s32 @!p0 $0x100;
	s1 =	sadd.s32 @!p0 s18, s21  }
0x89: {  	[tilespmem:s14], [sflag:$0x4] =	stream.linear.gather @!p0 [hbm4b:s1+s6], $0x80, $0x38;
	[tilespmem:$0x1C280] =	vst v63  }
0x8a: {  	_ =	swait.ge [sflag:s30], $0x4000  }
0x8b: {  	[sflag:s30] =	ssyncset.done $0x0  }
0x8c: {  	[sflag:s30] =	ssyncadd.s32 $0xFFFFC000  }
0x8d: {  	_ =	swait.ge [sflag:s25], $0x80  }
0x8e: {  	[sflag:s25] =	ssyncset.done $0x0  }
0x8f: {  	[sflag:s25] =	ssyncadd.s32 $0xFFFFFF80  }
0x90: {  	_ =	swait.ge [sflag:s9], $0x4000  }
0x91: {  	[sflag:s9] =	ssyncset.done $0x0  }
0x92: {  	[sflag:s9] =	ssyncadd.s32 $0xFFFFC000  }
0x93: {  	[tilespmem:s28], [sflag:$0x1] =	stream.indirect.gather [hbm4b:s7+s26], $0x80, s4, s26, $0xb8;
	[tilespmem:$0x1C280] =	vst v63  }
0x94: {  	_ =	swait.ge [sflag:s11], $0x80  }
0x95: {  	s29 =	rddreg [dreg:$0x4]  }
0x96: {  	p0 =	sne.s32 s29, $0x2  }
.Ltmp0:
0x97: {  	_ = 	snop;
	(pc) =	sbr.rel @!p0 .LBB2_3-.Ltmp0, $4  }
0x98: {  	[sflag:s11] =	ssyncset.done $0x0  }
0x99: {  	[sflag:s11] =	ssyncadd.s32 $0xFFFFFF80  }
0x9a: {  	s15 =	simm.s32 $0x0;
	s17 =	simm.s32 $0x2;
	s16 =	smov.u32 s19;
	v0 =	vld [tilespmem:$0x180]  }
0x9b: {  	s14 =	smov.u32 s18;
	s1 =	smov.u32 s19;
	s6 =	smov.u32 s18;
	v1 =	vld [tilespmem:$0x190]  }
.LBB2_2:
0x9c: {  	v2 =	vld [tilespmem:$0x1F0]  }
0x9d: {  	v3 =	vld [tilespmem:$0x1B0]  }
0x9e: {  	v4 =	vld [tilespmem:$0x1E0]  }
0x9f: {  	v5 =	vld [tilespmem:$0x1A0];
	[tilespmem:$0x200] =	vst v0  }
0xa0: {  	v0 =	vld [tilespmem:$0x1D0];
	[tilespmem:$0x210] =	vst v1  }
0xa1: {  	v1 =	vld [tilespmem:$0x1C0];
	[tilespmem:$0x270] =	vst v2  }
0xa2: {  	[tilespmem:$0x230] =	vst v3  }
0xa3: {  	[tilespmem:$0x260] =	vst v4  }
0xa4: {  	[tilespmem:$0x220] =	vst v5  }
0xa5: {  	s20 =	smov.u32 s17;
	s24 =	sadd.s32 $0x5, s15;
	[tilespmem:$0x250] =	vst v0  }
0xa6: {  	s15 =	smov.u32 s20;
	p0 =	sge.u32 s24, s5;
	[tilespmem:$0x240] =	vst v1  }
0xa7: {  	[spmem:s3] =	stream.indirect.scatter.add.f32 [tilespmem:s0], [sflag:$0x6], $0x80, s8, s26, $0xb8;
	[tilespmem:$0x1C280] =	vst v63  }
0xa8: {  	s1 =	sadd.s32 @!p0 s1, s22;
	s20 =	simm.s32 @!p0 $0x0;
	s24 =	simm.s32 @!p0 $0x80  }
0xa9: {  	[tilespmem:s24], [sflag:$0x3] =	stream.linear.gather @!p0 [hbm4b:s1+s20], $0x80, $0x38;
	[tilespmem:$0x1C280] =	vst v63  }
0xaa: {  	s29 =	sadd.s32 @!p0 s6, s22;
	s19 =	simm.s32 @!p0 $0x180  }
0xab: {  	[tilespmem:s19], [sflag:$0x5] =	stream.linear.gather @!p0 [hbm4b:s29+s20], $0x80, $0x38;
	[tilespmem:$0x1C280] =	vst v63  }
0xac: {  	_ =	swait.ge [sflag:s30], $0x4000  }
0xad: {  	[sflag:s30] =	ssyncset.done $0x0  }
0xae: {  	[sflag:s30] =	ssyncadd.s32 $0xFFFFC000  }
0xaf: {  	_ =	swait.ge [sflag:s31], $0x80  }
0xb0: {  	[sflag:s31] =	ssyncset.done $0x0  }
0xb1: {  	[sflag:s31] =	ssyncadd.s32 $0xFFFFFF80  }
0xb2: {  	_ =	swait.ge [sflag:s9], $0x4000  }
0xb3: {  	[sflag:s9] =	ssyncset.done $0x0  }
0xb4: {  	[sflag:s9] =	ssyncadd.s32 $0xFFFFC000  }
0xb5: {  	[tilespmem:s0], [sflag:$0x1] =	stream.indirect.gather [hbm4b:s7+s26], $0x80, s26, s26, $0xb8;
	[tilespmem:$0x1C280] =	vst v63  }
0xb6: {  	_ =	swait.ge [sflag:s2], $0x80  }
0xb7: {  	[sflag:s2] =	ssyncset.done $0x0  }
0xb8: {  	[sflag:s2] =	ssyncadd.s32 $0xFFFFFF80  }
0xb9: {  	v0 =	vld [tilespmem:$0x170]  }
0xba: {  	v1 =	vld [tilespmem:$0x150]  }
0xbb: {  	v2 =	vld [tilespmem:$0x160]  }
0xbc: {  	v3 =	vld [tilespmem:$0x130]  }
0xbd: {  	v62 =	vld [tilespmem:$0x140]  }
0xbe: {  	v63 =	vld [tilespmem:$0x100];
	[tilespmem:$0x270] =	vst v0  }
0xbf: {  	v0 =	vld [tilespmem:$0x120];
	[tilespmem:$0x250] =	vst v1  }
0xc0: {  	v1 =	vld [tilespmem:$0x110];
	[tilespmem:$0x260] =	vst v2  }
0xc1: {  	[tilespmem:$0x230] =	vst v3  }
0xc2: {  	[tilespmem:$0x240] =	vst v62  }
0xc3: {  	[tilespmem:$0x200] =	vst v63  }
0xc4: {  	s24 =	sadd.s32 $0x4, s15;
	[tilespmem:$0x220] =	vst v0  }
0xc5: {  	s16 =	sadd.s32 $0x20, s16;
	p0 =	sge.u32 s24, s5;
	[tilespmem:$0x210] =	vst v1  }
0xc6: {  	[spmem:s3] =	stream.indirect.scatter.add.f32 [tilespmem:s28], [sflag:$0x6], $0x80, s8, s26, $0xb8;
	[tilespmem:$0x1C280] =	vst v63  }
0xc7: {  	s14 =	sadd.s32 $0x20, s14;
	s19 =	sadd.s32 @!p0 s16, s21;
	s20 =	simm.s32 @!p0 $0x0  }
0xc8: {  	[tilespmem:s20], [sflag:$0x2] =	stream.linear.gather @!p0 [hbm4b:s19+s20], $0x80, $0x38;
	[tilespmem:$0x1C280] =	vst v63  }
0xc9: {  	s24 =	simm.s32 @!p0 $0x100;
	s19 =	sadd.s32 @!p0 s14, s21  }
0xca: {  	[tilespmem:s24], [sflag:$0x4] =	stream.linear.gather @!p0 [hbm4b:s19+s20], $0x80, $0x38;
	[tilespmem:$0x1C280] =	vst v63  }
0xcb: {  	_ =	swait.ge [sflag:s30], $0x4000  }
0xcc: {  	[sflag:s30] =	ssyncset.done $0x0  }
0xcd: {  	[sflag:s30] =	ssyncadd.s32 $0xFFFFC000  }
0xce: {  	_ =	swait.ge [sflag:s25], $0x80  }
0xcf: {  	[sflag:s25] =	ssyncset.done $0x0  }
0xd0: {  	[sflag:s25] =	ssyncadd.s32 $0xFFFFFF80  }
0xd1: {  	_ =	swait.ge [sflag:s9], $0x4000  }
0xd2: {  	[sflag:s9] =	ssyncset.done $0x0  }
0xd3: {  	[sflag:s9] =	ssyncadd.s32 $0xFFFFC000  }
0xd4: {  	[tilespmem:s28], [sflag:$0x1] =	stream.indirect.gather [hbm4b:s7+s26], $0x80, s4, s26, $0xb8;
	[tilespmem:$0x1C280] =	vst v63  }
0xd5: {  	_ =	swait.ge [sflag:s11], $0x80  }
0xd6: {  	s17 =	sadd.s32 $0x2, s17;
	s29 =	rddreg [dreg:$0x4]  }
0xd7: {  	p0 =	sne.s32 s29, s17  }
.Ltmp1:
0xd8: {  	_ = 	snop;
	(pc) =	sbr.rel @p0 .LBB2_2-.Ltmp1, $4  }
0xd9: {  	[sflag:s11] =	ssyncset.done $0x0  }
0xda: {  	[sflag:s11] =	ssyncadd.s32 $0xFFFFFF80  }
0xdb: {  	v0 =	vld [tilespmem:$0x180]  }
0xdc: {  	s6 =	smov.u32 s14;
	s1 =	smov.u32 s16;
	v1 =	vld [tilespmem:$0x190]  }
.LBB2_3:
0xdd: {  	v2 =	vld [tilespmem:$0x1F0]  }
0xde: {  	v3 =	vld [tilespmem:$0x1B0]  }
0xdf: {  	v4 =	vld [tilespmem:$0x1E0]  }
0xe0: {  	v54 =	vld [tilespmem:$0x1D0];
	[tilespmem:$0x200] =	vst v0  }
0xe1: {  	v55 =	vld [tilespmem:$0x1C0];
	[tilespmem:$0x210] =	vst v1  }
0xe2: {  	v5 =	vld [tilespmem:$0x1A0];
	[tilespmem:$0x270] =	vst v2  }
0xe3: {  	[tilespmem:$0x230] =	vst v3  }
0xe4: {  	[tilespmem:$0x260] =	vst v4  }
0xe5: {  	[tilespmem:$0x250] =	vst v54  }
0xe6: {  	s14 =	sadd.s32 $0x5, s15;
	[tilespmem:$0x240] =	vst v55  }
0xe7: {  	p0 =	sge.u32 s14, s5;
	[tilespmem:$0x220] =	vst v5  }
0xe8: {  	[spmem:s3] =	stream.indirect.scatter.add.f32 [tilespmem:s0], [sflag:$0x6], $0x80, s8, s26, $0xb8;
	[tilespmem:$0x1C280] =	vst v63  }
0xe9: {  	s1 =	sadd.s32 @!p0 s1, s22;
	s14 =	simm.s32 @!p0 $0x0;
	s15 =	simm.s32 @!p0 $0x80  }
0xea: {  	[tilespmem:s15], [sflag:$0x3] =	stream.linear.gather @!p0 [hbm4b:s1+s14], $0x80, $0x38;
	[tilespmem:$0x1C280] =	vst v63  }
0xeb: {  	s1 =	sadd.s32 @!p0 s6, s22;
	s6 =	simm.s32 @!p0 $0x180  }
0xec: {  	[tilespmem:s6], [sflag:$0x5] =	stream.linear.gather @!p0 [hbm4b:s1+s14], $0x80, $0x38;
	[tilespmem:$0x1C280] =	vst v63  }
0xed: {  	_ =	swait.ge [sflag:s30], $0x4000  }
0xee: {  	[sflag:s30] =	ssyncset.done $0x0  }
0xef: {  	[sflag:s30] =	ssyncadd.s32 $0xFFFFC000  }
0xf0: {  	_ =	swait.ge [sflag:s9], $0x4000  }
0xf1: {  	[sflag:s9] =	ssyncset.done $0x0  }
0xf2: {  	[sflag:s9] =	ssyncadd.s32 $0xFFFFC000  }
0xf3: {  	_ =	swait.ge [sflag:s2], $0x80  }
0xf4: {  	[sflag:s2] =	ssyncset.done $0x0  }
0xf5: {  	[sflag:s2] =	ssyncadd.s32 $0xFFFFFF80  }
0xf6: {  	v56 =	vld [tilespmem:$0x100]  }
0xf7: {  	v57 =	vld [tilespmem:$0x110]  }
0xf8: {  	v58 =	vld [tilespmem:$0x120]  }
0xf9: {  	v59 =	vld [tilespmem:$0x130]  }
0xfa: {  	v60 =	vld [tilespmem:$0x140]  }
0xfb: {  	v61 =	vld [tilespmem:$0x150];
	[tilespmem:$0x200] =	vst v56  }
0xfc: {  	v62 =	vld [tilespmem:$0x160];
	[tilespmem:$0x210] =	vst v57  }
0xfd: {  	v63 =	vld [tilespmem:$0x170];
	[tilespmem:$0x220] =	vst v58  }
0xfe: {  	[tilespmem:$0x230] =	vst v59  }
0xff: {  	[tilespmem:$0x240] =	vst v60  }
0x100: {  	[tilespmem:$0x250] =	vst v61  }
0x101: {  	[tilespmem:$0x260] =	vst v62  }
0x102: {  	[tilespmem:$0x270] =	vst v63  }
0x103: {  	[spmem:s3] =	stream.indirect.scatter.add.f32 [tilespmem:s28], [sflag:$0x6], $0x80, s8, s26, $0xb8;
	[tilespmem:$0x1C280] =	vst v63  }
0x104: {  	_ =	swait.ge [sflag:s9], $0x4000  }
0x105: {  	[sflag:s9] =	ssyncset.done $0x0  }
0x106: {  	[sflag:s9] =	ssyncadd.s32 $0xFFFFC000  }
0x107: {  	[bflag:$0x0] =	sbarrier.arrive $0xFFFF  }
0x108: {  	s24 =	rddreg [dreg:$0xf]  }
0x109: {  	[hbm:s24], [sflag:s10] =	dma.local [spmem:s13], $0x2800  }
0x10a: {  	_ =	swait.ge [sflag:s23], $0x2800  }
0x10b: {  	s12 =	sadd.s32 $0x1, s12;
	s29 =	rddreg [dreg:$0x10]  }
0x10c: {  	p0 =	sne.s32 s12, s29  }
.Ltmp2:
0x10d: {  	_ = 	snop;
	(pc) =	sbr.rel @p0 .LBB2_1-.Ltmp2, $3  }
0x10e: {  	_ =	sdelay $0x1  }
0x10f: {  	[sflag:s23] =	ssyncset.done $0x0  }
0x110: {  	[sflag:s23] =	ssyncadd.s32 $0xFFFFD800  }
0x111: {  	_ =	sfence.sel $0x180000  }
0x112: {  	[bflag:$0x0] =	sbarrier.arrive $0xFFFF  }
0x113: {  	_ =	strace $0x9000004A  }
0x114: {  	s0 =	stileid.u32;
	[bflag:$0x2] =	sbarrier.arrive $0xFFFF  }
0x115: {  	p0 =	sne.s32 s0, $0x0;
	s0 =	rddreg [dreg:$0x3]  }
0x116: {  	s0 =	sadd.s32 @!p0 $0x100000, s0  }
0x117: {  	[sflag:s0] =	ssyncadd.tile.s32 @!p0 $0x1;
	_ =	shalt  }
.Lfunc_end2:
_tile_overlayer_lowered:
.L_overlay_start_2:
0x118: {  	(tag) =	ssettag $0x2  }
0x119: {  	s0 =	rddreg [dreg:$0x0];
	s2 =	stileid.u32  }
0x11a: {  	s1 =	rddreg [dreg:$0x1];
	p0 =	sne.s32 s2, $0x0  }
0x11b: {  	s3 =	rddreg [dreg:$0x2];
	[bflag:$0x3] =	sbarrier.arrive $0xFFFF;
	s2 =	simm.s32 @!p0 $0x1C07  }
0x11c: {  	[timem:s3], [sflag:s2] =	dma.local @!p0 [hbm:s0], s1  }
0x11d: {  	s0 =	simm.s32 @!p0 $0x7  }
0x11e: {  	_ =	swait.ge @!p0 [sflag:s0], s1  }
0x11f: {  	s1 =	ssub.s32 @!p0 $0x0, s1;
	[sflag:s0] =	ssyncset.done @!p0 $0x0  }
0x120: {  	[sflag:s0] =	ssyncadd.s32 @!p0 s1  }
0x121: {  	[bflag:$0x3] =	sbarrier.arrive $0xFFFF  }
0x122: {  	_ =	shalt  }

// kernel: kernel.14.cloned.1.call-start
scs
__scs_entry_jumppad:
0x0: {  	(pc) =	sbr.rel $0x88, $3  }
0x1: {  	(tag) =	ssettag $0x0;
	lr =	simm.s32 $0x1  }
0x2: {  	[smem:$0x3F9B] =	sst lr;
	_ =	strace $0xD0000000  }
0x3: {  	_ = 	snop  }
0x4: {  	_ = 	snop  }
0x5: {  	_ = 	snop  }
0x6: {  	_ = 	snop  }
0x7: {  	_ = 	snop  }
__scs_overlays_trampoline_lowered:
0x8: {  	[smem:$0x3FAA] =	sst s0  }
0x9: {  	[smem:$0x3FAB] =	sst s1  }
0xa: {  	[smem:$0x3FAC] =	sst s2  }
0xb: {  	[smem:$0x3FAD] =	sst s3  }
0xc: {  	[smem:$0x3FAE] =	sst s4  }
0xd: {  	[smem:$0x3FAF] =	sst s5  }
0xe: {  	[smem:$0x3FB0] =	sst s6  }
0xf: {  	[smem:$0x3FB1] =	sst s7  }
0x10: {  	[smem:$0x3FB2] =	sst s8  }
0x11: {  	[smem:$0x3FB3] =	sst s9;
	s0 =	simm.s32 @!p0 $0x0  }
0x12: {  	s1 =	sld [smem:$0x3F99];
	s0 =	simm.s32 @p0 $0x1  }
0x13: {  	[smem:$0x3FB4] =	sst s0;
	s0 =	simm.s32 @!p1 $0x0  }
0x14: {  	s2 =	sld [smem:$0x3F98];
	s0 =	simm.s32 @p1 $0x1  }
0x15: {  	[smem:$0x3FB5] =	sst s0;
	s0 =	simm.s32 @!p2 $0x0  }
0x16: {  	s3 =	sld [smem:$0x3FDB];
	s0 =	simm.s32 @p2 $0x1  }
0x17: {  	s4 =	simm.s32 $0x1BF5;
	[smem:$0x3FB7] =	sst s0  }
0x18: {  	s0 =	sld [smem:$0x3F9A];
	_ =	swait.ge [sflag:s4], $0x0  }
0x19: {  	s7 =	sld [smem:$0x3F9B]  }
0x1a: {  	s8 =	sadd.s32 $0xFFFFE003, lr  }
0x1b: {  	s9 =	sadd.s32 $0xFFFFFEF7, lr;
	s5 =	simm.s32 $0xFFFFFFFF;
	p2 =	slt.u32 s8, $0xFFFFF086  }
0x1c: {  	p1 =	slt.u32 s9, $0xF7A;
	s5 =	simm.s32 @!p2 $0x0  }
0x1d: {  	s5 =	simm.s32 @p1 $0x1;
	p0 =	seq.s32 s7, s2  }
0x1e: {  	s7 =	smul.u32 @!p0 $0xF7A, s2;
	p2 =	seq.s32 @!p0 s5, $0x0  }
0x1f: {  	s9 =	smul.u32 $0xF7A, s1;
	s8 =	simm.s32 @!p0 $0x1BF5;
	p2 =	por !p2, p0  }
0x20: {  	[sflag:s8] =	ssyncset.s32 @!p0 $0xFFFFF086;
	s6 =	sadd.s32 @!p0 s3, s7;
	s7 =	simm.s32 @!p0 $0x108  }
0x21: {  	s3 =	sadd.s32 s3, s9;
	s6 =	sadd.s32 @!p0 $0x88, s6;
	s7 =	simm.s32 @p2 $0x1082  }
0x22: {  	[simem:s7], [sflag:s8] =	dma.local @!p0 [hbm:s6], $0xF7A  }
0x23: {  	s9 =	sor.u32 $0xD0000000, s2;
	s6 =	simm.s32 $0x108;
	_ =	swait.ge @!p0 [sflag:s8], $0x0  }
0x24: {  	s3 =	sadd.s32 $0x88, s3;
	s6 =	simm.s32 @!p1 $0x1082;
	[sflag:s4] =	ssyncset.s32 $0xFFFFF086  }
0x25: {  	[simem:s6], [sflag:s4] =	dma.local [hbm:s3], $0xF7A  }
0x26: {  	[smem:$0x3F9B] =	sst s1;
	(tag) =	ssettag s2;
	_ =	strace s9  }
0x27: {  	s1 =	sld [smem:$0x3FAB]  }
0x28: {  	s2 =	sld [smem:$0x3FAC]  }
0x29: {  	s4 =	sld [smem:$0x3FAE]  }
0x2a: {  	p0 =	seq.s32 s5, $0x0;
	s5 =	sld [smem:$0x3FAF]  }
0x2b: {  	s6 =	sld [smem:$0x3FB0]  }
0x2c: {  	s7 =	sld [smem:$0x3FB1]  }
0x2d: {  	s3 =	simm.s32 $0x108;
	s8 =	sld [smem:$0x3FB2]  }
0x2e: {  	s3 =	simm.s32 @!p0 $0x1082;
	s9 =	sld [smem:$0x3FB3]  }
0x2f: {  	lr =	sadd.s32 s0, s3;
	s0 =	sld [smem:$0x3FAA]  }
0x30: {  	s3 =	sld [smem:$0x3FAD]  }
0x31: {  	[smem:$0x3FB6] =	sst s10  }
0x32: {  	s10 =	sld [smem:$0x3FB4];
	_ =	sdelay $0x3  }
0x33: {  	p0 =	seq.s32 s10, $0x1;
	s10 =	sld [smem:$0x3FB6];
	_ =	sdelay $0x3  }
0x34: {  	[smem:$0x3FB6] =	sst s10  }
0x35: {  	s10 =	sld [smem:$0x3FB5];
	_ =	sdelay $0x3  }
0x36: {  	p1 =	seq.s32 s10, $0x1;
	s10 =	sld [smem:$0x3FB6];
	_ =	sdelay $0x3  }
0x37: {  	[smem:$0x3FB6] =	sst s10  }
0x38: {  	s10 =	sld [smem:$0x3FB7]  }
0x39: {  	_ = 	snop;
	(pc) =	sbr.ind lr, $3  }
0x3a: {  	_ = 	snop  }
0x3b: {  	_ = 	snop  }
0x3c: {  	p2 =	seq.s32 s10, $0x1;
	s10 =	sld [smem:$0x3FB6]  }
0x3d: {  	_ =	shalt  }
0x3e: {  	_ =	shalt  }
0x3f: {  	_ =	shalt  }
0x40: {  	_ =	shalt  }
0x41: {  	_ =	shalt  }
0x42: {  	_ =	shalt  }
0x43: {  	_ =	shalt  }
0x44: {  	_ =	shalt  }
0x45: {  	_ =	shalt  }
0x46: {  	_ =	shalt  }
0x47: {  	_ =	shalt  }
0x48: {  	_ =	shalt  }
0x49: {  	_ =	shalt  }
0x4a: {  	_ =	shalt  }
0x4b: {  	_ =	shalt  }
0x4c: {  	_ =	shalt  }
0x4d: {  	_ =	shalt  }
0x4e: {  	_ =	shalt  }
0x4f: {  	_ =	shalt  }
0x50: {  	_ =	shalt  }
0x51: {  	_ =	shalt  }
0x52: {  	_ =	shalt  }
0x53: {  	_ =	shalt  }
0x54: {  	_ =	shalt  }
0x55: {  	_ =	shalt  }
0x56: {  	_ =	shalt  }
0x57: {  	_ =	shalt  }
0x58: {  	_ =	shalt  }
0x59: {  	_ =	shalt  }
0x5a: {  	_ =	shalt  }
0x5b: {  	_ =	shalt  }
0x5c: {  	_ =	shalt  }
0x5d: {  	_ =	shalt  }
0x5e: {  	_ =	shalt  }
0x5f: {  	_ =	shalt  }
0x60: {  	_ =	shalt  }
0x61: {  	_ =	shalt  }
0x62: {  	_ =	shalt  }
0x63: {  	_ =	shalt  }
0x64: {  	_ =	shalt  }
0x65: {  	_ =	shalt  }
0x66: {  	_ =	shalt  }
0x67: {  	_ =	shalt  }
0x68: {  	_ =	shalt  }
0x69: {  	_ =	shalt  }
0x6a: {  	_ =	shalt  }
0x6b: {  	_ =	shalt  }
0x6c: {  	_ =	shalt  }
0x6d: {  	_ =	shalt  }
0x6e: {  	_ =	shalt  }
0x6f: {  	_ =	shalt  }
0x70: {  	_ =	shalt  }
0x71: {  	_ =	shalt  }
0x72: {  	_ =	shalt  }
0x73: {  	_ =	shalt  }
0x74: {  	_ =	shalt  }
0x75: {  	_ =	shalt  }
0x76: {  	_ =	shalt  }
0x77: {  	_ =	shalt  }
0x78: {  	_ =	shalt  }
0x79: {  	_ =	shalt  }
0x7a: {  	_ =	shalt  }
0x7b: {  	_ =	shalt  }
0x7c: {  	_ =	shalt  }
0x7d: {  	_ =	shalt  }
0x7e: {  	_ =	shalt  }
0x7f: {  	_ =	shalt  }
0x80: {  	_ =	shalt  }
0x81: {  	_ =	shalt  }
0x82: {  	_ =	shalt  }
0x83: {  	_ =	shalt  }
0x84: {  	_ =	shalt  }
0x85: {  	_ =	shalt  }
0x86: {  	_ =	shalt  }
0x87: {  	_ =	shalt  }
.Lfunc_end0:
.L_simem_size_0:
called_computation.2_lowered:
.L_overlay_start_0:
0x88: {  	s2 =	sld [smem:$0x3FD9]  }
0x89: {  	s3 =	sld [smem:$0x3FFE];
	_ =	sdelay $0x1  }
0x8a: {  	s1 =	srdreg.scid  }
0x8b: {  	s0 =	sand.u32 $0x1, s1  }
0x8c: {  	s17 =	sshll.u32 s0, $0xA;
	s2 =	sadd.s32 s3, s2  }
0x8d: {  	s2 =	sadd.s32 s2, s17  }
0x8e: {  	[smem:$0x3FC2] =	sst s2  }
0x8f: {  	_ = 	snop  }
0x90: {  	s2 =	sld [smem:$0x3FD0];
	(tm) =	ssettm $0x1  }
0x91: {  	s18 =	sld [smem:$0x3FFB];
	_ =	sdelay $0x3  }
0x92: {  	_ =	strace s18  }
0x93: {  	s3 =	sld [smem:$0x3FFC];
	_ =	sdelay $0x3  }
0x94: {  	_ =	strace s3  }
0x95: {  	s3 =	sld [smem:$0x3FFD];
	_ =	sdelay $0x3  }
0x96: {  	_ =	strace s3  }
0x97: {  	_ =	strace $0x8FFFFFFF  }
0x98: {  	s19 =	sld [smem:$0x3FDB];
	_ =	sdelay $0x1  }
0x99: {  	s4 =	simm.s32 $_scs_section_size  }
0x9a: {  	s5 =	simm.s32 $_size__tile_overlayer_lowered;
	s6 =	simm.s32 $_tile_overlayer_lowered  }
0x9b: {  	s22 =	simm.s32 $0x1BFF;
	s21 =	sshll.u32 s6, $0x1;
	s3 =	sadd.s32 s4, s19  }
0x9c: {  	s7 =	simm.s32 $0x0;
	s20 =	sshll.u32 s5, $0x1;
	s5 =	sadd.s32 s21, s3  }
0x9d: {  	[timem:s7], [sflag:s22] =	dma.local [hbm:s5], s20  }
0x9e: {  	_ =	swait.ge [sflag:s22], s20  }
0x9f: {  	s4 =	ssub.s32 $0x0, s20;
	[sflag:s22] =	ssyncset.done $0x0  }
0xa0: {  	[sflag:s22] =	ssyncadd.s32 s4;
	_ =	sdelay $0x1  }
0xa1: {  	s23 =	simm.s32 $0x1B8B  }
0xa2: {  	_ =	swait.ge [sflag:s23], $0x1  }
0xa3: {  	[sflag:s23] =	ssyncset.done $0x0  }
0xa4: {  	s25 =	simm.s32 $0x1B8E;
	s24 =	sld [smem:$0x3FFE];
	[sflag:s23] =	ssyncadd.s32 $0xFFFFFFFF  }
0xa5: {  	s26 =	simm.s32 $execute0_lowered;
	[smem:$0x3FD2] =	sst s25  }
0xa6: {  	s5 =	sshll.u32 s26, $0x1;
	_ =	strace $0x8000004C;
	[dreg:$0x1] =	wrdreg $0xFFFFFFFF  }
0xa7: {  	s28 =	simm.s32 $_size_execute0_lowered;
	s3 =	sadd.s32 s3, s5;
	[dreg:$0x0] =	wrdreg $0x0  }
0xa8: {  	s5 =	sshll.u32 s28, $0x1;
	[dreg:$0x2] =	wrdreg s3  }
0xa9: {  	[dreg:$0x3] =	wrdreg s5  }
0xaa: {  	[dreg:$0x4] =	wrdreg $0xC0  }
0xab: {  	_ =	task [dreg:s7], $0x5FFFF  }
0xac: {  	[dreg:$0x1] =	wrdreg $0xFFFFFFFF  }
0xad: {  	[dreg:$0x0] =	wrdreg $0x60  }
0xae: {  	[dreg:$0x2] =	wrdreg s2  }
0xaf: {  	[dreg:$0x3] =	wrdreg s24  }
0xb0: {  	[dreg:$0x4] =	wrdreg $0x82800  }
0xb1: {  	[dreg:$0x5] =	wrdreg $0x9  }
0xb2: {  	_ =	task.clear_ibuf [dreg:s7], $0x6FFFF;
	_ =	strace $0x9000004C  }
0xb3: {  	s29 =	simm.s32 $0x9;
	_ =	strace $0x8000004E  }
0xb4: {  	_ =	swait.ge [sflag:s29], $0x1  }
0xb5: {  	[sflag:s29] =	ssyncadd.s32 $0xFFFFFFFF  }
0xb6: {  	_ =	strace $0x9000004E  }
0xb7: {  	_ =	sfence  }
0xb8: {  	s30 =	sld [smem:$0x0];
	_ =	sdelay $0x2  }
0xb9: {  	s31 =	sshll.u32 s1, $0xD;
	s1 =	sshrl.u32 s1, $0x2  }
0xba: {  	s3 =	sand.u32 $0x4000, s31;
	s1 =	sadd.s32 s1, s30  }
0xbb: {  	s0 =	sor.u32 s3, s0;
	s1 =	sshll.u32 s1, $0x11  }
0xbc: {  	s0 =	sor.u32 s1, s0  }
0xbd: {  	s0 =	sadd.s32 $0x8F2B, s0  }
0xbe: {  	[sflag:s0] =	ssyncadd.remote.s32 $0x1  }
0xbf: {  	_ =	sfence.sel $0xFFFF  }
0xc0: {  	[dreg:$0x0] =	wrdreg $0xFFFFFFFF;
	(pc) =	sbr.abs _section_cstart, $3  }
0xc1: {  	[dreg:$0x1] =	wrdreg $0xFFFFFFFF  }
0xc2: {  	_ =	task.clear_ibuf [dreg:s7], $0x2FFFF;
	_ =	strace $0x9FFFFFFF  }
0xc3: {  	(tm) =	ssettm $0x7FFFFFFF  }
tec
execute0_lowered:
.L_overlay_start_1:
0x0: {  	(tag) =	ssettag $0x1  }
0x1: {  	s11 =	rddreg [dreg:$0x0]  }
0x2: {  	s0 =	rddreg [dreg:$0x1]  }
0x3: {  	s3 =	rddreg [dreg:$0x2]  }
0x4: {  	s4 =	simm.s32 $0x0;
	s1 =	srdreg.scid;
	s12 =	stileid.u32  }
0x5: {  	s5 =	simm.s32 $0x7F;
	s28 =	simm.s32 $0x280;
	s30 =	simm.s32 $0x1  }
0x6: {  	s31 =	simm.s32 $0x3;
	[smem:$0x7FF] =	sst s4;
	s2 =	smul.u32 $0x14000, s12  }
0x7: {  	s1 =	sand.u32 $0x1, s1;
	s18 =	sadd.s32 $0x2600, s0;
	s9 =	smul.u32 $0x50000, s12  }
0x8: {  	s7 =	sadd.s32 $0xC400, s0;
	s6 =	smul.u32 $0x140000, s1;
	p0 =	seq.s32 s1, $0x0  }
0x9: {  	_ =	strace $0x8000004D;
	s29 =	ssub.s32 $0x2, s1;
	s1 =	smul.u32 $0x3F800, s1  }
0xa: {  	s5 =	simm.s32 @!p0 $0x1F;
	s10 =	sshrl.u32 s29, $0x1;
	s9 =	sshrl.u32 s9, $0x2  }
0xb: {  	s6 =	sadd.s32 s2, s6;
	s8 =	smul.u32 s5, s12;
	s2 =	sshrl.u32 s2, $0x3  }
0xc: {  	s12 =	sshll.u32 s12, $0x6;
	s24 =	sand.u32 $0x7E, s5;
	s6 =	sshrl.u32 s6, $0x3  }
0xd: {  	s2 =	sadd.s32 s7, s2;
	s0 =	sadd.s32 s6, s0;
	s8 =	sshll.u32 s8, $0x7  }
0xe: {  	s6 =	ssub.s32 s29, s10;
	s10 =	sadd.s32 s9, s3;
	[dreg:$0x6] =	wrdreg s2  }
0xf: {  	s9 =	simm.s32 $0x6;
	s1 =	sadd.s32 s1, s8;
	[dreg:$0x5] =	wrdreg s10  }
0x10: {  	s10 =	sor.u32 $0x1C07, s12;
	s0 =	sadd.s32 $0x34400, s0;
	s25 =	smax.u32 s6, $0x1  }
0x11: {  	s8 =	simm.s32 $0x200;
	s12 =	simm.s32 $0x0;
	[dreg:$0xf] =	wrdreg s0  }
0x12: {  	s13 =	sshrl.u32 s1, $0x3;
	[dreg:$0x10] =	wrdreg s25;
	s0 =	sadd.s32 $0xFFFFFFFE, s24  }
0x13: {  	s26 =	sadd.s32 $0x200, s1;
	s15 =	sadd.s32 s11, s13;
	[dreg:$0x4] =	wrdreg s0  }
0x14: {  	s14 =	sadd.s32 $0x10, s13;
	s16 =	sadd.s32 s18, s13;
	[dreg:$0x7] =	wrdreg s15  }
0x15: {  	s29 =	sadd.s32 $0x280, s1;
	[dreg:$0x8] =	wrdreg s16;
	s17 =	sadd.s32 s11, s14  }
0x16: {  	s19 =	sadd.s32 $0x20, s13;
	s2 =	sadd.s32 s18, s14;
	[dreg:$0x9] =	wrdreg s17  }
0x17: {  	s20 =	sadd.s32 $0x30, s13;
	s21 =	sadd.s32 s11, s19;
	[dreg:$0xa] =	wrdreg s2  }
0x18: {  	s25 =	simm.s32 $0x2;
	s22 =	sadd.s32 s11, s20;
	[dreg:$0xb] =	wrdreg s21  }
0x19: {  	s0 =	simm.s32 $0x4280;
	s23 =	sadd.s32 s18, s20;
	[dreg:$0xd] =	wrdreg s22  }
0x1a: {  	s11 =	simm.s32 $0x5;
	s2 =	sadd.s32 s18, s19;
	[dreg:$0xe] =	wrdreg s23  }
0x1b: {  	s21 =	sshrl.u32 s26, $0x3;
	s22 =	sshrl.u32 s29, $0x3;
	s23 =	simm.s32 $0x7  }
0x1c: {  	s26 =	simm.s32 $0x80;
	[dreg:$0xc] =	wrdreg s2;
	s2 =	simm.s32 $0x4  }
.LBB2_1:
0x1d: {  	s1 =	rddreg [dreg:$0x5]  }
0x1e: {  	s29 =	rddreg [dreg:$0x6];
	s13 =	sshrl.u32 s1, $0x3  }
0x1f: {  	[spmem:s13], [sflag:s10] =	dma.local [hbm:s29], $0x2800  }
0x20: {  	_ =	swait.ge [sflag:s23], $0x2800  }
0x21: {  	[sflag:s23] =	ssyncset.done $0x0  }
0x22: {  	[sflag:s23] =	ssyncadd.s32 $0xFFFFD800  }
0x23: {  	[bflag:$0x0] =	sbarrier.arrive $0xFFFF  }
0x24: {  	s6 =	rddreg [dreg:$0x7]  }
0x25: {  	[tilespmem:s4], [sflag:$0x2] =	stream.linear.gather [hbm4b:s6+s4], $0x80, $0x38;
	[tilespmem:$0x1C280] =	vst v63  }
0x26: {  	s14 =	rddreg [dreg:$0x8];
	s6 =	simm.s32 $0x100  }
0x27: {  	[tilespmem:s6], [sflag:$0x4] =	stream.linear.gather [hbm4b:s14+s4], $0x80, $0x38;
	[tilespmem:$0x1C280] =	vst v63  }
0x28: {  	_ =	swait.ge [sflag:s25], $0x80  }
0x29: {  	[sflag:s25] =	ssyncset.done $0x0  }
0x2a: {  	[sflag:s25] =	ssyncadd.s32 $0xFFFFFF80  }
0x2b: {  	[tilespmem:s28], [sflag:$0x1] =	stream.indirect.gather [hbm4b:s7+s26], $0x80, s4, s26, $0xb8;
	[tilespmem:$0x1C280] =	vst v63  }
0x2c: {  	s15 =	rddreg [dreg:$0x9]  }
0x2d: {  	[tilespmem:s26], [sflag:$0x3] =	stream.linear.gather [hbm4b:s15+s4], $0x80, $0x38;
	[tilespmem:$0x1C280] =	vst v63  }
0x2e: {  	s14 =	simm.s32 $0x180;
	s16 =	rddreg [dreg:$0xa]  }
0x2f: {  	[tilespmem:s14], [sflag:$0x5] =	stream.linear.gather [hbm4b:s16+s4], $0x80, $0x38;
	[tilespmem:$0x1C280] =	vst v63  }
0x30: {  	_ =	swait.ge [sflag:s30], $0x4000  }
0x31: {  	[sflag:s30] =	ssyncset.done $0x0  }
0x32: {  	[sflag:s30] =	ssyncadd.s32 $0xFFFFC000  }
0x33: {  	_ =	swait.ge [sflag:s31], $0x80  }
0x34: {  	[sflag:s31] =	ssyncset.done $0x0  }
0x35: {  	[sflag:s31] =	ssyncadd.s32 $0xFFFFFF80  }
0x36: {  	[tilespmem:s0], [sflag:$0x1] =	stream.indirect.gather [hbm4b:s7+s26], $0x80, s26, s26, $0xb8;
	[tilespmem:$0x1C280] =	vst v63  }
0x37: {  	_ =	swait.ge [sflag:s2], $0x80  }
0x38: {  	[sflag:s2] =	ssyncset.done $0x0  }
0x39: {  	[sflag:s2] =	ssyncadd.s32 $0xFFFFFF80  }
0x3a: {  	v0 =	vld [tilespmem:$0x100]  }
0x3b: {  	v1 =	vld [tilespmem:$0x110]  }
0x3c: {  	v2 =	vld [tilespmem:$0x120]  }
0x3d: {  	v3 =	vld [tilespmem:$0x130]  }
0x3e: {  	v4 =	vld [tilespmem:$0x140]  }
0x3f: {  	[tilespmem:$0x200] =	vst v0;
	v0 =	vld [tilespmem:$0x150]  }
0x40: {  	[tilespmem:$0x210] =	vst v1;
	v1 =	vld [tilespmem:$0x160]  }
0x41: {  	[tilespmem:$0x220] =	vst v2;
	v2 =	vld [tilespmem:$0x170]  }
0x42: {  	[tilespmem:$0x230] =	vst v3  }
0x43: {  	[tilespmem:$0x240] =	vst v4  }
0x44: {  	[tilespmem:$0x250] =	vst v0  }
0x45: {  	[tilespmem:$0x260] =	vst v1  }
0x46: {  	[tilespmem:$0x270] =	vst v2  }
0x47: {  	[spmem:s3] =	stream.indirect.scatter.add.f32 [tilespmem:s28], [sflag:$0x6], $0x80, s8, s26, $0xb8;
	[tilespmem:$0x1C280] =	vst v63  }
0x48: {  	s17 =	rddreg [dreg:$0xb]  }
0x49: {  	[tilespmem:s4], [sflag:$0x2] =	stream.linear.gather [hbm4b:s17+s4], $0x80, $0x38;
	[tilespmem:$0x1C280] =	vst v63  }
0x4a: {  	s19 =	rddreg [dreg:$0xc]  }
0x4b: {  	[tilespmem:s6], [sflag:$0x4] =	stream.linear.gather [hbm4b:s19+s4], $0x80, $0x38;
	[tilespmem:$0x1C280] =	vst v63  }
0x4c: {  	_ =	swait.ge [sflag:s30], $0x4000  }
0x4d: {  	[sflag:s30] =	ssyncset.done $0x0  }
0x4e: {  	[sflag:s30] =	ssyncadd.s32 $0xFFFFC000  }
0x4f: {  	_ =	swait.ge [sflag:s25], $0x80  }
0x50: {  	[sflag:s25] =	ssyncset.done $0x0  }
0x51: {  	[sflag:s25] =	ssyncadd.s32 $0xFFFFFF80  }
0x52: {  	_ =	swait.ge [sflag:s9], $0x4000  }
0x53: {  	[sflag:s9] =	ssyncset.done $0x0  }
0x54: {  	[sflag:s9] =	ssyncadd.s32 $0xFFFFC000  }
0x55: {  	[tilespmem:s28], [sflag:$0x1] =	stream.indirect.gather [hbm4b:s7+s26], $0x80, s4, s26, $0xb8;
	[tilespmem:$0x1C280] =	vst v63  }
0x56: {  	_ =	swait.ge [sflag:s11], $0x80  }
0x57: {  	[sflag:s11] =	ssyncset.done $0x0  }
0x58: {  	[sflag:s11] =	ssyncadd.s32 $0xFFFFFF80  }
0x59: {  	v0 =	vld [tilespmem:$0x180]  }
0x5a: {  	v1 =	vld [tilespmem:$0x190]  }
0x5b: {  	v2 =	vld [tilespmem:$0x1A0]  }
0x5c: {  	v3 =	vld [tilespmem:$0x1B0]  }
0x5d: {  	v62 =	vld [tilespmem:$0x1C0]  }
0x5e: {  	[tilespmem:$0x200] =	vst v0;
	v0 =	vld [tilespmem:$0x1D0]  }
0x5f: {  	[tilespmem:$0x210] =	vst v1;
	v1 =	vld [tilespmem:$0x1E0]  }
0x60: {  	[tilespmem:$0x220] =	vst v2;
	v2 =	vld [tilespmem:$0x1F0]  }
0x61: {  	[tilespmem:$0x230] =	vst v3  }
0x62: {  	[tilespmem:$0x240] =	vst v62  }
0x63: {  	[tilespmem:$0x250] =	vst v0  }
0x64: {  	[tilespmem:$0x260] =	vst v1  }
0x65: {  	[tilespmem:$0x270] =	vst v2  }
0x66: {  	[spmem:s3] =	stream.indirect.scatter.add.f32 [tilespmem:s0], [sflag:$0x6], $0x80, s8, s26, $0xb8;
	[tilespmem:$0x1C280] =	vst v63  }
0x67: {  	s20 =	rddreg [dreg:$0xd]  }
0x68: {  	[tilespmem:s26], [sflag:$0x3] =	stream.linear.gather [hbm4b:s20+s4], $0x80, $0x38;
	[tilespmem:$0x1C280] =	vst v63  }
0x69: {  	s24 =	rddreg [dreg:$0xe]  }
0x6a: {  	[tilespmem:s14], [sflag:$0x5] =	stream.linear.gather [hbm4b:s24+s4], $0x80, $0x38;
	[tilespmem:$0x1C280] =	vst v63  }
0x6b: {  	_ =	swait.ge [sflag:s30], $0x4000  }
0x6c: {  	[sflag:s30] =	ssyncset.done $0x0  }
0x6d: {  	[sflag:s30] =	ssyncadd.s32 $0xFFFFC000  }
0x6e: {  	_ =	swait.ge [sflag:s31], $0x80  }
0x6f: {  	[sflag:s31] =	ssyncset.done $0x0  }
0x70: {  	[sflag:s31] =	ssyncadd.s32 $0xFFFFFF80  }
0x71: {  	_ =	swait.ge [sflag:s9], $0x4000  }
0x72: {  	[sflag:s9] =	ssyncset.done $0x0  }
0x73: {  	[sflag:s9] =	ssyncadd.s32 $0xFFFFC000  }
0x74: {  	[tilespmem:s0], [sflag:$0x1] =	stream.indirect.gather [hbm4b:s7+s26], $0x80, s26, s26, $0xb8;
	[tilespmem:$0x1C280] =	vst v63  }
0x75: {  	_ =	swait.ge [sflag:s2], $0x80  }
0x76: {  	[sflag:s2] =	ssyncset.done $0x0  }
0x77: {  	[sflag:s2] =	ssyncadd.s32 $0xFFFFFF80  }
0x78: {  	v0 =	vld [tilespmem:$0x170]  }
0x79: {  	v1 =	vld [tilespmem:$0x150]  }
0x7a: {  	v2 =	vld [tilespmem:$0x160]  }
0x7b: {  	v3 =	vld [tilespmem:$0x130]  }
0x7c: {  	v63 =	vld [tilespmem:$0x140]  }
0x7d: {  	v5 =	vld [tilespmem:$0x100];
	[tilespmem:$0x270] =	vst v0  }
0x7e: {  	v0 =	vld [tilespmem:$0x120];
	[tilespmem:$0x250] =	vst v1  }
0x7f: {  	v1 =	vld [tilespmem:$0x110];
	[tilespmem:$0x260] =	vst v2  }
0x80: {  	[tilespmem:$0x230] =	vst v3  }
0x81: {  	[tilespmem:$0x240] =	vst v63  }
0x82: {  	[tilespmem:$0x200] =	vst v5  }
0x83: {  	[tilespmem:$0x220] =	vst v0  }
0x84: {  	p0 =	sle.u32 s5, $0x4;
	s19 =	rddreg [dreg:$0x0];
	[tilespmem:$0x210] =	vst v1  }
0x85: {  	[spmem:s3] =	stream.indirect.scatter.add.f32 [tilespmem:s28], [sflag:$0x6], $0x80, s8, s26, $0xb8;
	[tilespmem:$0x1C280] =	vst v63  }
0x86: {  	s6 =	simm.s32 @!p0 $0x0;
	s1 =	sadd.s32 @!p0 s19, s21  }
0x87: {  	[tilespmem:s6], [sflag:$0x2] =	stream.linear.gather @!p0 [hbm4b:s1+s6], $0x80, $0x38;
	[tilespmem:$0x1C280] =	vst v63  }
0x88: {  	s14 =	simm.s32 @!p0 $0x100;
	s1 =	sadd.s32 @!p0 s18, s21  }
0x89: {  	[tilespmem:s14], [sflag:$0x4] =	stream.linear.gather @!p0 [hbm4b:s1+s6], $0x80, $0x38;
	[tilespmem:$0x1C280] =	vst v63  }
0x8a: {  	_ =	swait.ge [sflag:s30], $0x4000  }
0x8b: {  	[sflag:s30] =	ssyncset.done $0x0  }
0x8c: {  	[sflag:s30] =	ssyncadd.s32 $0xFFFFC000  }
0x8d: {  	_ =	swait.ge [sflag:s25], $0x80  }
0x8e: {  	[sflag:s25] =	ssyncset.done $0x0  }
0x8f: {  	[sflag:s25] =	ssyncadd.s32 $0xFFFFFF80  }
0x90: {  	_ =	swait.ge [sflag:s9], $0x4000  }
0x91: {  	[sflag:s9] =	ssyncset.done $0x0  }
0x92: {  	[sflag:s9] =	ssyncadd.s32 $0xFFFFC000  }
0x93: {  	[tilespmem:s28], [sflag:$0x1] =	stream.indirect.gather [hbm4b:s7+s26], $0x80, s4, s26, $0xb8;
	[tilespmem:$0x1C280] =	vst v63  }
0x94: {  	_ =	swait.ge [sflag:s11], $0x80  }
0x95: {  	s29 =	rddreg [dreg:$0x4]  }
0x96: {  	p0 =	sne.s32 s29, $0x2  }
.Ltmp0:
0x97: {  	_ = 	snop;
	(pc) =	sbr.rel @!p0 .LBB2_3-.Ltmp0, $4  }
0x98: {  	[sflag:s11] =	ssyncset.done $0x0  }
0x99: {  	[sflag:s11] =	ssyncadd.s32 $0xFFFFFF80  }
0x9a: {  	s15 =	simm.s32 $0x0;
	s17 =	simm.s32 $0x2;
	s16 =	smov.u32 s19;
	v0 =	vld [tilespmem:$0x180]  }
0x9b: {  	s14 =	smov.u32 s18;
	s1 =	smov.u32 s19;
	s6 =	smov.u32 s18;
	v1 =	vld [tilespmem:$0x190]  }
.LBB2_2:
0x9c: {  	v2 =	vld [tilespmem:$0x1F0]  }
0x9d: {  	v3 =	vld [tilespmem:$0x1B0]  }
0x9e: {  	v4 =	vld [tilespmem:$0x1E0]  }
0x9f: {  	v5 =	vld [tilespmem:$0x1A0];
	[tilespmem:$0x200] =	vst v0  }
0xa0: {  	v0 =	vld [tilespmem:$0x1D0];
	[tilespmem:$0x210] =	vst v1  }
0xa1: {  	v1 =	vld [tilespmem:$0x1C0];
	[tilespmem:$0x270] =	vst v2  }
0xa2: {  	[tilespmem:$0x230] =	vst v3  }
0xa3: {  	[tilespmem:$0x260] =	vst v4  }
0xa4: {  	[tilespmem:$0x220] =	vst v5  }
0xa5: {  	s20 =	smov.u32 s17;
	s24 =	sadd.s32 $0x5, s15;
	[tilespmem:$0x250] =	vst v0  }
0xa6: {  	s15 =	smov.u32 s20;
	p0 =	sge.u32 s24, s5;
	[tilespmem:$0x240] =	vst v1  }
0xa7: {  	[spmem:s3] =	stream.indirect.scatter.add.f32 [tilespmem:s0], [sflag:$0x6], $0x80, s8, s26, $0xb8;
	[tilespmem:$0x1C280] =	vst v63  }
0xa8: {  	s1 =	sadd.s32 @!p0 s1, s22;
	s20 =	simm.s32 @!p0 $0x0;
	s24 =	simm.s32 @!p0 $0x80  }
0xa9: {  	[tilespmem:s24], [sflag:$0x3] =	stream.linear.gather @!p0 [hbm4b:s1+s20], $0x80, $0x38;
	[tilespmem:$0x1C280] =	vst v63  }
0xaa: {  	s29 =	sadd.s32 @!p0 s6, s22;
	s19 =	simm.s32 @!p0 $0x180  }
0xab: {  	[tilespmem:s19], [sflag:$0x5] =	stream.linear.gather @!p0 [hbm4b:s29+s20], $0x80, $0x38;
	[tilespmem:$0x1C280] =	vst v63  }
0xac: {  	_ =	swait.ge [sflag:s30], $0x4000  }
0xad: {  	[sflag:s30] =	ssyncset.done $0x0  }
0xae: {  	[sflag:s30] =	ssyncadd.s32 $0xFFFFC000  }
0xaf: {  	_ =	swait.ge [sflag:s31], $0x80  }
0xb0: {  	[sflag:s31] =	ssyncset.done $0x0  }
0xb1: {  	[sflag:s31] =	ssyncadd.s32 $0xFFFFFF80  }
0xb2: {  	_ =	swait.ge [sflag:s9], $0x4000  }
0xb3: {  	[sflag:s9] =	ssyncset.done $0x0  }
0xb4: {  	[sflag:s9] =	ssyncadd.s32 $0xFFFFC000  }
0xb5: {  	[tilespmem:s0], [sflag:$0x1] =	stream.indirect.gather [hbm4b:s7+s26], $0x80, s26, s26, $0xb8;
	[tilespmem:$0x1C280] =	vst v63  }
0xb6: {  	_ =	swait.ge [sflag:s2], $0x80  }
0xb7: {  	[sflag:s2] =	ssyncset.done $0x0  }
0xb8: {  	[sflag:s2] =	ssyncadd.s32 $0xFFFFFF80  }
0xb9: {  	v0 =	vld [tilespmem:$0x170]  }
0xba: {  	v1 =	vld [tilespmem:$0x150]  }
0xbb: {  	v2 =	vld [tilespmem:$0x160]  }
0xbc: {  	v3 =	vld [tilespmem:$0x130]  }
0xbd: {  	v62 =	vld [tilespmem:$0x140]  }
0xbe: {  	v63 =	vld [tilespmem:$0x100];
	[tilespmem:$0x270] =	vst v0  }
0xbf: {  	v0 =	vld [tilespmem:$0x120];
	[tilespmem:$0x250] =	vst v1  }
0xc0: {  	v1 =	vld [tilespmem:$0x110];
	[tilespmem:$0x260] =	vst v2  }
0xc1: {  	[tilespmem:$0x230] =	vst v3  }
0xc2: {  	[tilespmem:$0x240] =	vst v62  }
0xc3: {  	[tilespmem:$0x200] =	vst v63  }
0xc4: {  	s24 =	sadd.s32 $0x4, s15;
	[tilespmem:$0x220] =	vst v0  }
0xc5: {  	s16 =	sadd.s32 $0x20, s16;
	p0 =	sge.u32 s24, s5;
	[tilespmem:$0x210] =	vst v1  }
0xc6: {  	[spmem:s3] =	stream.indirect.scatter.add.f32 [tilespmem:s28], [sflag:$0x6], $0x80, s8, s26, $0xb8;
	[tilespmem:$0x1C280] =	vst v63  }
0xc7: {  	s14 =	sadd.s32 $0x20, s14;
	s19 =	sadd.s32 @!p0 s16, s21;
	s20 =	simm.s32 @!p0 $0x0  }
0xc8: {  	[tilespmem:s20], [sflag:$0x2] =	stream.linear.gather @!p0 [hbm4b:s19+s20], $0x80, $0x38;
	[tilespmem:$0x1C280] =	vst v63  }
0xc9: {  	s24 =	simm.s32 @!p0 $0x100;
	s19 =	sadd.s32 @!p0 s14, s21  }
0xca: {  	[tilespmem:s24], [sflag:$0x4] =	stream.linear.gather @!p0 [hbm4b:s19+s20], $0x80, $0x38;
	[tilespmem:$0x1C280] =	vst v63  }
0xcb: {  	_ =	swait.ge [sflag:s30], $0x4000  }
0xcc: {  	[sflag:s30] =	ssyncset.done $0x0  }
0xcd: {  	[sflag:s30] =	ssyncadd.s32 $0xFFFFC000  }
0xce: {  	_ =	swait.ge [sflag:s25], $0x80  }
0xcf: {  	[sflag:s25] =	ssyncset.done $0x0  }
0xd0: {  	[sflag:s25] =	ssyncadd.s32 $0xFFFFFF80  }
0xd1: {  	_ =	swait.ge [sflag:s9], $0x4000  }
0xd2: {  	[sflag:s9] =	ssyncset.done $0x0  }
0xd3: {  	[sflag:s9] =	ssyncadd.s32 $0xFFFFC000  }
0xd4: {  	[tilespmem:s28], [sflag:$0x1] =	stream.indirect.gather [hbm4b:s7+s26], $0x80, s4, s26, $0xb8;
	[tilespmem:$0x1C280] =	vst v63  }
0xd5: {  	_ =	swait.ge [sflag:s11], $0x80  }
0xd6: {  	s17 =	sadd.s32 $0x2, s17;
	s29 =	rddreg [dreg:$0x4]  }
0xd7: {  	p0 =	sne.s32 s29, s17  }
.Ltmp1:
0xd8: {  	_ = 	snop;
	(pc) =	sbr.rel @p0 .LBB2_2-.Ltmp1, $4  }
0xd9: {  	[sflag:s11] =	ssyncset.done $0x0  }
0xda: {  	[sflag:s11] =	ssyncadd.s32 $0xFFFFFF80  }
0xdb: {  	v0 =	vld [tilespmem:$0x180]  }
0xdc: {  	s6 =	smov.u32 s14;
	s1 =	smov.u32 s16;
	v1 =	vld [tilespmem:$0x190]  }
.LBB2_3:
0xdd: {  	v2 =	vld [tilespmem:$0x1F0]  }
0xde: {  	v3 =	vld [tilespmem:$0x1B0]  }
0xdf: {  	v4 =	vld [tilespmem:$0x1E0]  }
0xe0: {  	v54 =	vld [tilespmem:$0x1D0];
	[tilespmem:$0x200] =	vst v0  }
0xe1: {  	v55 =	vld [tilespmem:$0x1C0];
	[tilespmem:$0x210] =	vst v1  }
0xe2: {  	v5 =	vld [tilespmem:$0x1A0];
	[tilespmem:$0x270] =	vst v2  }
0xe3: {  	[tilespmem:$0x230] =	vst v3  }
0xe4: {  	[tilespmem:$0x260] =	vst v4  }
0xe5: {  	[tilespmem:$0x250] =	vst v54  }
0xe6: {  	s14 =	sadd.s32 $0x5, s15;
	[tilespmem:$0x240] =	vst v55  }
0xe7: {  	p0 =	sge.u32 s14, s5;
	[tilespmem:$0x220] =	vst v5  }
0xe8: {  	[spmem:s3] =	stream.indirect.scatter.add.f32 [tilespmem:s0], [sflag:$0x6], $0x80, s8, s26, $0xb8;
	[tilespmem:$0x1C280] =	vst v63  }
0xe9: {  	s1 =	sadd.s32 @!p0 s1, s22;
	s14 =	simm.s32 @!p0 $0x0;
	s15 =	simm.s32 @!p0 $0x80  }
0xea: {  	[tilespmem:s15], [sflag:$0x3] =	stream.linear.gather @!p0 [hbm4b:s1+s14], $0x80, $0x38;
	[tilespmem:$0x1C280] =	vst v63  }
0xeb: {  	s1 =	sadd.s32 @!p0 s6, s22;
	s6 =	simm.s32 @!p0 $0x180  }
0xec: {  	[tilespmem:s6], [sflag:$0x5] =	stream.linear.gather @!p0 [hbm4b:s1+s14], $0x80, $0x38;
	[tilespmem:$0x1C280] =	vst v63  }
0xed: {  	_ =	swait.ge [sflag:s30], $0x4000  }
0xee: {  	[sflag:s30] =	ssyncset.done $0x0  }
0xef: {  	[sflag:s30] =	ssyncadd.s32 $0xFFFFC000  }
0xf0: {  	_ =	swait.ge [sflag:s9], $0x4000  }
0xf1: {  	[sflag:s9] =	ssyncset.done $0x0  }
0xf2: {  	[sflag:s9] =	ssyncadd.s32 $0xFFFFC000  }
0xf3: {  	_ =	swait.ge [sflag:s2], $0x80  }
0xf4: {  	[sflag:s2] =	ssyncset.done $0x0  }
0xf5: {  	[sflag:s2] =	ssyncadd.s32 $0xFFFFFF80  }
0xf6: {  	v56 =	vld [tilespmem:$0x100]  }
0xf7: {  	v57 =	vld [tilespmem:$0x110]  }
0xf8: {  	v58 =	vld [tilespmem:$0x120]  }
0xf9: {  	v59 =	vld [tilespmem:$0x130]  }
0xfa: {  	v60 =	vld [tilespmem:$0x140]  }
0xfb: {  	v61 =	vld [tilespmem:$0x150];
	[tilespmem:$0x200] =	vst v56  }
0xfc: {  	v62 =	vld [tilespmem:$0x160];
	[tilespmem:$0x210] =	vst v57  }
0xfd: {  	v63 =	vld [tilespmem:$0x170];
	[tilespmem:$0x220] =	vst v58  }
0xfe: {  	[tilespmem:$0x230] =	vst v59  }
0xff: {  	[tilespmem:$0x240] =	vst v60  }
0x100: {  	[tilespmem:$0x250] =	vst v61  }
0x101: {  	[tilespmem:$0x260] =	vst v62  }
0x102: {  	[tilespmem:$0x270] =	vst v63  }
0x103: {  	[spmem:s3] =	stream.indirect.scatter.add.f32 [tilespmem:s28], [sflag:$0x6], $0x80, s8, s26, $0xb8;
	[tilespmem:$0x1C280] =	vst v63  }
0x104: {  	_ =	swait.ge [sflag:s9], $0x4000  }
0x105: {  	[sflag:s9] =	ssyncset.done $0x0  }
0x106: {  	[sflag:s9] =	ssyncadd.s32 $0xFFFFC000  }
0x107: {  	[bflag:$0x0] =	sbarrier.arrive $0xFFFF  }
0x108: {  	s24 =	rddreg [dreg:$0xf]  }
0x109: {  	[hbm:s24], [sflag:s10] =	dma.local [spmem:s13], $0x2800  }
0x10a: {  	_ =	swait.ge [sflag:s23], $0x2800  }
0x10b: {  	s12 =	sadd.s32 $0x1, s12;
	s29 =	rddreg [dreg:$0x10]  }
0x10c: {  	p0 =	sne.s32 s12, s29  }
.Ltmp2:
0x10d: {  	_ = 	snop;
	(pc) =	sbr.rel @p0 .LBB2_1-.Ltmp2, $3  }
0x10e: {  	_ =	sdelay $0x1  }
0x10f: {  	[sflag:s23] =	ssyncset.done $0x0  }
0x110: {  	[sflag:s23] =	ssyncadd.s32 $0xFFFFD800  }
0x111: {  	_ =	sfence.sel $0x180000  }
0x112: {  	[bflag:$0x0] =	sbarrier.arrive $0xFFFF  }
0x113: {  	_ =	strace $0x9000004D  }
0x114: {  	s0 =	stileid.u32;
	[bflag:$0x2] =	sbarrier.arrive $0xFFFF  }
0x115: {  	p0 =	sne.s32 s0, $0x0;
	s0 =	rddreg [dreg:$0x3]  }
0x116: {  	s0 =	sadd.s32 @!p0 $0x100000, s0  }
0x117: {  	[sflag:s0] =	ssyncadd.tile.s32 @!p0 $0x1;
	_ =	shalt  }
.Lfunc_end2:
_tile_overlayer_lowered:
.L_overlay_start_2:
0x118: {  	(tag) =	ssettag $0x2  }
0x119: {  	s0 =	rddreg [dreg:$0x0];
	s2 =	stileid.u32  }
0x11a: {  	s1 =	rddreg [dreg:$0x1];
	p0 =	sne.s32 s2, $0x0  }
0x11b: {  	s3 =	rddreg [dreg:$0x2];
	[bflag:$0x3] =	sbarrier.arrive $0xFFFF;
	s2 =	simm.s32 @!p0 $0x1C07  }
0x11c: {  	[timem:s3], [sflag:s2] =	dma.local @!p0 [hbm:s0], s1  }
0x11d: {  	s0 =	simm.s32 @!p0 $0x7  }
0x11e: {  	_ =	swait.ge @!p0 [sflag:s0], s1  }
0x11f: {  	s1 =	ssub.s32 @!p0 $0x0, s1;
	[sflag:s0] =	ssyncset.done @!p0 $0x0  }
0x120: {  	[sflag:s0] =	ssyncadd.s32 @!p0 s1  }
0x121: {  	[bflag:$0x3] =	sbarrier.arrive $0xFFFF  }
0x122: {  	_ =	shalt  }

// kernel: kernel.8.cloned.1.call-start
scs
__scs_entry_jumppad:
0x0: {  	(pc) =	sbr.rel $0x88, $3  }
0x1: {  	(tag) =	ssettag $0x0;
	lr =	simm.s32 $0x1  }
0x2: {  	[smem:$0x3F9B] =	sst lr;
	_ =	strace $0xD0000000  }
0x3: {  	_ = 	snop  }
0x4: {  	_ = 	snop  }
0x5: {  	_ = 	snop  }
0x6: {  	_ = 	snop  }
0x7: {  	_ = 	snop  }
__scs_overlays_trampoline_lowered:
0x8: {  	[smem:$0x3FAA] =	sst s0  }
0x9: {  	[smem:$0x3FAB] =	sst s1  }
0xa: {  	[smem:$0x3FAC] =	sst s2  }
0xb: {  	[smem:$0x3FAD] =	sst s3  }
0xc: {  	[smem:$0x3FAE] =	sst s4  }
0xd: {  	[smem:$0x3FAF] =	sst s5  }
0xe: {  	[smem:$0x3FB0] =	sst s6  }
0xf: {  	[smem:$0x3FB1] =	sst s7  }
0x10: {  	[smem:$0x3FB2] =	sst s8  }
0x11: {  	[smem:$0x3FB3] =	sst s9;
	s0 =	simm.s32 @!p0 $0x0  }
0x12: {  	s1 =	sld [smem:$0x3F99];
	s0 =	simm.s32 @p0 $0x1  }
0x13: {  	[smem:$0x3FB4] =	sst s0;
	s0 =	simm.s32 @!p1 $0x0  }
0x14: {  	s2 =	sld [smem:$0x3F98];
	s0 =	simm.s32 @p1 $0x1  }
0x15: {  	[smem:$0x3FB5] =	sst s0;
	s0 =	simm.s32 @!p2 $0x0  }
0x16: {  	s3 =	sld [smem:$0x3FDB];
	s0 =	simm.s32 @p2 $0x1  }
0x17: {  	s4 =	simm.s32 $0x1BF5;
	[smem:$0x3FB7] =	sst s0  }
0x18: {  	s0 =	sld [smem:$0x3F9A];
	_ =	swait.ge [sflag:s4], $0x0  }
0x19: {  	s7 =	sld [smem:$0x3F9B]  }
0x1a: {  	s8 =	sadd.s32 $0xFFFFE003, lr  }
0x1b: {  	s9 =	sadd.s32 $0xFFFFFEF7, lr;
	s5 =	simm.s32 $0xFFFFFFFF;
	p2 =	slt.u32 s8, $0xFFFFF086  }
0x1c: {  	p1 =	slt.u32 s9, $0xF7A;
	s5 =	simm.s32 @!p2 $0x0  }
0x1d: {  	s5 =	simm.s32 @p1 $0x1;
	p0 =	seq.s32 s7, s2  }
0x1e: {  	s7 =	smul.u32 @!p0 $0xF7A, s2;
	p2 =	seq.s32 @!p0 s5, $0x0  }
0x1f: {  	s9 =	smul.u32 $0xF7A, s1;
	s8 =	simm.s32 @!p0 $0x1BF5;
	p2 =	por !p2, p0  }
0x20: {  	[sflag:s8] =	ssyncset.s32 @!p0 $0xFFFFF086;
	s6 =	sadd.s32 @!p0 s3, s7;
	s7 =	simm.s32 @!p0 $0x108  }
0x21: {  	s3 =	sadd.s32 s3, s9;
	s6 =	sadd.s32 @!p0 $0x88, s6;
	s7 =	simm.s32 @p2 $0x1082  }
0x22: {  	[simem:s7], [sflag:s8] =	dma.local @!p0 [hbm:s6], $0xF7A  }
0x23: {  	s9 =	sor.u32 $0xD0000000, s2;
	s6 =	simm.s32 $0x108;
	_ =	swait.ge @!p0 [sflag:s8], $0x0  }
0x24: {  	s3 =	sadd.s32 $0x88, s3;
	s6 =	simm.s32 @!p1 $0x1082;
	[sflag:s4] =	ssyncset.s32 $0xFFFFF086  }
0x25: {  	[simem:s6], [sflag:s4] =	dma.local [hbm:s3], $0xF7A  }
0x26: {  	[smem:$0x3F9B] =	sst s1;
	(tag) =	ssettag s2;
	_ =	strace s9  }
0x27: {  	s1 =	sld [smem:$0x3FAB]  }
0x28: {  	s2 =	sld [smem:$0x3FAC]  }
0x29: {  	s4 =	sld [smem:$0x3FAE]  }
0x2a: {  	p0 =	seq.s32 s5, $0x0;
	s5 =	sld [smem:$0x3FAF]  }
0x2b: {  	s6 =	sld [smem:$0x3FB0]  }
0x2c: {  	s7 =	sld [smem:$0x3FB1]  }
0x2d: {  	s3 =	simm.s32 $0x108;
	s8 =	sld [smem:$0x3FB2]  }
0x2e: {  	s3 =	simm.s32 @!p0 $0x1082;
	s9 =	sld [smem:$0x3FB3]  }
0x2f: {  	lr =	sadd.s32 s0, s3;
	s0 =	sld [smem:$0x3FAA]  }
0x30: {  	s3 =	sld [smem:$0x3FAD]  }
0x31: {  	[smem:$0x3FB6] =	sst s10  }
0x32: {  	s10 =	sld [smem:$0x3FB4];
	_ =	sdelay $0x3  }
0x33: {  	p0 =	seq.s32 s10, $0x1;
	s10 =	sld [smem:$0x3FB6];
	_ =	sdelay $0x3  }
0x34: {  	[smem:$0x3FB6] =	sst s10  }
0x35: {  	s10 =	sld [smem:$0x3FB5];
	_ =	sdelay $0x3  }
0x36: {  	p1 =	seq.s32 s10, $0x1;
	s10 =	sld [smem:$0x3FB6];
	_ =	sdelay $0x3  }
0x37: {  	[smem:$0x3FB6] =	sst s10  }
0x38: {  	s10 =	sld [smem:$0x3FB7]  }
0x39: {  	_ = 	snop;
	(pc) =	sbr.ind lr, $3  }
0x3a: {  	_ = 	snop  }
0x3b: {  	_ = 	snop  }
0x3c: {  	p2 =	seq.s32 s10, $0x1;
	s10 =	sld [smem:$0x3FB6]  }
0x3d: {  	_ =	shalt  }
0x3e: {  	_ =	shalt  }
0x3f: {  	_ =	shalt  }
0x40: {  	_ =	shalt  }
0x41: {  	_ =	shalt  }
0x42: {  	_ =	shalt  }
0x43: {  	_ =	shalt  }
0x44: {  	_ =	shalt  }
0x45: {  	_ =	shalt  }
0x46: {  	_ =	shalt  }
0x47: {  	_ =	shalt  }
0x48: {  	_ =	shalt  }
0x49: {  	_ =	shalt  }
0x4a: {  	_ =	shalt  }
0x4b: {  	_ =	shalt  }
0x4c: {  	_ =	shalt  }
0x4d: {  	_ =	shalt  }
0x4e: {  	_ =	shalt  }
0x4f: {  	_ =	shalt  }
0x50: {  	_ =	shalt  }
0x51: {  	_ =	shalt  }
0x52: {  	_ =	shalt  }
0x53: {  	_ =	shalt  }
0x54: {  	_ =	shalt  }
0x55: {  	_ =	shalt  }
0x56: {  	_ =	shalt  }
0x57: {  	_ =	shalt  }
0x58: {  	_ =	shalt  }
0x59: {  	_ =	shalt  }
0x5a: {  	_ =	shalt  }
0x5b: {  	_ =	shalt  }
0x5c: {  	_ =	shalt  }
0x5d: {  	_ =	shalt  }
0x5e: {  	_ =	shalt  }
0x5f: {  	_ =	shalt  }
0x60: {  	_ =	shalt  }
0x61: {  	_ =	shalt  }
0x62: {  	_ =	shalt  }
0x63: {  	_ =	shalt  }
0x64: {  	_ =	shalt  }
0x65: {  	_ =	shalt  }
0x66: {  	_ =	shalt  }
0x67: {  	_ =	shalt  }
0x68: {  	_ =	shalt  }
0x69: {  	_ =	shalt  }
0x6a: {  	_ =	shalt  }
0x6b: {  	_ =	shalt  }
0x6c: {  	_ =	shalt  }
0x6d: {  	_ =	shalt  }
0x6e: {  	_ =	shalt  }
0x6f: {  	_ =	shalt  }
0x70: {  	_ =	shalt  }
0x71: {  	_ =	shalt  }
0x72: {  	_ =	shalt  }
0x73: {  	_ =	shalt  }
0x74: {  	_ =	shalt  }
0x75: {  	_ =	shalt  }
0x76: {  	_ =	shalt  }
0x77: {  	_ =	shalt  }
0x78: {  	_ =	shalt  }
0x79: {  	_ =	shalt  }
0x7a: {  	_ =	shalt  }
0x7b: {  	_ =	shalt  }
0x7c: {  	_ =	shalt  }
0x7d: {  	_ =	shalt  }
0x7e: {  	_ =	shalt  }
0x7f: {  	_ =	shalt  }
0x80: {  	_ =	shalt  }
0x81: {  	_ =	shalt  }
0x82: {  	_ =	shalt  }
0x83: {  	_ =	shalt  }
0x84: {  	_ =	shalt  }
0x85: {  	_ =	shalt  }
0x86: {  	_ =	shalt  }
0x87: {  	_ =	shalt  }
.Lfunc_end0:
.L_simem_size_0:
called_computation_lowered:
.L_overlay_start_0:
0x88: {  	s2 =	sld [smem:$0x3FD9]  }
0x89: {  	s3 =	sld [smem:$0x3FFE];
	_ =	sdelay $0x1  }
0x8a: {  	s1 =	srdreg.scid  }
0x8b: {  	s0 =	sand.u32 $0x1, s1  }
0x8c: {  	s16 =	sshll.u32 s0, $0xA;
	s2 =	sadd.s32 s3, s2  }
0x8d: {  	s2 =	sadd.s32 s2, s16  }
0x8e: {  	[smem:$0x3FC2] =	sst s2  }
0x8f: {  	_ = 	snop  }
0x90: {  	(tm) =	ssettm $0x1  }
0x91: {  	s17 =	sld [smem:$0x3FFB];
	_ =	sdelay $0x3  }
0x92: {  	_ =	strace s17  }
0x93: {  	s2 =	sld [smem:$0x3FFC];
	_ =	sdelay $0x3  }
0x94: {  	_ =	strace s2  }
0x95: {  	s2 =	sld [smem:$0x3FFD];
	_ =	sdelay $0x3  }
0x96: {  	_ =	strace s2  }
0x97: {  	_ =	strace $0x8FFFFFFF  }
0x98: {  	s18 =	sld [smem:$0x3FDB];
	_ =	sdelay $0x1  }
0x99: {  	s19 =	simm.s32 $_scs_section_size  }
0x9a: {  	s4 =	simm.s32 $_size__tile_overlayer_lowered;
	s5 =	simm.s32 $_tile_overlayer_lowered  }
0x9b: {  	s22 =	simm.s32 $0x1BFF;
	s21 =	sshll.u32 s5, $0x1;
	s2 =	sadd.s32 s19, s18  }
0x9c: {  	s6 =	simm.s32 $0x0;
	s20 =	sshll.u32 s4, $0x1;
	s4 =	sadd.s32 s21, s2  }
0x9d: {  	[timem:s6], [sflag:s22] =	dma.local [hbm:s4], s20  }
0x9e: {  	_ =	swait.ge [sflag:s22], s20  }
0x9f: {  	s3 =	ssub.s32 $0x0, s20;
	[sflag:s22] =	ssyncset.done $0x0  }
0xa0: {  	[sflag:s22] =	ssyncadd.s32 s3;
	_ =	sdelay $0x1  }
0xa1: {  	s23 =	simm.s32 $0x1B8B  }
0xa2: {  	_ =	swait.ge [sflag:s23], $0x1  }
0xa3: {  	[sflag:s23] =	ssyncset.done $0x0  }
0xa4: {  	s25 =	simm.s32 $0x1B8E;
	s24 =	sld [smem:$0x3FFE];
	[sflag:s23] =	ssyncadd.s32 $0xFFFFFFFF  }
0xa5: {  	s26 =	simm.s32 $execute0_lowered;
	[smem:$0x3FD2] =	sst s25  }
0xa6: {  	s4 =	sshll.u32 s26, $0x1;
	_ =	strace $0x80000046;
	[dreg:$0x1] =	wrdreg $0xFFFFFFFF  }
0xa7: {  	s28 =	simm.s32 $_size_execute0_lowered;
	s2 =	sadd.s32 s2, s4;
	[dreg:$0x0] =	wrdreg $0x0  }
0xa8: {  	s4 =	sshll.u32 s28, $0x1;
	[dreg:$0x2] =	wrdreg s2  }
0xa9: {  	[dreg:$0x3] =	wrdreg s4  }
0xaa: {  	[dreg:$0x4] =	wrdreg $0xC0  }
0xab: {  	_ =	task [dreg:s6], $0x5FFFF  }
0xac: {  	[dreg:$0x1] =	wrdreg $0xFFFFFFFF  }
0xad: {  	[dreg:$0x0] =	wrdreg $0x60  }
0xae: {  	[dreg:$0x2] =	wrdreg s24  }
0xaf: {  	[dreg:$0x3] =	wrdreg $0x93800  }
0xb0: {  	[dreg:$0x4] =	wrdreg $0x9  }
0xb1: {  	_ =	task.clear_ibuf [dreg:s6], $0x5FFFF;
	_ =	strace $0x90000046  }
0xb2: {  	s29 =	simm.s32 $0x9;
	_ =	strace $0x80000048  }
0xb3: {  	_ =	swait.ge [sflag:s29], $0x1  }
0xb4: {  	[sflag:s29] =	ssyncadd.s32 $0xFFFFFFFF  }
0xb5: {  	_ =	strace $0x90000048  }
0xb6: {  	_ =	sfence  }
0xb7: {  	s30 =	sld [smem:$0x0];
	_ =	sdelay $0x2  }
0xb8: {  	s31 =	sshll.u32 s1, $0xD;
	s1 =	sshrl.u32 s1, $0x2  }
0xb9: {  	s3 =	sand.u32 $0x4000, s31;
	s1 =	sadd.s32 s1, s30  }
0xba: {  	s0 =	sor.u32 s3, s0;
	s1 =	sshll.u32 s1, $0x11  }
0xbb: {  	s0 =	sor.u32 s1, s0  }
0xbc: {  	s0 =	sadd.s32 $0x8F2B, s0  }
0xbd: {  	[sflag:s0] =	ssyncadd.remote.s32 $0x1  }
0xbe: {  	_ =	sfence.sel $0xFFFF  }
0xbf: {  	[dreg:$0x0] =	wrdreg $0xFFFFFFFF;
	(pc) =	sbr.abs _section_cstart, $3  }
0xc0: {  	[dreg:$0x1] =	wrdreg $0xFFFFFFFF  }
0xc1: {  	_ =	task.clear_ibuf [dreg:s6], $0x2FFFF;
	_ =	strace $0x9FFFFFFF  }
0xc2: {  	(tm) =	ssettm $0x7FFFFFFF  }
0xc3: {  	_ =	shalt  }
tec
execute0_lowered:
.L_overlay_start_1:
0x0: {  	(tag) =	ssettag $0x1  }
0x1: {  	s3 =	rddreg [dreg:$0x0]  }
0x2: {  	s5 =	rddreg [dreg:$0x1]  }
0x3: {  	s0 =	rddreg [dreg:$0x2];
	s2 =	simm.s32 $0x0;
	s1 =	srdreg.scid  }
0x4: {  	s11 =	simm.s32 $0x400;
	s12 =	simm.s32 $0x2000;
	s13 =	simm.s32 $0x14000  }
0x5: {  	s14 =	simm.s32 $0x4F80;
	s15 =	simm.s32 $0x8F80;
	s16 =	simm.s32 $0x0  }
0x6: {  	[smem:$0x7FF] =	sst s2;
	s4 =	sand.u32 $0x1, s1;
	s1 =	stileid.u32  }
0x7: {  	s6 =	sshll.u32 s4, $0x4;
	s7 =	smul.u32 $0x2800, s4;
	_ =	strace $0x80000047  }
0x8: {  	s8 =	sshll.u32 s1, $0xA;
	s26 =	sshrl.u32 s1, $0x3;
	s4 =	ssub.s32 $0x2, s4  }
0x9: {  	s29 =	sshll.u32 s1, $0x7;
	s10 =	sshll.u32 s1, $0xD;
	s6 =	sor.u32 s1, s6  }
0xa: {  	p0 =	sgt.u32 s1, $0x9;
	s28 =	sshrl.u32 s4, $0x1;
	s6 =	smul.u32 $0x4F0, s6  }
0xb: {  	s31 =	sand.u32 $0x380, s29;
	s7 =	sadd.s32 s8, s7;
	s8 =	smul.u32 $0x50000, s26  }
.Ltmp0:
0xc: {  	s9 =	ssub.s32 s4, s28;
	s7 =	sshrl.u32 s7, $0x3;
	(pc) =	sbr.rel .LBB2_1-.Ltmp0, $4  }
0xd: {  	s6 =	sadd.s32 s6, s3;
	s7 =	sadd.s32 s7, s3;
	s30 =	sshrl.u32 s8, $0x2  }
0xe: {  	s8 =	simm.s32 $0x1;
	s4 =	sadd.s32 s30, s5;
	s3 =	sadd.s32 $0x2600, s6  }
0xf: {  	s5 =	sadd.s32 s10, s5;
	s6 =	sadd.s32 $0xC400, s7;
	s7 =	smax.u32 s9, $0x1  }
0x10: {  	v0 =	vimm.f32 $0.0e+00;
	v1 =	vimm.f32 $1.000000000e+00;
	s9 =	simm.s32 $0x2780;
	s10 =	simm.s32 $0x80;
	s4 =	sadd.s32 s31, s4  }
.LBB2_8:
0x11: {  	v2 =	vld [tilespmem:s18+$0x5000]  }
0x12: {  	v3 =	vld [tilespmem:s18+$0x4F80];
	_ =	sdelay $0x1  }
0x13: {  	v4 =	vld [tilespmem:s18+$0x5080];
	_ =	sdelay $0x1  }
0x14: {  	v5 =	vld [tilespmem:s18+$0x5100]  }
0x15: {  	v2 =	vadd.f32 v2, v3  }
0x16: {  	v3 =	vld [tilespmem:s18+$0x5180]  }
0x17: {  	v2 =	vadd.f32 v4, v2  }
0x18: {  	v56 =	vld [tilespmem:s18+$0x5200]  }
0x19: {  	v2 =	vadd.f32 v5, v2  }
0x1a: {  	v57 =	vld [tilespmem:s18+$0x5280]  }
0x1b: {  	v2 =	vadd.f32 v3, v2  }
0x1c: {  	v3 =	vld [tilespmem:s18+$0x5300]  }
0x1d: {  	v2 =	vadd.f32 v56, v2  }
0x1e: {  	v58 =	vld [tilespmem:s18+$0x6F80]  }
0x1f: {  	v2 =	vadd.f32 v57, v2  }
0x20: {  	v59 =	vld [tilespmem:s18+$0x7000]  }
0x21: {  	v2 =	vadd.f32 v3, v2  }
0x22: {  	v3 =	vld [tilespmem:s18+$0x7080]  }
0x23: {  	v2 =	vadd.f32 v58, v2  }
0x24: {  	v60 =	vld [tilespmem:s18+$0x7100]  }
0x25: {  	v2 =	vadd.f32 v59, v2  }
0x26: {  	v61 =	vld [tilespmem:s18+$0x7180]  }
0x27: {  	v2 =	vadd.f32 v3, v2  }
0x28: {  	v3 =	vld [tilespmem:s18+$0x7200]  }
0x29: {  	v2 =	vadd.f32 v60, v2  }
0x2a: {  	v62 =	vld [tilespmem:s18+$0x7280]  }
0x2b: {  	v2 =	vadd.f32 v61, v2  }
0x2c: {  	v63 =	vld [tilespmem:s18+$0x7300]  }
0x2d: {  	v2 =	vadd.f32 v3, v2;
	_ =	sdelay $0x1  }
0x2e: {  	v2 =	vadd.f32 v62, v2;
	_ =	sdelay $0x1  }
0x2f: {  	v2 =	vadd.f32 v63, v2  }
0x30: {  	s17 =	sadd.s32 $0x10, s17  }
0x31: {  	[tilespmem:s17+$0x0] =	vst v2  }
0x32: {  	[hbm4b:s6+s2] =	stream.linear.scatter [tilespmem:s15], [sflag:$0x1], $0x400, $0x38;
	[tilespmem:$0xBB80] =	vst v63  }
0x33: {  	_ =	swait.ge [sflag:s8], $0x400  }
0x34: {  	[sflag:s8] =	ssyncset.done $0x0  }
0x35: {  	[sflag:s8] =	ssyncadd.s32 $0xFFFFFC00  }
.LBB2_9:
0x36: {  	s16 =	sadd.s32 $0x1, s16  }
0x37: {  	p1 =	sne.s32 s16, s7  }
.Ltmp1:
0x38: {  	_ = 	snop;
	(pc) =	sbr.rel @!p1 .LBB2_10-.Ltmp1, $1  }
0x39: {  	_ =	sdelay $0x3  }
.LBB2_1:
0x3a: {  	s17 =	simm.s32 $0x40;
	s18 =	simm.s32 $0x0  }
.LBB2_2:
0x3b: {  	p1 =	sne.s32 s17, $0x9FC0;
	[tilespmem:s18+$0x2780] =	vst v0;
	s18 =	smov.u32 s17;
	s17 =	sadd.s32 $0x40, s17  }
.Ltmp2:
0x3c: {  	(pc) =	sbr.rel @p1 .LBB2_2-.Ltmp2, $2  }
0x3d: {  	_ =	sdelay $0x2  }
0x3e: {  	s18 =	sshra.s32 s18, $0x2  }
0x3f: {  	[tilespmem:s18+$0x2780] =	vst v0;
	s17 =	simm.s32 $0x0  }
0x40: {  	[tilespmem:s17], [sflag:$0x1] =	stream.linear.gather [hbm4b:s3+s17], $0x2780, $0x38;
	[tilespmem:$0xBB80] =	vst v63  }
0x41: {  	_ =	swait.ge [sflag:s8], $0x2780  }
0x42: {  	[sflag:s8] =	ssyncset.done $0x0  }
0x43: {  	[sflag:s8] =	ssyncadd.s32 $0xFFFFD880  }
.LBB2_4:
0x44: {  	s18 =	sshra.s32 s17, $0x2  }
0x45: {  	v2 =	vld [tilespmem:s18+$0x0];
	_ =	sdelay $0x7  }
0x46: {  	[tilespmem:v2+s9+$0x0] =	vst.idx.add.f32.msk $0xffff, v1  }
0x47: {  	v2 =	vld [tilespmem:s18+$0x10];
	_ =	sdelay $0x7  }
0x48: {  	[tilespmem:v2+s9+$0x0] =	vst.idx.add.f32.msk $0xffff, v1  }
0x49: {  	v2 =	vld [tilespmem:s18+$0x20];
	_ =	sdelay $0x7  }
0x4a: {  	[tilespmem:v2+s9+$0x0] =	vst.idx.add.f32.msk $0xffff, v1  }
0x4b: {  	v2 =	vld [tilespmem:s18+$0x30];
	_ =	sdelay $0x7  }
0x4c: {  	[tilespmem:v2+s9+$0x0] =	vst.idx.add.f32.msk $0xffff, v1  }
0x4d: {  	v2 =	vld [tilespmem:s18+$0x40];
	_ =	sdelay $0x7  }
0x4e: {  	[tilespmem:v2+s9+$0x0] =	vst.idx.add.f32.msk $0xffff, v1  }
0x4f: {  	v2 =	vld [tilespmem:s18+$0x50];
	_ =	sdelay $0x7  }
0x50: {  	[tilespmem:v2+s9+$0x0] =	vst.idx.add.f32.msk $0xffff, v1  }
0x51: {  	v2 =	vld [tilespmem:s18+$0x60];
	_ =	sdelay $0x7  }
0x52: {  	[tilespmem:v2+s9+$0x0] =	vst.idx.add.f32.msk $0xffff, v1  }
0x53: {  	v2 =	vld [tilespmem:s18+$0x70];
	_ =	sdelay $0x2  }
0x54: {  	p1 =	sne.s32 s17, $0x9C00  }
.Ltmp3:
0x55: {  	_ = 	snop;
	(pc) =	sbr.rel @p1 .LBB2_4-.Ltmp3, $2  }
0x56: {  	_ =	sdelay $0x2  }
0x57: {  	s17 =	sadd.s32 $0x200, s17;
	[tilespmem:v2+s9+$0x0] =	vst.idx.add.f32.msk $0xffff, v1  }
0x58: {  	[spmem:s4] =	stream.strided.scatter [tilespmem:s9], [sflag:$0x1], $0x2800, s11, s10, $0x38;
	[tilespmem:$0xBB80] =	vst v63  }
.Ltmp4:
0x59: {  	_ =	swait.ge [sflag:s8], $0x2800;
	(pc) =	sbr.rel @p0 .LBB2_9-.Ltmp4, $3  }
0x5a: {  	[sflag:s8] =	ssyncset.done $0x0  }
0x5b: {  	[sflag:s8] =	ssyncadd.s32 $0xFFFFD800  }
0x5c: {  	[bflag:$0x0] =	sbarrier.arrive $0xFFFF;
	_ =	sdelay $0x1  }
0x5d: {  	[tilespmem:s14], [sflag:$0x1] =	stream.strided.gather [spmem:s5], $0x4000, s13, s12, $0x38;
	[tilespmem:$0xBB80] =	vst v63  }
0x5e: {  	s17 =	simm.s32 $0x0;
	_ =	swait.ge [sflag:s8], $0x4000  }
0x5f: {  	s18 =	sand.u32 $0x70, s17;
	s17 =	sand.u32 $0x1C00, s17;
	[sflag:s8] =	ssyncset.done $0x0  }
0x60: {  	s17 =	sor.u32 s18, s17;
	[sflag:s8] =	ssyncadd.s32 $0xFFFFC000  }
0x61: {  	v2 =	vld [tilespmem:s17+$0x5000]  }
0x62: {  	v3 =	vld [tilespmem:s17+$0x4F80];
	_ =	sdelay $0x1  }
0x63: {  	v4 =	vld [tilespmem:s17+$0x5080];
	_ =	sdelay $0x1  }
0x64: {  	v5 =	vld [tilespmem:s17+$0x5100]  }
0x65: {  	v2 =	vadd.f32 v2, v3  }
0x66: {  	v3 =	vld [tilespmem:s17+$0x5180]  }
0x67: {  	v2 =	vadd.f32 v4, v2  }
0x68: {  	v56 =	vld [tilespmem:s17+$0x5200]  }
0x69: {  	v2 =	vadd.f32 v5, v2  }
0x6a: {  	v57 =	vld [tilespmem:s17+$0x5280]  }
0x6b: {  	v2 =	vadd.f32 v3, v2  }
0x6c: {  	v3 =	vld [tilespmem:s17+$0x5300]  }
0x6d: {  	v2 =	vadd.f32 v56, v2  }
0x6e: {  	v58 =	vld [tilespmem:s17+$0x6F80]  }
0x6f: {  	v2 =	vadd.f32 v57, v2  }
0x70: {  	v59 =	vld [tilespmem:s17+$0x7000]  }
0x71: {  	v2 =	vadd.f32 v3, v2  }
0x72: {  	v3 =	vld [tilespmem:s17+$0x7080]  }
0x73: {  	v2 =	vadd.f32 v58, v2  }
0x74: {  	v60 =	vld [tilespmem:s17+$0x7100]  }
0x75: {  	v2 =	vadd.f32 v59, v2  }
0x76: {  	v61 =	vld [tilespmem:s17+$0x7180]  }
0x77: {  	v2 =	vadd.f32 v3, v2  }
0x78: {  	v3 =	vld [tilespmem:s17+$0x7200]  }
0x79: {  	v2 =	vadd.f32 v60, v2  }
0x7a: {  	v62 =	vld [tilespmem:s17+$0x7280]  }
0x7b: {  	v2 =	vadd.f32 v61, v2  }
0x7c: {  	v63 =	vld [tilespmem:s17+$0x7300]  }
0x7d: {  	v2 =	vadd.f32 v3, v2;
	_ =	sdelay $0x1  }
0x7e: {  	v2 =	vadd.f32 v62, v2;
	_ =	sdelay $0x1  }
0x7f: {  	s31 =	simm.s32 $0x10;
	s19 =	simm.s32 $0x80;
	v2 =	vadd.f32 v63, v2  }
0x80: {  	s20 =	sand.u32 $0x1C00, s19;
	s18 =	sand.u32 $0x70, s31;
	s17 =	simm.s32 $0x8F80  }
0x81: {  	s18 =	sor.u32 s18, s20;
	s20 =	simm.s32 $0x20;
	[tilespmem:s17+$0x0] =	vst v2  }
.LBB2_7:
0x82: {  	p1 =	sne.s32 s20, $0x3F0;
	v2 =	vld [tilespmem:s18+$0x5000]  }
0x83: {  	v3 =	vld [tilespmem:s18+$0x4F80];
	_ =	sdelay $0x1  }
0x84: {  	v4 =	vld [tilespmem:s18+$0x5080];
	_ =	sdelay $0x1  }
0x85: {  	v5 =	vld [tilespmem:s18+$0x5100]  }
0x86: {  	v2 =	vadd.f32 v2, v3  }
0x87: {  	v3 =	vld [tilespmem:s18+$0x5180]  }
0x88: {  	v2 =	vadd.f32 v4, v2  }
0x89: {  	v4 =	vld [tilespmem:s18+$0x5200]  }
0x8a: {  	v2 =	vadd.f32 v5, v2  }
0x8b: {  	v5 =	vld [tilespmem:s18+$0x5280]  }
0x8c: {  	v2 =	vadd.f32 v3, v2  }
0x8d: {  	v3 =	vld [tilespmem:s18+$0x5300]  }
0x8e: {  	v2 =	vadd.f32 v4, v2  }
0x8f: {  	v4 =	vld [tilespmem:s18+$0x6F80]  }
0x90: {  	v2 =	vadd.f32 v5, v2  }
0x91: {  	v5 =	vld [tilespmem:s18+$0x7000]  }
0x92: {  	v2 =	vadd.f32 v3, v2  }
0x93: {  	v3 =	vld [tilespmem:s18+$0x7080]  }
0x94: {  	v2 =	vadd.f32 v4, v2  }
0x95: {  	v4 =	vld [tilespmem:s18+$0x7100]  }
0x96: {  	v2 =	vadd.f32 v5, v2  }
0x97: {  	v5 =	vld [tilespmem:s18+$0x7180]  }
0x98: {  	v2 =	vadd.f32 v3, v2  }
0x99: {  	v3 =	vld [tilespmem:s18+$0x7200]  }
0x9a: {  	v2 =	vadd.f32 v4, v2  }
0x9b: {  	v4 =	vld [tilespmem:s18+$0x7280]  }
0x9c: {  	v2 =	vadd.f32 v5, v2  }
0x9d: {  	v5 =	vld [tilespmem:s18+$0x7300]  }
0x9e: {  	v2 =	vadd.f32 v3, v2;
	_ =	sdelay $0x1  }
.Ltmp5:
0x9f: {  	v2 =	vadd.f32 v4, v2;
	(pc) =	sbr.rel @p1 .LBB2_7-.Ltmp5, $4  }
0xa0: {  	_ = 	snop  }
0xa1: {  	s19 =	sadd.s32 $0x80, s19;
	v2 =	vadd.f32 v5, v2  }
0xa2: {  	s17 =	sadd.s32 $0x10, s17;
	s21 =	sand.u32 $0x1C00, s19;
	s18 =	sand.u32 $0x70, s20  }
0xa3: {  	s20 =	sadd.s32 $0x10, s20;
	s18 =	sor.u32 s18, s21;
	[tilespmem:s17+$0x0] =	vst v2  }
.Ltmp6:
0xa4: {  	_ = 	snop;
	(pc) =	sbr.rel .LBB2_8-.Ltmp6, $1  }
0xa5: {  	_ =	sdelay $0x3  }
.LBB2_10:
0xa6: {  	_ =	sfence.sel $0x180000  }
0xa7: {  	[bflag:$0x0] =	sbarrier.arrive $0xFFFF  }
0xa8: {  	p0 =	sne.s32 s1, $0x0;
	_ =	strace $0x90000047  }
0xa9: {  	s0 =	sadd.s32 @!p0 $0x100000, s0;
	[bflag:$0x2] =	sbarrier.arrive $0xFFFF  }
0xaa: {  	[sflag:s0] =	ssyncadd.tile.s32 @!p0 $0x1;
	_ =	shalt  }
.Lfunc_end2:
_tile_overlayer_lowered:
.L_overlay_start_2:
0xab: {  	(tag) =	ssettag $0x2  }
0xac: {  	s0 =	rddreg [dreg:$0x0];
	s2 =	stileid.u32  }
0xad: {  	s1 =	rddreg [dreg:$0x1];
	p0 =	sne.s32 s2, $0x0  }
0xae: {  	s3 =	rddreg [dreg:$0x2];
	[bflag:$0x3] =	sbarrier.arrive $0xFFFF;
	s2 =	simm.s32 @!p0 $0x1C01  }
0xaf: {  	[timem:s3], [sflag:s2] =	dma.local @!p0 [hbm:s0], s1  }
0xb0: {  	s0 =	simm.s32 @!p0 $0x1  }
0xb1: {  	_ =	swait.ge @!p0 [sflag:s0], s1  }
0xb2: {  	s1 =	ssub.s32 @!p0 $0x0, s1;
	[sflag:s0] =	ssyncset.done @!p0 $0x0  }
0xb3: {  	[sflag:s0] =	ssyncadd.s32 @!p0 s1  }
0xb4: {  	[bflag:$0x3] =	sbarrier.arrive $0xFFFF  }
0xb5: {  	_ =	shalt  }

</sc_bundles>
